<compile_context>
chip_gen: v7x
topology: tpu7x:2x2x1
jax: 0.10.2.dev20260603
libtpu: 0.0.44.dev20260713+nightly
codegen_flags: <defaults>
</compile_context>

<pallas_src>
import functools

import jax
from jax import lax
import jax.numpy as jnp
from jax.experimental import pallas as pl
from jax.experimental.pallas import tpu as pltpu
from jax.experimental.pallas import tpu_sc as plsc



def _stream_body(sa_ref, ia_ref, sb_ref, ib_ref,
                 ma_ref, mia_ref, mb_ref, mib_ref):
    sa = sa_ref[0]
    sb = sb_ref[0]
    ma_ref[0] = sa
    mb_ref[0] = sb
    wa = sa[0] + sa[1] + sa[2] + sa[3]
    wb = sb[0] + sb[1] + sb[2] + sb[3]
    mia_ref[0] = wa[None, :, :] * ia_ref[0]
    mib_ref[0] = wb[None, :, :] * ib_ref[0]



_SC_SROWS = 8


def _sc_sample_body(dims, sa_ref, sb_ref, fl_ref, buf, out_v, sem):
    B, NC, H, W = dims
    wid = lax.axis_index("s") * 2 + lax.axis_index("c")
    arr = wid % 2
    b_idx = (wid // 2) % B
    band = wid // (2 * B)
    row0 = band * _SC_SROWS

    @pl.when(arr == 0)
    def _():
        cp = pltpu.make_async_copy(
            sa_ref.at[b_idx, :, pl.ds(row0, _SC_SROWS), :], buf, sem)
        cp.start()
        cp.wait()

    @pl.when(arr == 1)
    def _():
        cp = pltpu.make_async_copy(
            sb_ref.at[b_idx, :, pl.ds(row0, _SC_SROWS), :], buf, sem)
        cp.start()
        cp.wait()

    zeros = jnp.zeros((16,), jnp.float32)
    ones = zeros + 1.0

    def row_step(r, accs):
        accs = list(accs)
        for j in range(W // 16):
            s = [buf[c, r, pl.ds(j * 16, 16)] for c in range(NC)]
            for c in range(NC):
                is_lab = None
                for k in range(NC):
                    if k == c:
                        continue
                    cmp = (s[c] > s[k]) if k < c else (s[c] >= s[k])
                    is_lab = cmp if is_lab is None else jnp.logical_and(is_lab, cmp)
                accs[c] = jnp.maximum(accs[c], jnp.where(is_lab, ones, zeros))
        return tuple(accs)

    accs = lax.fori_loop(0, _SC_SROWS, row_step,
                         tuple(zeros for _ in range(NC)))

    lanes = lax.broadcasted_iota(jnp.int32, (16,), 0)
    out = zeros
    for c in range(NC):
        fc = lax.reduce_max(accs[c], (0,))
        out = jnp.where(lanes == c, fc, out)
    out_v[...] = out
    pltpu.make_async_copy(out_v, fl_ref.at[wid], sem).start()
    pltpu.make_async_copy(out_v, fl_ref.at[wid], sem).wait()


def _sc_sample_flags(seg_a, seg_b):
    B, NC, H, W = seg_a.shape
    f32 = jnp.float32
    mesh = plsc.VectorSubcoreMesh(core_axis_name="c", subcore_axis_name="s")
    fn = pl.kernel(
        functools.partial(_sc_sample_body, (B, NC, H, W)),
        out_type=jax.ShapeDtypeStruct((32, 16), f32),
        mesh=mesh,
        scratch_types=[
            pltpu.VMEM((NC, _SC_SROWS, W), f32),
            pltpu.VMEM((16,), f32),
            pltpu.SemaphoreType.DMA,
        ],
        compiler_params=pltpu.CompilerParams(use_tc_tiling_on_sc=True, needs_layout_passes=False),
    )
    flags = fn(seg_a, seg_b)
    pa = jnp.max(flags[0::2, :NC], axis=0)
    pb = jnp.max(flags[1::2, :NC], axis=0)
    return pa, pb



def _presence_rows(s):
    nc = s.shape[0]
    chans = [s[c] for c in range(nc)]
    flags = []
    for c in range(nc):
        is_lab = None
        for j in range(nc):
            if j == c:
                continue
            cmp = (chans[c] > chans[j]) if j < c else (chans[c] >= chans[j])
            is_lab = cmp if is_lab is None else jnp.logical_and(is_lab, cmp)
        flags.append(jnp.max(is_lab.astype(jnp.float32)))
    return flags


def _full_flags_body(sa_ref, sb_ref, fl_ref):
    b = pl.program_id(0)
    h = pl.program_id(1)
    vals = _presence_rows(sa_ref[0]) + _presence_rows(sb_ref[0])
    rows = lax.broadcasted_iota(jnp.int32, (8, 128), 0)
    cur = jnp.zeros((8, 128), jnp.float32)
    for i, v in enumerate(vals):
        cur = jnp.where(rows == i, v, cur)

    @pl.when(jnp.logical_and(b == 0, h == 0))
    def _():
        fl_ref[...] = cur

    @pl.when(jnp.logical_not(jnp.logical_and(b == 0, h == 0)))
    def _():
        fl_ref[...] = jnp.maximum(fl_ref[...], cur)


def _fixup_body(cm_ref, sa_ref, ia_ref, sb_ref, ib_ref,
                ma_ref, mia_ref, mb_ref, mib_ref):
    sa = sa_ref[0]
    sb = sb_ref[0]
    nc = sa.shape[0]
    wa = None
    wb = None
    for c in range(nc):
        cmc = cm_ref[0, c]
        mc_a = sa[c] * cmc
        mc_b = sb[c] * cmc
        ma_ref[0, c] = mc_a
        mb_ref[0, c] = mc_b
        wa = mc_a if wa is None else wa + mc_a
        wb = mc_b if wb is None else wb + mc_b
    mia_ref[0] = wa[None, :, :] * ia_ref[0]
    mib_ref[0] = wb[None, :, :] * ib_ref[0]


@functools.partial(jax.jit, static_argnames=("bh",))
def _run(img_a, seg_a, img_b, seg_b, bh=256):
    B, C, H, W = img_a.shape
    NC = seg_a.shape[1]
    grid = (B, H // bh)

    seg_spec = pl.BlockSpec((1, NC, bh, W), lambda b, h: (b, 0, h, 0))
    img_spec = pl.BlockSpec((1, C, bh, W), lambda b, h: (b, 0, h, 0))
    fl_spec = pl.BlockSpec((8, 128), lambda b, h: (0, 0))
    f32 = jnp.float32

    pa_s, pb_s = _sc_sample_flags(seg_a, seg_b)

    ma, mia, mb, mib = pl.pallas_call(
        _stream_body,
        grid=grid,
        in_specs=[seg_spec, img_spec, seg_spec, img_spec],
        out_specs=[seg_spec, img_spec, seg_spec, img_spec],
        out_shape=[
            jax.ShapeDtypeStruct((B, NC, H, W), f32),
            jax.ShapeDtypeStruct((B, C, H, W), f32),
            jax.ShapeDtypeStruct((B, NC, H, W), f32),
            jax.ShapeDtypeStruct((B, C, H, W), f32),
        ],
    )(seg_a, img_a, seg_b, img_b)

    sample_all_common = jnp.all(pa_s * pb_s > 0.5)

    def fast(_):
        return mia, ma, mib, mb

    def slow(_):
        flags = pl.pallas_call(
            _full_flags_body,
            grid=grid,
            in_specs=[seg_spec, seg_spec],
            out_specs=[fl_spec],
            out_shape=[jax.ShapeDtypeStruct((8, 128), f32)],
        )(seg_a, seg_b)[0]
        common = flags[:4, 0] * flags[4:8, 0]
        cm = common.reshape(1, NC)
        cm_spec = pl.BlockSpec(memory_space=pltpu.SMEM)
        o_ma, o_mia, o_mb, o_mib = pl.pallas_call(
            _fixup_body,
            grid=grid,
            in_specs=[cm_spec, seg_spec, img_spec, seg_spec, img_spec],
            out_specs=[seg_spec, img_spec, seg_spec, img_spec],
            out_shape=[
                jax.ShapeDtypeStruct((B, NC, H, W), f32),
                jax.ShapeDtypeStruct((B, C, H, W), f32),
                jax.ShapeDtypeStruct((B, NC, H, W), f32),
                jax.ShapeDtypeStruct((B, C, H, W), f32),
            ],
        )(cm, seg_a, img_a, seg_b, img_b)
        return o_mia, o_ma, o_mib, o_mb

    return lax.cond(sample_all_common, fast, slow, None)


def kernel(img_a, seg_a, img_b, seg_b):
    return _run(img_a, seg_a, img_b, seg_b)

# --- scband reference (transcript-rebuilt; emitter-appended) ---
"""Pipeline reference for scband-paired-semantic-dropout-4209067950333 (READ-ONLY COPY).

The authoritative reference and input builder live on the scoring server;
editing this copy changes nothing except your own understanding.
"""

import jax, jax.numpy as jnp
import numpy as np

B, C, NC, H, W = 8, 3, 4, 512, 512

def setup_inputs(seed: int = 0) -> dict:
    key = jax.random.key(seed)
    k1, k2, k3, k4 = jax.random.split(key, 4)
    img_a = jax.random.normal(k1, (B, C, H, W), dtype=jnp.float32)
    img_b = jax.random.normal(k2, (B, C, H, W), dtype=jnp.float32)
    seg_a = jax.nn.softmax(jax.random.normal(k3, (B, NC, H, W), dtype=jnp.float32), axis=1)
    seg_b = jax.nn.softmax(jax.random.normal(k4, (B, NC, H, W), dtype=jnp.float32), axis=1)
    return {"img_a": img_a, "seg_a": seg_a, "img_b": img_b, "seg_b": seg_b}

def reference(img_a, seg_a, img_b, seg_b):
    nclass = seg_a.shape[1]
    # per-pixel hard labels
    label_a = jnp.argmax(seg_a, axis=1)  # [B, H, W] int
    label_b = jnp.argmax(seg_b, axis=1)  # [B, H, W] int
    classes = jnp.arange(nclass)
    # which classes are present in each labeling (replaces torch .unique())
    present_a = jnp.any(label_a[..., None] == classes, axis=(0, 1, 2))  # [NC] bool
    present_b = jnp.any(label_b[..., None] == classes, axis=(0, 1, 2))  # [NC] bool
    # common labels between the two segmentations (label_ab); deterministic
    # selection of all common labels stands in for random.choices(label_ab)
    common = (present_a & present_b).astype(seg_a.dtype)  # [NC]
    cm = common[None, :, None, None]  # broadcast over [B, NC, H, W]
    # scatter-style channel overwrite: mask[:, selected] = seg[:, selected]
    mask_a = seg_a * cm
    mask_b = seg_b * cm
    # masked images: sum over selected seg channels times image
    mask_img_a = jnp.sum(seg_a * cm, axis=1, keepdims=True) * img_a
    mask_img_b = jnp.sum(seg_b * cm, axis=1, keepdims=True) * img_b
    return (mask_img_a, mask_a, mask_img_b, mask_b)

if __name__ == "__main__":
    import jax
    _d = setup_inputs()
    print(jax.jit(kernel)(*tuple(_d.values())))

</pallas_src>

<mosaic_0001>
#map = affine_map<(d0, d1) -> (0, 0, 0, 0)>
#map1 = affine_map<(d0, d1) -> (0, 0)>
module attributes {stable_mosaic.version = 14 : i64} {
  func.func @_sc_sample_body(%arg0: i32, %arg1: i32, %arg2: memref<8x4x512x512xf32, #tpu.memory_space<hbm>>, %arg3: memref<8x4x512x512xf32, #tpu.memory_space<hbm>>, %arg4: memref<32x16xf32, #tpu.memory_space<hbm>>, %arg5: memref<4x8x512xf32, #tpu.memory_space<vmem>>, %arg6: memref<16xf32, #tpu.memory_space<vmem>>, %arg7: memref<!tpu.dma_semaphore, #tpu.memory_space<semaphore_mem>>) attributes {dimension_semantics = [#tpu.dimension_semantics<core_parallel>, #tpu.dimension_semantics<subcore_parallel>], iteration_bounds = array<i64: 2, 16>, scalar_prefetch = 0 : i64, scratch_operands = 3 : i64, tpu.core_type = #tpu.core_type<sc_vector_subcore>, window_params = [{transform_indices = #map}, {transform_indices = #map}, {transform_indices = #map1}]} {
    %mul3A = arith.constant 2 : i32
    %mul3A_0 = arith.muli %arg1, %mul3A : i32
    %add3A = arith.addi %mul3A_0, %arg0 : i32
    %jit3A = arith.constant 2 : i32
    %eq3A = arith.constant 0 : i32
    %eq3A_1 = arith.cmpi eq, %jit3A, %eq3A : i32
    %jit3A_2 = arith.constant 1 : i32
    %select_n3A = arith.select %eq3A_1, %jit3A_2, %jit3A : i32
    %rem3A = arith.remsi %add3A, %select_n3A : i32
    %ne3A = arith.constant 0 : i32
    %ne3A_3 = arith.cmpi ne, %rem3A, %ne3A : i32
    %lt3A = arith.constant 0 : i32
    %lt3A_4 = arith.cmpi slt, %rem3A, %lt3A : i32
    %lt3A_5 = arith.constant 0 : i32
    %lt3A_6 = arith.cmpi slt, %select_n3A, %lt3A_5 : i32
    %ne3A_7 = arith.xori %lt3A_4, %lt3A_6 : i1
    %and3A = arith.andi %ne3A_7, %ne3A_3 : i1
    %add3A_8 = arith.addi %rem3A, %select_n3A : i32
    %select_n3A_9 = arith.select %and3A, %add3A_8, %rem3A : i32
    %jit3A_10 = arith.constant 2 : i32
    %div3A = arith.divsi %add3A, %jit3A_10 : i32
    %sign3A = arith.constant 0 : i32
    %sign3A_11 = arith.cmpi sgt, %add3A, %sign3A : i32
    %sign3A_12 = arith.extui %sign3A_11 : i1 to i32
    %sign3A_13 = arith.constant 0 : i32
    %sign3A_14 = arith.cmpi slt, %add3A, %sign3A_13 : i32
    %sign3A_15 = arith.extui %sign3A_14 : i1 to i32
    %sign3A_16 = arith.subi %sign3A_12, %sign3A_15 : i32
    %sign3A_17 = arith.constant 0 : i32
    %sign3A_18 = arith.cmpi sgt, %jit3A_10, %sign3A_17 : i32
    %sign3A_19 = arith.extui %sign3A_18 : i1 to i32
    %sign3A_20 = arith.constant 0 : i32
    %sign3A_21 = arith.cmpi slt, %jit3A_10, %sign3A_20 : i32
    %sign3A_22 = arith.extui %sign3A_21 : i1 to i32
    %sign3A_23 = arith.subi %sign3A_19, %sign3A_22 : i32
    %ne3A_24 = arith.cmpi ne, %sign3A_16, %sign3A_23 : i32
    %rem3A_25 = arith.remsi %add3A, %jit3A_10 : i32
    %ne3A_26 = arith.constant 0 : i32
    %ne3A_27 = arith.cmpi ne, %rem3A_25, %ne3A_26 : i32
    %and3A_28 = arith.andi %ne3A_24, %ne3A_27 : i1
    %sub3A = arith.constant 1 : i32
    %sub3A_29 = arith.subi %div3A, %sub3A : i32
    %select_n3A_30 = arith.select %and3A_28, %sub3A_29, %div3A : i32
    %jit3A_31 = arith.constant 8 : i32
    %eq3A_32 = arith.constant 0 : i32
    %eq3A_33 = arith.cmpi eq, %jit3A_31, %eq3A_32 : i32
    %jit3A_34 = arith.constant 1 : i32
    %select_n3A_35 = arith.select %eq3A_33, %jit3A_34, %jit3A_31 : i32
    %rem3A_36 = arith.remsi %select_n3A_30, %select_n3A_35 : i32
    %ne3A_37 = arith.constant 0 : i32
    %ne3A_38 = arith.cmpi ne, %rem3A_36, %ne3A_37 : i32
    %lt3A_39 = arith.constant 0 : i32
    %lt3A_40 = arith.cmpi slt, %rem3A_36, %lt3A_39 : i32
    %lt3A_41 = arith.constant 0 : i32
    %lt3A_42 = arith.cmpi slt, %select_n3A_35, %lt3A_41 : i32
    %ne3A_43 = arith.xori %lt3A_40, %lt3A_42 : i1
    %and3A_44 = arith.andi %ne3A_43, %ne3A_38 : i1
    %add3A_45 = arith.addi %rem3A_36, %select_n3A_35 : i32
    %select_n3A_46 = arith.select %and3A_44, %add3A_45, %rem3A_36 : i32
    %jit3A_47 = arith.constant 16 : i32
    %div3A_48 = arith.divsi %add3A, %jit3A_47 : i32
    %sign3A_49 = arith.constant 0 : i32
    %sign3A_50 = arith.cmpi sgt, %add3A, %sign3A_49 : i32
    %sign3A_51 = arith.extui %sign3A_50 : i1 to i32
    %sign3A_52 = arith.constant 0 : i32
    %sign3A_53 = arith.cmpi slt, %add3A, %sign3A_52 : i32
    %sign3A_54 = arith.extui %sign3A_53 : i1 to i32
    %sign3A_55 = arith.subi %sign3A_51, %sign3A_54 : i32
    %sign3A_56 = arith.constant 0 : i32
    %sign3A_57 = arith.cmpi sgt, %jit3A_47, %sign3A_56 : i32
    %sign3A_58 = arith.extui %sign3A_57 : i1 to i32
    %sign3A_59 = arith.constant 0 : i32
    %sign3A_60 = arith.cmpi slt, %jit3A_47, %sign3A_59 : i32
    %sign3A_61 = arith.extui %sign3A_60 : i1 to i32
    %sign3A_62 = arith.subi %sign3A_58, %sign3A_61 : i32
    %ne3A_63 = arith.cmpi ne, %sign3A_55, %sign3A_62 : i32
    %rem3A_64 = arith.remsi %add3A, %jit3A_47 : i32
    %ne3A_65 = arith.constant 0 : i32
    %ne3A_66 = arith.cmpi ne, %rem3A_64, %ne3A_65 : i32
    %and3A_67 = arith.andi %ne3A_63, %ne3A_66 : i1
    %sub3A_68 = arith.constant 1 : i32
    %sub3A_69 = arith.subi %div3A_48, %sub3A_68 : i32
    %select_n3A_70 = arith.select %and3A_67, %sub3A_69, %div3A_48 : i32
    %mul3A_71 = arith.constant 8 : i32
    %mul3A_72 = arith.muli %select_n3A_70, %mul3A_71 : i32
    %eq3A_73 = arith.constant 0 : i32
    %eq3A_74 = arith.cmpi eq, %select_n3A_9, %eq3A_73 : i32
    %convert_element_type3A = arith.extui %eq3A_74 : i1 to i32
    %cond3A = arith.constant 0 : i32
    %cond3A_75 = arith.cmpi ne, %convert_element_type3A, %cond3A : i32
    scf.if %cond3A_75 {
      %dma_start3A_136 = arith.constant 0 : i32
      %dma_start3A_137 = arith.constant 0 : i32
      %dma_start3A_138 = tpu.memref_slice %arg2[%select_n3A_46, %dma_start3A_136, %mul3A_72, %dma_start3A_137] : memref<8x4x512x512xf32, #tpu.memory_space<hbm>> -> memref<1x4x8x512xf32, #tpu.memory_space<hbm>>
      %dma_start3A_139 = tpu.memref_squeeze %dma_start3A_138 : memref<1x4x8x512xf32, #tpu.memory_space<hbm>> -> memref<4x8x512xf32, #tpu.memory_space<hbm>>
      %dma_start3A_140 = arith.constant 0 : i32
      %dma_start3A_141 = arith.constant 0 : i32
      %dma_start3A_142 = tpu.memref_slice %arg2[%select_n3A_46, %dma_start3A_140, %mul3A_72, %dma_start3A_141] : memref<8x4x512x512xf32, #tpu.memory_space<hbm>> -> memref<1x4x8x512xf32, #tpu.memory_space<hbm>>
      %dma_start3A_143 = tpu.memref_squeeze %dma_start3A_142 : memref<1x4x8x512xf32, #tpu.memory_space<hbm>> -> memref<4x8x512xf32, #tpu.memory_space<hbm>>
      tpu.enqueue_dma source(%dma_start3A_143 : memref<4x8x512xf32, #tpu.memory_space<hbm>>) target(%arg5 : memref<4x8x512xf32, #tpu.memory_space<vmem>>) target_semaphore(%arg7 : memref<!tpu.dma_semaphore, #tpu.memory_space<semaphore_mem>>)
      %dma_wait3A_144 = arith.constant 0 : i32
      %dma_wait3A_145 = arith.constant 0 : i32
      %dma_wait3A_146 = tpu.memref_slice %arg2[%select_n3A_46, %dma_wait3A_144, %mul3A_72, %dma_wait3A_145] : memref<8x4x512x512xf32, #tpu.memory_space<hbm>> -> memref<1x4x8x512xf32, #tpu.memory_space<hbm>>
      %dma_wait3A_147 = tpu.memref_squeeze %dma_wait3A_146 : memref<1x4x8x512xf32, #tpu.memory_space<hbm>> -> memref<4x8x512xf32, #tpu.memory_space<hbm>>
      %dma_wait3A_148 = arith.constant 0 : i32
      %dma_wait3A_149 = arith.constant 0 : i32
      %dma_wait3A_150 = tpu.memref_slice %arg2[%select_n3A_46, %dma_wait3A_148, %mul3A_72, %dma_wait3A_149] : memref<8x4x512x512xf32, #tpu.memory_space<hbm>> -> memref<1x4x8x512xf32, #tpu.memory_space<hbm>>
      %dma_wait3A_151 = tpu.memref_squeeze %dma_wait3A_150 : memref<1x4x8x512xf32, #tpu.memory_space<hbm>> -> memref<4x8x512xf32, #tpu.memory_space<hbm>>
      tpu.wait_dma2 semaphore(%arg7 : memref<!tpu.dma_semaphore, #tpu.memory_space<semaphore_mem>>) src(%dma_wait3A_151 : memref<4x8x512xf32, #tpu.memory_space<hbm>>) dst(%arg5 : memref<4x8x512xf32, #tpu.memory_space<vmem>>)
    } else {
    }
    %eq3A_76 = arith.constant 1 : i32
    %eq3A_77 = arith.cmpi eq, %select_n3A_9, %eq3A_76 : i32
    %convert_element_type3A_78 = arith.extui %eq3A_77 : i1 to i32
    %cond3A_79 = arith.constant 0 : i32
    %cond3A_80 = arith.cmpi ne, %convert_element_type3A_78, %cond3A_79 : i32
    scf.if %cond3A_80 {
      %dma_start3A_136 = arith.constant 0 : i32
      %dma_start3A_137 = arith.constant 0 : i32
      %dma_start3A_138 = tpu.memref_slice %arg3[%select_n3A_46, %dma_start3A_136, %mul3A_72, %dma_start3A_137] : memref<8x4x512x512xf32, #tpu.memory_space<hbm>> -> memref<1x4x8x512xf32, #tpu.memory_space<hbm>>
      %dma_start3A_139 = tpu.memref_squeeze %dma_start3A_138 : memref<1x4x8x512xf32, #tpu.memory_space<hbm>> -> memref<4x8x512xf32, #tpu.memory_space<hbm>>
      %dma_start3A_140 = arith.constant 0 : i32
      %dma_start3A_141 = arith.constant 0 : i32
      %dma_start3A_142 = tpu.memref_slice %arg3[%select_n3A_46, %dma_start3A_140, %mul3A_72, %dma_start3A_141] : memref<8x4x512x512xf32, #tpu.memory_space<hbm>> -> memref<1x4x8x512xf32, #tpu.memory_space<hbm>>
      %dma_start3A_143 = tpu.memref_squeeze %dma_start3A_142 : memref<1x4x8x512xf32, #tpu.memory_space<hbm>> -> memref<4x8x512xf32, #tpu.memory_space<hbm>>
      tpu.enqueue_dma source(%dma_start3A_143 : memref<4x8x512xf32, #tpu.memory_space<hbm>>) target(%arg5 : memref<4x8x512xf32, #tpu.memory_space<vmem>>) target_semaphore(%arg7 : memref<!tpu.dma_semaphore, #tpu.memory_space<semaphore_mem>>)
      %dma_wait3A_144 = arith.constant 0 : i32
      %dma_wait3A_145 = arith.constant 0 : i32
      %dma_wait3A_146 = tpu.memref_slice %arg3[%select_n3A_46, %dma_wait3A_144, %mul3A_72, %dma_wait3A_145] : memref<8x4x512x512xf32, #tpu.memory_space<hbm>> -> memref<1x4x8x512xf32, #tpu.memory_space<hbm>>
      %dma_wait3A_147 = tpu.memref_squeeze %dma_wait3A_146 : memref<1x4x8x512xf32, #tpu.memory_space<hbm>> -> memref<4x8x512xf32, #tpu.memory_space<hbm>>
      %dma_wait3A_148 = arith.constant 0 : i32
      %dma_wait3A_149 = arith.constant 0 : i32
      %dma_wait3A_150 = tpu.memref_slice %arg3[%select_n3A_46, %dma_wait3A_148, %mul3A_72, %dma_wait3A_149] : memref<8x4x512x512xf32, #tpu.memory_space<hbm>> -> memref<1x4x8x512xf32, #tpu.memory_space<hbm>>
      %dma_wait3A_151 = tpu.memref_squeeze %dma_wait3A_150 : memref<1x4x8x512xf32, #tpu.memory_space<hbm>> -> memref<4x8x512xf32, #tpu.memory_space<hbm>>
      tpu.wait_dma2 semaphore(%arg7 : memref<!tpu.dma_semaphore, #tpu.memory_space<semaphore_mem>>) src(%dma_wait3A_151 : memref<4x8x512xf32, #tpu.memory_space<hbm>>) dst(%arg5 : memref<4x8x512xf32, #tpu.memory_space<vmem>>)
    } else {
    }
    %broadcast_in_dim3A = arith.constant 0.000000e+00 : f32
    %broadcast_in_dim3A_81 = vector.broadcast %broadcast_in_dim3A : f32 to vector<16xf32>
    %add3A_82 = arith.constant 1.000000e+00 : f32
    %add3A_83 = vector.broadcast %add3A_82 : f32 to vector<16xf32>
    %add3A_84 = arith.addf %broadcast_in_dim3A_81, %add3A_83 : vector<16xf32>
    %scan3A = arith.constant 0 : i32
    %scan3A_85 = arith.constant 8 : i32
    %scan3A_86 = arith.addi %scan3A, %scan3A_85 : i32
    %scan3A_87 = arith.constant 1 : i32
    %scan3A_88:4 = scf.for %scan3A_136 = %scan3A to %scan3A_86 step %scan3A_87 iter_args(%scan3A_137 = %broadcast_in_dim3A_81, %scan3A_138 = %broadcast_in_dim3A_81, %scan3A_139 = %broadcast_in_dim3A_81, %scan3A_140 = %broadcast_in_dim3A_81) -> (vector<16xf32>, vector<16xf32>, vector<16xf32>, vector<16xf32>)  : i32 {
      %get3A = arith.constant 0 : i32
      %get3A_141 = arith.index_cast %get3A : i32 to index
      %get3A_142 = arith.index_cast %scan3A_136 : i32 to index
      %get3A_143 = arith.constant 0 : index
      %get3A_144 = tpu.vector_load %arg5[%get3A_141, %get3A_142, %get3A_143] {strides = array<i32>} : memref<4x8x512xf32, #tpu.memory_space<vmem>>, vector<16xf32>,
      %get3A_145 = arith.constant 1 : i32
      %get3A_146 = arith.index_cast %get3A_145 : i32 to index
      %get3A_147 = arith.index_cast %scan3A_136 : i32 to index
      %get3A_148 = arith.constant 0 : index
      %get3A_149 = tpu.vector_load %arg5[%get3A_146, %get3A_147, %get3A_148] {strides = array<i32>} : memref<4x8x512xf32, #tpu.memory_space<vmem>>, vector<16xf32>,
      %get3A_150 = arith.constant 2 : i32
      %get3A_151 = arith.index_cast %get3A_150 : i32 to index
      %get3A_152 = arith.index_cast %scan3A_136 : i32 to index
      %get3A_153 = arith.constant 0 : index
      %get3A_154 = tpu.vector_load %arg5[%get3A_151, %get3A_152, %get3A_153] {strides = array<i32>} : memref<4x8x512xf32, #tpu.memory_space<vmem>>, vector<16xf32>,
      %get3A_155 = arith.constant 3 : i32
      %get3A_156 = arith.index_cast %get3A_155 : i32 to index
      %get3A_157 = arith.index_cast %scan3A_136 : i32 to index
      %get3A_158 = arith.constant 0 : index
      %get3A_159 = tpu.vector_load %arg5[%get3A_156, %get3A_157, %get3A_158] {strides = array<i32>} : memref<4x8x512xf32, #tpu.memory_space<vmem>>, vector<16xf32>,
      %ge3A = arith.cmpf oge, %get3A_144, %get3A_149 : vector<16xf32>
      %ge3A_160 = arith.cmpf oge, %get3A_144, %get3A_154 : vector<16xf32>
      %and3A_161 = arith.andi %ge3A, %ge3A_160 : vector<16xi1>
      %ge3A_162 = arith.cmpf oge, %get3A_144, %get3A_159 : vector<16xf32>
      %and3A_163 = arith.andi %and3A_161, %ge3A_162 : vector<16xi1>
      %select_n3A_164 = arith.select %and3A_163, %add3A_84, %broadcast_in_dim3A_81 : vector<16xi1>, vector<16xf32>
      %max3A = arith.maximumf %scan3A_137, %select_n3A_164 : vector<16xf32>
      %gt3A = arith.cmpf ogt, %get3A_149, %get3A_144 : vector<16xf32>
      %ge3A_165 = arith.cmpf oge, %get3A_149, %get3A_154 : vector<16xf32>
      %and3A_166 = arith.andi %gt3A, %ge3A_165 : vector<16xi1>
      %ge3A_167 = arith.cmpf oge, %get3A_149, %get3A_159 : vector<16xf32>
      %and3A_168 = arith.andi %and3A_166, %ge3A_167 : vector<16xi1>
      %select_n3A_169 = arith.select %and3A_168, %add3A_84, %broadcast_in_dim3A_81 : vector<16xi1>, vector<16xf32>
      %max3A_170 = arith.maximumf %scan3A_138, %select_n3A_169 : vector<16xf32>
      %gt3A_171 = arith.cmpf ogt, %get3A_154, %get3A_144 : vector<16xf32>
      %gt3A_172 = arith.cmpf ogt, %get3A_154, %get3A_149 : vector<16xf32>
      %and3A_173 = arith.andi %gt3A_171, %gt3A_172 : vector<16xi1>
      %ge3A_174 = arith.cmpf oge, %get3A_154, %get3A_159 : vector<16xf32>
      %and3A_175 = arith.andi %and3A_173, %ge3A_174 : vector<16xi1>
      %select_n3A_176 = arith.select %and3A_175, %add3A_84, %broadcast_in_dim3A_81 : vector<16xi1>, vector<16xf32>
      %max3A_177 = arith.maximumf %scan3A_139, %select_n3A_176 : vector<16xf32>
      %gt3A_178 = arith.cmpf ogt, %get3A_159, %get3A_144 : vector<16xf32>
      %gt3A_179 = arith.cmpf ogt, %get3A_159, %get3A_149 : vector<16xf32>
      %and3A_180 = arith.andi %gt3A_178, %gt3A_179 : vector<16xi1>
      %gt3A_181 = arith.cmpf ogt, %get3A_159, %get3A_154 : vector<16xf32>
      %and3A_182 = arith.andi %and3A_180, %gt3A_181 : vector<16xi1>
      %select_n3A_183 = arith.select %and3A_182, %add3A_84, %broadcast_in_dim3A_81 : vector<16xi1>, vector<16xf32>
      %max3A_184 = arith.maximumf %scan3A_140, %select_n3A_183 : vector<16xf32>
      %get3A_185 = arith.constant 0 : i32
      %get3A_186 = arith.index_cast %get3A_185 : i32 to index
      %get3A_187 = arith.index_cast %scan3A_136 : i32 to index
      %get3A_188 = arith.constant 16 : index
      %get3A_189 = tpu.vector_load %arg5[%get3A_186, %get3A_187, %get3A_188] {strides = array<i32>} : memref<4x8x512xf32, #tpu.memory_space<vmem>>, vector<16xf32>,
      %get3A_190 = arith.constant 1 : i32
      %get3A_191 = arith.index_cast %get3A_190 : i32 to index
      %get3A_192 = arith.index_cast %scan3A_136 : i32 to index
      %get3A_193 = arith.constant 16 : index
      %get3A_194 = tpu.vector_load %arg5[%get3A_191, %get3A_192, %get3A_193] {strides = array<i32>} : memref<4x8x512xf32, #tpu.memory_space<vmem>>, vector<16xf32>,
      %get3A_195 = arith.constant 2 : i32
      %get3A_196 = arith.index_cast %get3A_195 : i32 to index
      %get3A_197 = arith.index_cast %scan3A_136 : i32 to index
      %get3A_198 = arith.constant 16 : index
      %get3A_199 = tpu.vector_load %arg5[%get3A_196, %get3A_197, %get3A_198] {strides = array<i32>} : memref<4x8x512xf32, #tpu.memory_space<vmem>>, vector<16xf32>,
      %get3A_200 = arith.constant 3 : i32
      %get3A_201 = arith.index_cast %get3A_200 : i32 to index
      %get3A_202 = arith.index_cast %scan3A_136 : i32 to index
      %get3A_203 = arith.constant 16 : index
      %get3A_204 = tpu.vector_load %arg5[%get3A_201, %get3A_202, %get3A_203] {strides = array<i32>} : memref<4x8x512xf32, #tpu.memory_space<vmem>>, vector<16xf32>,
      %ge3A_205 = arith.cmpf oge, %get3A_189, %get3A_194 : vector<16xf32>
      %ge3A_206 = arith.cmpf oge, %get3A_189, %get3A_199 : vector<16xf32>
      %and3A_207 = arith.andi %ge3A_205, %ge3A_206 : vector<16xi1>
      %ge3A_208 = arith.cmpf oge, %get3A_189, %get3A_204 : vector<16xf32>
      %and3A_209 = arith.andi %and3A_207, %ge3A_208 : vector<16xi1>
      %select_n3A_210 = arith.select %and3A_209, %add3A_84, %broadcast_in_dim3A_81 : vector<16xi1>, vector<16xf32>
      %max3A_211 = arith.maximumf %max3A, %select_n3A_210 : vector<16xf32>
      %gt3A_212 = arith.cmpf ogt, %get3A_194, %get3A_189 : vector<16xf32>
      %ge3A_213 = arith.cmpf oge, %get3A_194, %get3A_199 : vector<16xf32>
      %and3A_214 = arith.andi %gt3A_212, %ge3A_213 : vector<16xi1>
      %ge3A_215 = arith.cmpf oge, %get3A_194, %get3A_204 : vector<16xf32>
      %and3A_216 = arith.andi %and3A_214, %ge3A_215 : vector<16xi1>
      %select_n3A_217 = arith.select %and3A_216, %add3A_84, %broadcast_in_dim3A_81 : vector<16xi1>, vector<16xf32>
      %max3A_218 = arith.maximumf %max3A_170, %select_n3A_217 : vector<16xf32>
      %gt3A_219 = arith.cmpf ogt, %get3A_199, %get3A_189 : vector<16xf32>
      %gt3A_220 = arith.cmpf ogt, %get3A_199, %get3A_194 : vector<16xf32>
      %and3A_221 = arith.andi %gt3A_219, %gt3A_220 : vector<16xi1>
      %ge3A_222 = arith.cmpf oge, %get3A_199, %get3A_204 : vector<16xf32>
      %and3A_223 = arith.andi %and3A_221, %ge3A_222 : vector<16xi1>
      %select_n3A_224 = arith.select %and3A_223, %add3A_84, %broadcast_in_dim3A_81 : vector<16xi1>, vector<16xf32>
      %max3A_225 = arith.maximumf %max3A_177, %select_n3A_224 : vector<16xf32>
      %gt3A_226 = arith.cmpf ogt, %get3A_204, %get3A_189 : vector<16xf32>
      %gt3A_227 = arith.cmpf ogt, %get3A_204, %get3A_194 : vector<16xf32>
      %and3A_228 = arith.andi %gt3A_226, %gt3A_227 : vector<16xi1>
      %gt3A_229 = arith.cmpf ogt, %get3A_204, %get3A_199 : vector<16xf32>
      %and3A_230 = arith.andi %and3A_228, %gt3A_229 : vector<16xi1>
      %select_n3A_231 = arith.select %and3A_230, %add3A_84, %broadcast_in_dim3A_81 : vector<16xi1>, vector<16xf32>
      %max3A_232 = arith.maximumf %max3A_184, %select_n3A_231 : vector<16xf32>
      %get3A_233 = arith.constant 0 : i32
      %get3A_234 = arith.index_cast %get3A_233 : i32 to index
      %get3A_235 = arith.index_cast %scan3A_136 : i32 to index
      %get3A_236 = arith.constant 32 : index
      %get3A_237 = tpu.vector_load %arg5[%get3A_234, %get3A_235, %get3A_236] {strides = array<i32>} : memref<4x8x512xf32, #tpu.memory_space<vmem>>, vector<16xf32>,
      %get3A_238 = arith.constant 1 : i32
      %get3A_239 = arith.index_cast %get3A_238 : i32 to index
      %get3A_240 = arith.index_cast %scan3A_136 : i32 to index
      %get3A_241 = arith.constant 32 : index
      %get3A_242 = tpu.vector_load %arg5[%get3A_239, %get3A_240, %get3A_241] {strides = array<i32>} : memref<4x8x512xf32, #tpu.memory_space<vmem>>, vector<16xf32>,
      %get3A_243 = arith.constant 2 : i32
      %get3A_244 = arith.index_cast %get3A_243 : i32 to index
      %get3A_245 = arith.index_cast %scan3A_136 : i32 to index
      %get3A_246 = arith.constant 32 : index
      %get3A_247 = tpu.vector_load %arg5[%get3A_244, %get3A_245, %get3A_246] {strides = array<i32>} : memref<4x8x512xf32, #tpu.memory_space<vmem>>, vector<16xf32>,
      %get3A_248 = arith.constant 3 : i32
      %get3A_249 = arith.index_cast %get3A_248 : i32 to index
      %get3A_250 = arith.index_cast %scan3A_136 : i32 to index
      %get3A_251 = arith.constant 32 : index
      %get3A_252 = tpu.vector_load %arg5[%get3A_249, %get3A_250, %get3A_251] {strides = array<i32>} : memref<4x8x512xf32, #tpu.memory_space<vmem>>, vector<16xf32>,
      %ge3A_253 = arith.cmpf oge, %get3A_237, %get3A_242 : vector<16xf32>
      %ge3A_254 = arith.cmpf oge, %get3A_237, %get3A_247 : vector<16xf32>
      %and3A_255 = arith.andi %ge3A_253, %ge3A_254 : vector<16xi1>
      %ge3A_256 = arith.cmpf oge, %get3A_237, %get3A_252 : vector<16xf32>
      %and3A_257 = arith.andi %and3A_255, %ge3A_256 : vector<16xi1>
      %select_n3A_258 = arith.select %and3A_257, %add3A_84, %broadcast_in_dim3A_81 : vector<16xi1>, vector<16xf32>
      %max3A_259 = arith.maximumf %max3A_211, %select_n3A_258 : vector<16xf32>
      %gt3A_260 = arith.cmpf ogt, %get3A_242, %get3A_237 : vector<16xf32>
      %ge3A_261 = arith.cmpf oge, %get3A_242, %get3A_247 : vector<16xf32>
      %and3A_262 = arith.andi %gt3A_260, %ge3A_261 : vector<16xi1>
      %ge3A_263 = arith.cmpf oge, %get3A_242, %get3A_252 : vector<16xf32>
      %and3A_264 = arith.andi %and3A_262, %ge3A_263 : vector<16xi1>
      %select_n3A_265 = arith.select %and3A_264, %add3A_84, %broadcast_in_dim3A_81 : vector<16xi1>, vector<16xf32>
      %max3A_266 = arith.maximumf %max3A_218, %select_n3A_265 : vector<16xf32>
      %gt3A_267 = arith.cmpf ogt, %get3A_247, %get3A_237 : vector<16xf32>
      %gt3A_268 = arith.cmpf ogt, %get3A_247, %get3A_242 : vector<16xf32>
      %and3A_269 = arith.andi %gt3A_267, %gt3A_268 : vector<16xi1>
      %ge3A_270 = arith.cmpf oge, %get3A_247, %get3A_252 : vector<16xf32>
      %and3A_271 = arith.andi %and3A_269, %ge3A_270 : vector<16xi1>
      %select_n3A_272 = arith.select %and3A_271, %add3A_84, %broadcast_in_dim3A_81 : vector<16xi1>, vector<16xf32>
      %max3A_273 = arith.maximumf %max3A_225, %select_n3A_272 : vector<16xf32>
      %gt3A_274 = arith.cmpf ogt, %get3A_252, %get3A_237 : vector<16xf32>
      %gt3A_275 = arith.cmpf ogt, %get3A_252, %get3A_242 : vector<16xf32>
      %and3A_276 = arith.andi %gt3A_274, %gt3A_275 : vector<16xi1>
      %gt3A_277 = arith.cmpf ogt, %get3A_252, %get3A_247 : vector<16xf32>
      %and3A_278 = arith.andi %and3A_276, %gt3A_277 : vector<16xi1>
      %select_n3A_279 = arith.select %and3A_278, %add3A_84, %broadcast_in_dim3A_81 : vector<16xi1>, vector<16xf32>
      %max3A_280 = arith.maximumf %max3A_232, %select_n3A_279 : vector<16xf32>
      %get3A_281 = arith.constant 0 : i32
      %get3A_282 = arith.index_cast %get3A_281 : i32 to index
      %get3A_283 = arith.index_cast %scan3A_136 : i32 to index
      %get3A_284 = arith.constant 48 : index
      %get3A_285 = tpu.vector_load %arg5[%get3A_282, %get3A_283, %get3A_284] {strides = array<i32>} : memref<4x8x512xf32, #tpu.memory_space<vmem>>, vector<16xf32>,
      %get3A_286 = arith.constant 1 : i32
      %get3A_287 = arith.index_cast %get3A_286 : i32 to index
      %get3A_288 = arith.index_cast %scan3A_136 : i32 to index
      %get3A_289 = arith.constant 48 : index
      %get3A_290 = tpu.vector_load %arg5[%get3A_287, %get3A_288, %get3A_289] {strides = array<i32>} : memref<4x8x512xf32, #tpu.memory_space<vmem>>, vector<16xf32>,
      %get3A_291 = arith.constant 2 : i32
      %get3A_292 = arith.index_cast %get3A_291 : i32 to index
      %get3A_293 = arith.index_cast %scan3A_136 : i32 to index
      %get3A_294 = arith.constant 48 : index
      %get3A_295 = tpu.vector_load %arg5[%get3A_292, %get3A_293, %get3A_294] {strides = array<i32>} : memref<4x8x512xf32, #tpu.memory_space<vmem>>, vector<16xf32>,
      %get3A_296 = arith.constant 3 : i32
      %get3A_297 = arith.index_cast %get3A_296 : i32 to index
      %get3A_298 = arith.index_cast %scan3A_136 : i32 to index
      %get3A_299 = arith.constant 48 : index
      %get3A_300 = tpu.vector_load %arg5[%get3A_297, %get3A_298, %get3A_299] {strides = array<i32>} : memref<4x8x512xf32, #tpu.memory_space<vmem>>, vector<16xf32>,
      %ge3A_301 = arith.cmpf oge, %get3A_285, %get3A_290 : vector<16xf32>
      %ge3A_302 = arith.cmpf oge, %get3A_285, %get3A_295 : vector<16xf32>
      %and3A_303 = arith.andi %ge3A_301, %ge3A_302 : vector<16xi1>
      %ge3A_304 = arith.cmpf oge, %get3A_285, %get3A_300 : vector<16xf32>
      %and3A_305 = arith.andi %and3A_303, %ge3A_304 : vector<16xi1>
      %select_n3A_306 = arith.select %and3A_305, %add3A_84, %broadcast_in_dim3A_81 : vector<16xi1>, vector<16xf32>
      %max3A_307 = arith.maximumf %max3A_259, %select_n3A_306 : vector<16xf32>
      %gt3A_308 = arith.cmpf ogt, %get3A_290, %get3A_285 : vector<16xf32>
      %ge3A_309 = arith.cmpf oge, %get3A_290, %get3A_295 : vector<16xf32>
      %and3A_310 = arith.andi %gt3A_308, %ge3A_309 : vector<16xi1>
      %ge3A_311 = arith.cmpf oge, %get3A_290, %get3A_300 : vector<16xf32>
      %and3A_312 = arith.andi %and3A_310, %ge3A_311 : vector<16xi1>
      %select_n3A_313 = arith.select %and3A_312, %add3A_84, %broadcast_in_dim3A_81 : vector<16xi1>, vector<16xf32>
      %max3A_314 = arith.maximumf %max3A_266, %select_n3A_313 : vector<16xf32>
      %gt3A_315 = arith.cmpf ogt, %get3A_295, %get3A_285 : vector<16xf32>
      %gt3A_316 = arith.cmpf ogt, %get3A_295, %get3A_290 : vector<16xf32>
      %and3A_317 = arith.andi %gt3A_315, %gt3A_316 : vector<16xi1>
      %ge3A_318 = arith.cmpf oge, %get3A_295, %get3A_300 : vector<16xf32>
      %and3A_319 = arith.andi %and3A_317, %ge3A_318 : vector<16xi1>
      %select_n3A_320 = arith.select %and3A_319, %add3A_84, %broadcast_in_dim3A_81 : vector<16xi1>, vector<16xf32>
      %max3A_321 = arith.maximumf %max3A_273, %select_n3A_320 : vector<16xf32>
      %gt3A_322 = arith.cmpf ogt, %get3A_300, %get3A_285 : vector<16xf32>
      %gt3A_323 = arith.cmpf ogt, %get3A_300, %get3A_290 : vector<16xf32>
      %and3A_324 = arith.andi %gt3A_322, %gt3A_323 : vector<16xi1>
      %gt3A_325 = arith.cmpf ogt, %get3A_300, %get3A_295 : vector<16xf32>
      %and3A_326 = arith.andi %and3A_324, %gt3A_325 : vector<16xi1>
      %select_n3A_327 = arith.select %and3A_326, %add3A_84, %broadcast_in_dim3A_81 : vector<16xi1>, vector<16xf32>
      %max3A_328 = arith.maximumf %max3A_280, %select_n3A_327 : vector<16xf32>
      %get3A_329 = arith.constant 0 : i32
      %get3A_330 = arith.index_cast %get3A_329 : i32 to index
      %get3A_331 = arith.index_cast %scan3A_136 : i32 to index
      %get3A_332 = arith.constant 64 : index
      %get3A_333 = tpu.vector_load %arg5[%get3A_330, %get3A_331, %get3A_332] {strides = array<i32>} : memref<4x8x512xf32, #tpu.memory_space<vmem>>, vector<16xf32>,
      %get3A_334 = arith.constant 1 : i32
      %get3A_335 = arith.index_cast %get3A_334 : i32 to index
      %get3A_336 = arith.index_cast %scan3A_136 : i32 to index
      %get3A_337 = arith.constant 64 : index
      %get3A_338 = tpu.vector_load %arg5[%get3A_335, %get3A_336, %get3A_337] {strides = array<i32>} : memref<4x8x512xf32, #tpu.memory_space<vmem>>, vector<16xf32>,
      %get3A_339 = arith.constant 2 : i32
      %get3A_340 = arith.index_cast %get3A_339 : i32 to index
      %get3A_341 = arith.index_cast %scan3A_136 : i32 to index
      %get3A_342 = arith.constant 64 : index
      %get3A_343 = tpu.vector_load %arg5[%get3A_340, %get3A_341, %get3A_342] {strides = array<i32>} : memref<4x8x512xf32, #tpu.memory_space<vmem>>, vector<16xf32>,
      %get3A_344 = arith.constant 3 : i32
      %get3A_345 = arith.index_cast %get3A_344 : i32 to index
      %get3A_346 = arith.index_cast %scan3A_136 : i32 to index
      %get3A_347 = arith.constant 64 : index
      %get3A_348 = tpu.vector_load %arg5[%get3A_345, %get3A_346, %get3A_347] {strides = array<i32>} : memref<4x8x512xf32, #tpu.memory_space<vmem>>, vector<16xf32>,
      %ge3A_349 = arith.cmpf oge, %get3A_333, %get3A_338 : vector<16xf32>
      %ge3A_350 = arith.cmpf oge, %get3A_333, %get3A_343 : vector<16xf32>
      %and3A_351 = arith.andi %ge3A_349, %ge3A_350 : vector<16xi1>
      %ge3A_352 = arith.cmpf oge, %get3A_333, %get3A_348 : vector<16xf32>
      %and3A_353 = arith.andi %and3A_351, %ge3A_352 : vector<16xi1>
      %select_n3A_354 = arith.select %and3A_353, %add3A_84, %broadcast_in_dim3A_81 : vector<16xi1>, vector<16xf32>
      %max3A_355 = arith.maximumf %max3A_307, %select_n3A_354 : vector<16xf32>
      %gt3A_356 = arith.cmpf ogt, %get3A_338, %get3A_333 : vector<16xf32>
      %ge3A_357 = arith.cmpf oge, %get3A_338, %get3A_343 : vector<16xf32>
      %and3A_358 = arith.andi %gt3A_356, %ge3A_357 : vector<16xi1>
      %ge3A_359 = arith.cmpf oge, %get3A_338, %get3A_348 : vector<16xf32>
      %and3A_360 = arith.andi %and3A_358, %ge3A_359 : vector<16xi1>
      %select_n3A_361 = arith.select %and3A_360, %add3A_84, %broadcast_in_dim3A_81 : vector<16xi1>, vector<16xf32>
      %max3A_362 = arith.maximumf %max3A_314, %select_n3A_361 : vector<16xf32>
      %gt3A_363 = arith.cmpf ogt, %get3A_343, %get3A_333 : vector<16xf32>
      %gt3A_364 = arith.cmpf ogt, %get3A_343, %get3A_338 : vector<16xf32>
      %and3A_365 = arith.andi %gt3A_363, %gt3A_364 : vector<16xi1>
      %ge3A_366 = arith.cmpf oge, %get3A_343, %get3A_348 : vector<16xf32>
      %and3A_367 = arith.andi %and3A_365, %ge3A_366 : vector<16xi1>
      %select_n3A_368 = arith.select %and3A_367, %add3A_84, %broadcast_in_dim3A_81 : vector<16xi1>, vector<16xf32>
      %max3A_369 = arith.maximumf %max3A_321, %select_n3A_368 : vector<16xf32>
      %gt3A_370 = arith.cmpf ogt, %get3A_348, %get3A_333 : vector<16xf32>
      %gt3A_371 = arith.cmpf ogt, %get3A_348, %get3A_338 : vector<16xf32>
      %and3A_372 = arith.andi %gt3A_370, %gt3A_371 : vector<16xi1>
      %gt3A_373 = arith.cmpf ogt, %get3A_348, %get3A_343 : vector<16xf32>
      %and3A_374 = arith.andi %and3A_372, %gt3A_373 : vector<16xi1>
      %select_n3A_375 = arith.select %and3A_374, %add3A_84, %broadcast_in_dim3A_81 : vector<16xi1>, vector<16xf32>
      %max3A_376 = arith.maximumf %max3A_328, %select_n3A_375 : vector<16xf32>
      %get3A_377 = arith.constant 0 : i32
      %get3A_378 = arith.index_cast %get3A_377 : i32 to index
      %get3A_379 = arith.index_cast %scan3A_136 : i32 to index
      %get3A_380 = arith.constant 80 : index
      %get3A_381 = tpu.vector_load %arg5[%get3A_378, %get3A_379, %get3A_380] {strides = array<i32>} : memref<4x8x512xf32, #tpu.memory_space<vmem>>, vector<16xf32>,
      %get3A_382 = arith.constant 1 : i32
      %get3A_383 = arith.index_cast %get3A_382 : i32 to index
      %get3A_384 = arith.index_cast %scan3A_136 : i32 to index
      %get3A_385 = arith.constant 80 : index
      %get3A_386 = tpu.vector_load %arg5[%get3A_383, %get3A_384, %get3A_385] {strides = array<i32>} : memref<4x8x512xf32, #tpu.memory_space<vmem>>, vector<16xf32>,
      %get3A_387 = arith.constant 2 : i32
      %get3A_388 = arith.index_cast %get3A_387 : i32 to index
      %get3A_389 = arith.index_cast %scan3A_136 : i32 to index
      %get3A_390 = arith.constant 80 : index
      %get3A_391 = tpu.vector_load %arg5[%get3A_388, %get3A_389, %get3A_390] {strides = array<i32>} : memref<4x8x512xf32, #tpu.memory_space<vmem>>, vector<16xf32>,
      %get3A_392 = arith.constant 3 : i32
      %get3A_393 = arith.index_cast %get3A_392 : i32 to index
      %get3A_394 = arith.index_cast %scan3A_136 : i32 to index
      %get3A_395 = arith.constant 80 : index
      %get3A_396 = tpu.vector_load %arg5[%get3A_393, %get3A_394, %get3A_395] {strides = array<i32>} : memref<4x8x512xf32, #tpu.memory_space<vmem>>, vector<16xf32>,
      %ge3A_397 = arith.cmpf oge, %get3A_381, %get3A_386 : vector<16xf32>
      %ge3A_398 = arith.cmpf oge, %get3A_381, %get3A_391 : vector<16xf32>
      %and3A_399 = arith.andi %ge3A_397, %ge3A_398 : vector<16xi1>
      %ge3A_400 = arith.cmpf oge, %get3A_381, %get3A_396 : vector<16xf32>
      %and3A_401 = arith.andi %and3A_399, %ge3A_400 : vector<16xi1>
      %select_n3A_402 = arith.select %and3A_401, %add3A_84, %broadcast_in_dim3A_81 : vector<16xi1>, vector<16xf32>
      %max3A_403 = arith.maximumf %max3A_355, %select_n3A_402 : vector<16xf32>
      %gt3A_404 = arith.cmpf ogt, %get3A_386, %get3A_381 : vector<16xf32>
      %ge3A_405 = arith.cmpf oge, %get3A_386, %get3A_391 : vector<16xf32>
      %and3A_406 = arith.andi %gt3A_404, %ge3A_405 : vector<16xi1>
      %ge3A_407 = arith.cmpf oge, %get3A_386, %get3A_396 : vector<16xf32>
      %and3A_408 = arith.andi %and3A_406, %ge3A_407 : vector<16xi1>
      %select_n3A_409 = arith.select %and3A_408, %add3A_84, %broadcast_in_dim3A_81 : vector<16xi1>, vector<16xf32>
      %max3A_410 = arith.maximumf %max3A_362, %select_n3A_409 : vector<16xf32>
      %gt3A_411 = arith.cmpf ogt, %get3A_391, %get3A_381 : vector<16xf32>
      %gt3A_412 = arith.cmpf ogt, %get3A_391, %get3A_386 : vector<16xf32>
      %and3A_413 = arith.andi %gt3A_411, %gt3A_412 : vector<16xi1>
      %ge3A_414 = arith.cmpf oge, %get3A_391, %get3A_396 : vector<16xf32>
      %and3A_415 = arith.andi %and3A_413, %ge3A_414 : vector<16xi1>
      %select_n3A_416 = arith.select %and3A_415, %add3A_84, %broadcast_in_dim3A_81 : vector<16xi1>, vector<16xf32>
      %max3A_417 = arith.maximumf %max3A_369, %select_n3A_416 : vector<16xf32>
      %gt3A_418 = arith.cmpf ogt, %get3A_396, %get3A_381 : vector<16xf32>
      %gt3A_419 = arith.cmpf ogt, %get3A_396, %get3A_386 : vector<16xf32>
      %and3A_420 = arith.andi %gt3A_418, %gt3A_419 : vector<16xi1>
      %gt3A_421 = arith.cmpf ogt, %get3A_396, %get3A_391 : vector<16xf32>
      %and3A_422 = arith.andi %and3A_420, %gt3A_421 : vector<16xi1>
      %select_n3A_423 = arith.select %and3A_422, %add3A_84, %broadcast_in_dim3A_81 : vector<16xi1>, vector<16xf32>
      %max3A_424 = arith.maximumf %max3A_376, %select_n3A_423 : vector<16xf32>
      %get3A_425 = arith.constant 0 : i32
      %get3A_426 = arith.index_cast %get3A_425 : i32 to index
      %get3A_427 = arith.index_cast %scan3A_136 : i32 to index
      %get3A_428 = arith.constant 96 : index
      %get3A_429 = tpu.vector_load %arg5[%get3A_426, %get3A_427, %get3A_428] {strides = array<i32>} : memref<4x8x512xf32, #tpu.memory_space<vmem>>, vector<16xf32>,
      %get3A_430 = arith.constant 1 : i32
      %get3A_431 = arith.index_cast %get3A_430 : i32 to index
      %get3A_432 = arith.index_cast %scan3A_136 : i32 to index
      %get3A_433 = arith.constant 96 : index
      %get3A_434 = tpu.vector_load %arg5[%get3A_431, %get3A_432, %get3A_433] {strides = array<i32>} : memref<4x8x512xf32, #tpu.memory_space<vmem>>, vector<16xf32>,
      %get3A_435 = arith.constant 2 : i32
      %get3A_436 = arith.index_cast %get3A_435 : i32 to index
      %get3A_437 = arith.index_cast %scan3A_136 : i32 to index
      %get3A_438 = arith.constant 96 : index
      %get3A_439 = tpu.vector_load %arg5[%get3A_436, %get3A_437, %get3A_438] {strides = array<i32>} : memref<4x8x512xf32, #tpu.memory_space<vmem>>, vector<16xf32>,
      %get3A_440 = arith.constant 3 : i32
      %get3A_441 = arith.index_cast %get3A_440 : i32 to index
      %get3A_442 = arith.index_cast %scan3A_136 : i32 to index
      %get3A_443 = arith.constant 96 : index
      %get3A_444 = tpu.vector_load %arg5[%get3A_441, %get3A_442, %get3A_443] {strides = array<i32>} : memref<4x8x512xf32, #tpu.memory_space<vmem>>, vector<16xf32>,
      %ge3A_445 = arith.cmpf oge, %get3A_429, %get3A_434 : vector<16xf32>
      %ge3A_446 = arith.cmpf oge, %get3A_429, %get3A_439 : vector<16xf32>
      %and3A_447 = arith.andi %ge3A_445, %ge3A_446 : vector<16xi1>
      %ge3A_448 = arith.cmpf oge, %get3A_429, %get3A_444 : vector<16xf32>
      %and3A_449 = arith.andi %and3A_447, %ge3A_448 : vector<16xi1>
      %select_n3A_450 = arith.select %and3A_449, %add3A_84, %broadcast_in_dim3A_81 : vector<16xi1>, vector<16xf32>
      %max3A_451 = arith.maximumf %max3A_403, %select_n3A_450 : vector<16xf32>
      %gt3A_452 = arith.cmpf ogt, %get3A_434, %get3A_429 : vector<16xf32>
      %ge3A_453 = arith.cmpf oge, %get3A_434, %get3A_439 : vector<16xf32>
      %and3A_454 = arith.andi %gt3A_452, %ge3A_453 : vector<16xi1>
      %ge3A_455 = arith.cmpf oge, %get3A_434, %get3A_444 : vector<16xf32>
      %and3A_456 = arith.andi %and3A_454, %ge3A_455 : vector<16xi1>
      %select_n3A_457 = arith.select %and3A_456, %add3A_84, %broadcast_in_dim3A_81 : vector<16xi1>, vector<16xf32>
      %max3A_458 = arith.maximumf %max3A_410, %select_n3A_457 : vector<16xf32>
      %gt3A_459 = arith.cmpf ogt, %get3A_439, %get3A_429 : vector<16xf32>
      %gt3A_460 = arith.cmpf ogt, %get3A_439, %get3A_434 : vector<16xf32>
      %and3A_461 = arith.andi %gt3A_459, %gt3A_460 : vector<16xi1>
      %ge3A_462 = arith.cmpf oge, %get3A_439, %get3A_444 : vector<16xf32>
      %and3A_463 = arith.andi %and3A_461, %ge3A_462 : vector<16xi1>
      %select_n3A_464 = arith.select %and3A_463, %add3A_84, %broadcast_in_dim3A_81 : vector<16xi1>, vector<16xf32>
      %max3A_465 = arith.maximumf %max3A_417, %select_n3A_464 : vector<16xf32>
      %gt3A_466 = arith.cmpf ogt, %get3A_444, %get3A_429 : vector<16xf32>
      %gt3A_467 = arith.cmpf ogt, %get3A_444, %get3A_434 : vector<16xf32>
      %and3A_468 = arith.andi %gt3A_466, %gt3A_467 : vector<16xi1>
      %gt3A_469 = arith.cmpf ogt, %get3A_444, %get3A_439 : vector<16xf32>
      %and3A_470 = arith.andi %and3A_468, %gt3A_469 : vector<16xi1>
      %select_n3A_471 = arith.select %and3A_470, %add3A_84, %broadcast_in_dim3A_81 : vector<16xi1>, vector<16xf32>
      %max3A_472 = arith.maximumf %max3A_424, %select_n3A_471 : vector<16xf32>
      %get3A_473 = arith.constant 0 : i32
      %get3A_474 = arith.index_cast %get3A_473 : i32 to index
      %get3A_475 = arith.index_cast %scan3A_136 : i32 to index
      %get3A_476 = arith.constant 112 : index
      %get3A_477 = tpu.vector_load %arg5[%get3A_474, %get3A_475, %get3A_476] {strides = array<i32>} : memref<4x8x512xf32, #tpu.memory_space<vmem>>, vector<16xf32>,
      %get3A_478 = arith.constant 1 : i32
      %get3A_479 = arith.index_cast %get3A_478 : i32 to index
      %get3A_480 = arith.index_cast %scan3A_136 : i32 to index
      %get3A_481 = arith.constant 112 : index
      %get3A_482 = tpu.vector_load %arg5[%get3A_479, %get3A_480, %get3A_481] {strides = array<i32>} : memref<4x8x512xf32, #tpu.memory_space<vmem>>, vector<16xf32>,
      %get3A_483 = arith.constant 2 : i32
      %get3A_484 = arith.index_cast %get3A_483 : i32 to index
      %get3A_485 = arith.index_cast %scan3A_136 : i32 to index
      %get3A_486 = arith.constant 112 : index
      %get3A_487 = tpu.vector_load %arg5[%get3A_484, %get3A_485, %get3A_486] {strides = array<i32>} : memref<4x8x512xf32, #tpu.memory_space<vmem>>, vector<16xf32>,
      %get3A_488 = arith.constant 3 : i32
      %get3A_489 = arith.index_cast %get3A_488 : i32 to index
      %get3A_490 = arith.index_cast %scan3A_136 : i32 to index
      %get3A_491 = arith.constant 112 : index
      %get3A_492 = tpu.vector_load %arg5[%get3A_489, %get3A_490, %get3A_491] {strides = array<i32>} : memref<4x8x512xf32, #tpu.memory_space<vmem>>, vector<16xf32>,
      %ge3A_493 = arith.cmpf oge, %get3A_477, %get3A_482 : vector<16xf32>
      %ge3A_494 = arith.cmpf oge, %get3A_477, %get3A_487 : vector<16xf32>
      %and3A_495 = arith.andi %ge3A_493, %ge3A_494 : vector<16xi1>
      %ge3A_496 = arith.cmpf oge, %get3A_477, %get3A_492 : vector<16xf32>
      %and3A_497 = arith.andi %and3A_495, %ge3A_496 : vector<16xi1>
      %select_n3A_498 = arith.select %and3A_497, %add3A_84, %broadcast_in_dim3A_81 : vector<16xi1>, vector<16xf32>
      %max3A_499 = arith.maximumf %max3A_451, %select_n3A_498 : vector<16xf32>
      %gt3A_500 = arith.cmpf ogt, %get3A_482, %get3A_477 : vector<16xf32>
      %ge3A_501 = arith.cmpf oge, %get3A_482, %get3A_487 : vector<16xf32>
      %and3A_502 = arith.andi %gt3A_500, %ge3A_501 : vector<16xi1>
      %ge3A_503 = arith.cmpf oge, %get3A_482, %get3A_492 : vector<16xf32>
      %and3A_504 = arith.andi %and3A_502, %ge3A_503 : vector<16xi1>
      %select_n3A_505 = arith.select %and3A_504, %add3A_84, %broadcast_in_dim3A_81 : vector<16xi1>, vector<16xf32>
      %max3A_506 = arith.maximumf %max3A_458, %select_n3A_505 : vector<16xf32>
      %gt3A_507 = arith.cmpf ogt, %get3A_487, %get3A_477 : vector<16xf32>
      %gt3A_508 = arith.cmpf ogt, %get3A_487, %get3A_482 : vector<16xf32>
      %and3A_509 = arith.andi %gt3A_507, %gt3A_508 : vector<16xi1>
      %ge3A_510 = arith.cmpf oge, %get3A_487, %get3A_492 : vector<16xf32>
      %and3A_511 = arith.andi %and3A_509, %ge3A_510 : vector<16xi1>
      %select_n3A_512 = arith.select %and3A_511, %add3A_84, %broadcast_in_dim3A_81 : vector<16xi1>, vector<16xf32>
      %max3A_513 = arith.maximumf %max3A_465, %select_n3A_512 : vector<16xf32>
      %gt3A_514 = arith.cmpf ogt, %get3A_492, %get3A_477 : vector<16xf32>
      %gt3A_515 = arith.cmpf ogt, %get3A_492, %get3A_482 : vector<16xf32>
      %and3A_516 = arith.andi %gt3A_514, %gt3A_515 : vector<16xi1>
      %gt3A_517 = arith.cmpf ogt, %get3A_492, %get3A_487 : vector<16xf32>
      %and3A_518 = arith.andi %and3A_516, %gt3A_517 : vector<16xi1>
      %select_n3A_519 = arith.select %and3A_518, %add3A_84, %broadcast_in_dim3A_81 : vector<16xi1>, vector<16xf32>
      %max3A_520 = arith.maximumf %max3A_472, %select_n3A_519 : vector<16xf32>
      %get3A_521 = arith.constant 0 : i32
      %get3A_522 = arith.index_cast %get3A_521 : i32 to index
      %get3A_523 = arith.index_cast %scan3A_136 : i32 to index
      %get3A_524 = arith.constant 128 : index
      %get3A_525 = tpu.vector_load %arg5[%get3A_522, %get3A_523, %get3A_524] {strides = array<i32>} : memref<4x8x512xf32, #tpu.memory_space<vmem>>, vector<16xf32>,
      %get3A_526 = arith.constant 1 : i32
      %get3A_527 = arith.index_cast %get3A_526 : i32 to index
      %get3A_528 = arith.index_cast %scan3A_136 : i32 to index
      %get3A_529 = arith.constant 128 : index
      %get3A_530 = tpu.vector_load %arg5[%get3A_527, %get3A_528, %get3A_529] {strides = array<i32>} : memref<4x8x512xf32, #tpu.memory_space<vmem>>, vector<16xf32>,
      %get3A_531 = arith.constant 2 : i32
      %get3A_532 = arith.index_cast %get3A_531 : i32 to index
      %get3A_533 = arith.index_cast %scan3A_136 : i32 to index
      %get3A_534 = arith.constant 128 : index
      %get3A_535 = tpu.vector_load %arg5[%get3A_532, %get3A_533, %get3A_534] {strides = array<i32>} : memref<4x8x512xf32, #tpu.memory_space<vmem>>, vector<16xf32>,
      %get3A_536 = arith.constant 3 : i32
      %get3A_537 = arith.index_cast %get3A_536 : i32 to index
      %get3A_538 = arith.index_cast %scan3A_136 : i32 to index
      %get3A_539 = arith.constant 128 : index
      %get3A_540 = tpu.vector_load %arg5[%get3A_537, %get3A_538, %get3A_539] {strides = array<i32>} : memref<4x8x512xf32, #tpu.memory_space<vmem>>, vector<16xf32>,
      %ge3A_541 = arith.cmpf oge, %get3A_525, %get3A_530 : vector<16xf32>
      %ge3A_542 = arith.cmpf oge, %get3A_525, %get3A_535 : vector<16xf32>
      %and3A_543 = arith.andi %ge3A_541, %ge3A_542 : vector<16xi1>
      %ge3A_544 = arith.cmpf oge, %get3A_525, %get3A_540 : vector<16xf32>
      %and3A_545 = arith.andi %and3A_543, %ge3A_544 : vector<16xi1>
      %select_n3A_546 = arith.select %and3A_545, %add3A_84, %broadcast_in_dim3A_81 : vector<16xi1>, vector<16xf32>
      %max3A_547 = arith.maximumf %max3A_499, %select_n3A_546 : vector<16xf32>
      %gt3A_548 = arith.cmpf ogt, %get3A_530, %get3A_525 : vector<16xf32>
      %ge3A_549 = arith.cmpf oge, %get3A_530, %get3A_535 : vector<16xf32>
      %and3A_550 = arith.andi %gt3A_548, %ge3A_549 : vector<16xi1>
      %ge3A_551 = arith.cmpf oge, %get3A_530, %get3A_540 : vector<16xf32>
      %and3A_552 = arith.andi %and3A_550, %ge3A_551 : vector<16xi1>
      %select_n3A_553 = arith.select %and3A_552, %add3A_84, %broadcast_in_dim3A_81 : vector<16xi1>, vector<16xf32>
      %max3A_554 = arith.maximumf %max3A_506, %select_n3A_553 : vector<16xf32>
      %gt3A_555 = arith.cmpf ogt, %get3A_535, %get3A_525 : vector<16xf32>
      %gt3A_556 = arith.cmpf ogt, %get3A_535, %get3A_530 : vector<16xf32>
      %and3A_557 = arith.andi %gt3A_555, %gt3A_556 : vector<16xi1>
      %ge3A_558 = arith.cmpf oge, %get3A_535, %get3A_540 : vector<16xf32>
      %and3A_559 = arith.andi %and3A_557, %ge3A_558 : vector<16xi1>
      %select_n3A_560 = arith.select %and3A_559, %add3A_84, %broadcast_in_dim3A_81 : vector<16xi1>, vector<16xf32>
      %max3A_561 = arith.maximumf %max3A_513, %select_n3A_560 : vector<16xf32>
      %gt3A_562 = arith.cmpf ogt, %get3A_540, %get3A_525 : vector<16xf32>
      %gt3A_563 = arith.cmpf ogt, %get3A_540, %get3A_530 : vector<16xf32>
      %and3A_564 = arith.andi %gt3A_562, %gt3A_563 : vector<16xi1>
      %gt3A_565 = arith.cmpf ogt, %get3A_540, %get3A_535 : vector<16xf32>
      %and3A_566 = arith.andi %and3A_564, %gt3A_565 : vector<16xi1>
      %select_n3A_567 = arith.select %and3A_566, %add3A_84, %broadcast_in_dim3A_81 : vector<16xi1>, vector<16xf32>
      %max3A_568 = arith.maximumf %max3A_520, %select_n3A_567 : vector<16xf32>
      %get3A_569 = arith.constant 0 : i32
      %get3A_570 = arith.index_cast %get3A_569 : i32 to index
      %get3A_571 = arith.index_cast %scan3A_136 : i32 to index
      %get3A_572 = arith.constant 144 : index
      %get3A_573 = tpu.vector_load %arg5[%get3A_570, %get3A_571, %get3A_572] {strides = array<i32>} : memref<4x8x512xf32, #tpu.memory_space<vmem>>, vector<16xf32>,
      %get3A_574 = arith.constant 1 : i32
      %get3A_575 = arith.index_cast %get3A_574 : i32 to index
      %get3A_576 = arith.index_cast %scan3A_136 : i32 to index
      %get3A_577 = arith.constant 144 : index
      %get3A_578 = tpu.vector_load %arg5[%get3A_575, %get3A_576, %get3A_577] {strides = array<i32>} : memref<4x8x512xf32, #tpu.memory_space<vmem>>, vector<16xf32>,
      %get3A_579 = arith.constant 2 : i32
      %get3A_580 = arith.index_cast %get3A_579 : i32 to index
      %get3A_581 = arith.index_cast %scan3A_136 : i32 to index
      %get3A_582 = arith.constant 144 : index
      %get3A_583 = tpu.vector_load %arg5[%get3A_580, %get3A_581, %get3A_582] {strides = array<i32>} : memref<4x8x512xf32, #tpu.memory_space<vmem>>, vector<16xf32>,
      %get3A_584 = arith.constant 3 : i32
      %get3A_585 = arith.index_cast %get3A_584 : i32 to index
      %get3A_586 = arith.index_cast %scan3A_136 : i32 to index
      %get3A_587 = arith.constant 144 : index
      %get3A_588 = tpu.vector_load %arg5[%get3A_585, %get3A_586, %get3A_587] {strides = array<i32>} : memref<4x8x512xf32, #tpu.memory_space<vmem>>, vector<16xf32>,
      %ge3A_589 = arith.cmpf oge, %get3A_573, %get3A_578 : vector<16xf32>
      %ge3A_590 = arith.cmpf oge, %get3A_573, %get3A_583 : vector<16xf32>
      %and3A_591 = arith.andi %ge3A_589, %ge3A_590 : vector<16xi1>
      %ge3A_592 = arith.cmpf oge, %get3A_573, %get3A_588 : vector<16xf32>
      %and3A_593 = arith.andi %and3A_591, %ge3A_592 : vector<16xi1>
      %select_n3A_594 = arith.select %and3A_593, %add3A_84, %broadcast_in_dim3A_81 : vector<16xi1>, vector<16xf32>
      %max3A_595 = arith.maximumf %max3A_547, %select_n3A_594 : vector<16xf32>
      %gt3A_596 = arith.cmpf ogt, %get3A_578, %get3A_573 : vector<16xf32>
      %ge3A_597 = arith.cmpf oge, %get3A_578, %get3A_583 : vector<16xf32>
      %and3A_598 = arith.andi %gt3A_596, %ge3A_597 : vector<16xi1>
      %ge3A_599 = arith.cmpf oge, %get3A_578, %get3A_588 : vector<16xf32>
      %and3A_600 = arith.andi %and3A_598, %ge3A_599 : vector<16xi1>
      %select_n3A_601 = arith.select %and3A_600, %add3A_84, %broadcast_in_dim3A_81 : vector<16xi1>, vector<16xf32>
      %max3A_602 = arith.maximumf %max3A_554, %select_n3A_601 : vector<16xf32>
      %gt3A_603 = arith.cmpf ogt, %get3A_583, %get3A_573 : vector<16xf32>
      %gt3A_604 = arith.cmpf ogt, %get3A_583, %get3A_578 : vector<16xf32>
      %and3A_605 = arith.andi %gt3A_603, %gt3A_604 : vector<16xi1>
      %ge3A_606 = arith.cmpf oge, %get3A_583, %get3A_588 : vector<16xf32>
      %and3A_607 = arith.andi %and3A_605, %ge3A_606 : vector<16xi1>
      %select_n3A_608 = arith.select %and3A_607, %add3A_84, %broadcast_in_dim3A_81 : vector<16xi1>, vector<16xf32>
      %max3A_609 = arith.maximumf %max3A_561, %select_n3A_608 : vector<16xf32>
      %gt3A_610 = arith.cmpf ogt, %get3A_588, %get3A_573 : vector<16xf32>
      %gt3A_611 = arith.cmpf ogt, %get3A_588, %get3A_578 : vector<16xf32>
      %and3A_612 = arith.andi %gt3A_610, %gt3A_611 : vector<16xi1>
      %gt3A_613 = arith.cmpf ogt, %get3A_588, %get3A_583 : vector<16xf32>
      %and3A_614 = arith.andi %and3A_612, %gt3A_613 : vector<16xi1>
      %select_n3A_615 = arith.select %and3A_614, %add3A_84, %broadcast_in_dim3A_81 : vector<16xi1>, vector<16xf32>
      %max3A_616 = arith.maximumf %max3A_568, %select_n3A_615 : vector<16xf32>
      %get3A_617 = arith.constant 0 : i32
      %get3A_618 = arith.index_cast %get3A_617 : i32 to index
      %get3A_619 = arith.index_cast %scan3A_136 : i32 to index
      %get3A_620 = arith.constant 160 : index
      %get3A_621 = tpu.vector_load %arg5[%get3A_618, %get3A_619, %get3A_620] {strides = array<i32>} : memref<4x8x512xf32, #tpu.memory_space<vmem>>, vector<16xf32>,
      %get3A_622 = arith.constant 1 : i32
      %get3A_623 = arith.index_cast %get3A_622 : i32 to index
      %get3A_624 = arith.index_cast %scan3A_136 : i32 to index
      %get3A_625 = arith.constant 160 : index
      %get3A_626 = tpu.vector_load %arg5[%get3A_623, %get3A_624, %get3A_625] {strides = array<i32>} : memref<4x8x512xf32, #tpu.memory_space<vmem>>, vector<16xf32>,
      %get3A_627 = arith.constant 2 : i32
      %get3A_628 = arith.index_cast %get3A_627 : i32 to index
      %get3A_629 = arith.index_cast %scan3A_136 : i32 to index
      %get3A_630 = arith.constant 160 : index
      %get3A_631 = tpu.vector_load %arg5[%get3A_628, %get3A_629, %get3A_630] {strides = array<i32>} : memref<4x8x512xf32, #tpu.memory_space<vmem>>, vector<16xf32>,
      %get3A_632 = arith.constant 3 : i32
      %get3A_633 = arith.index_cast %get3A_632 : i32 to index
      %get3A_634 = arith.index_cast %scan3A_136 : i32 to index
      %get3A_635 = arith.constant 160 : index
      %get3A_636 = tpu.vector_load %arg5[%get3A_633, %get3A_634, %get3A_635] {strides = array<i32>} : memref<4x8x512xf32, #tpu.memory_space<vmem>>, vector<16xf32>,
      %ge3A_637 = arith.cmpf oge, %get3A_621, %get3A_626 : vector<16xf32>
      %ge3A_638 = arith.cmpf oge, %get3A_621, %get3A_631 : vector<16xf32>
      %and3A_639 = arith.andi %ge3A_637, %ge3A_638 : vector<16xi1>
      %ge3A_640 = arith.cmpf oge, %get3A_621, %get3A_636 : vector<16xf32>
      %and3A_641 = arith.andi %and3A_639, %ge3A_640 : vector<16xi1>
      %select_n3A_642 = arith.select %and3A_641, %add3A_84, %broadcast_in_dim3A_81 : vector<16xi1>, vector<16xf32>
      %max3A_643 = arith.maximumf %max3A_595, %select_n3A_642 : vector<16xf32>
      %gt3A_644 = arith.cmpf ogt, %get3A_626, %get3A_621 : vector<16xf32>
      %ge3A_645 = arith.cmpf oge, %get3A_626, %get3A_631 : vector<16xf32>
      %and3A_646 = arith.andi %gt3A_644, %ge3A_645 : vector<16xi1>
      %ge3A_647 = arith.cmpf oge, %get3A_626, %get3A_636 : vector<16xf32>
      %and3A_648 = arith.andi %and3A_646, %ge3A_647 : vector<16xi1>
      %select_n3A_649 = arith.select %and3A_648, %add3A_84, %broadcast_in_dim3A_81 : vector<16xi1>, vector<16xf32>
      %max3A_650 = arith.maximumf %max3A_602, %select_n3A_649 : vector<16xf32>
      %gt3A_651 = arith.cmpf ogt, %get3A_631, %get3A_621 : vector<16xf32>
      %gt3A_652 = arith.cmpf ogt, %get3A_631, %get3A_626 : vector<16xf32>
      %and3A_653 = arith.andi %gt3A_651, %gt3A_652 : vector<16xi1>
      %ge3A_654 = arith.cmpf oge, %get3A_631, %get3A_636 : vector<16xf32>
      %and3A_655 = arith.andi %and3A_653, %ge3A_654 : vector<16xi1>
      %select_n3A_656 = arith.select %and3A_655, %add3A_84, %broadcast_in_dim3A_81 : vector<16xi1>, vector<16xf32>
      %max3A_657 = arith.maximumf %max3A_609, %select_n3A_656 : vector<16xf32>
      %gt3A_658 = arith.cmpf ogt, %get3A_636, %get3A_621 : vector<16xf32>
      %gt3A_659 = arith.cmpf ogt, %get3A_636, %get3A_626 : vector<16xf32>
      %and3A_660 = arith.andi %gt3A_658, %gt3A_659 : vector<16xi1>
      %gt3A_661 = arith.cmpf ogt, %get3A_636, %get3A_631 : vector<16xf32>
      %and3A_662 = arith.andi %and3A_660, %gt3A_661 : vector<16xi1>
      %select_n3A_663 = arith.select %and3A_662, %add3A_84, %broadcast_in_dim3A_81 : vector<16xi1>, vector<16xf32>
      %max3A_664 = arith.maximumf %max3A_616, %select_n3A_663 : vector<16xf32>
      %get3A_665 = arith.constant 0 : i32
      %get3A_666 = arith.index_cast %get3A_665 : i32 to index
      %get3A_667 = arith.index_cast %scan3A_136 : i32 to index
      %get3A_668 = arith.constant 176 : index
      %get3A_669 = tpu.vector_load %arg5[%get3A_666, %get3A_667, %get3A_668] {strides = array<i32>} : memref<4x8x512xf32, #tpu.memory_space<vmem>>, vector<16xf32>,
      %get3A_670 = arith.constant 1 : i32
      %get3A_671 = arith.index_cast %get3A_670 : i32 to index
      %get3A_672 = arith.index_cast %scan3A_136 : i32 to index
      %get3A_673 = arith.constant 176 : index
      %get3A_674 = tpu.vector_load %arg5[%get3A_671, %get3A_672, %get3A_673] {strides = array<i32>} : memref<4x8x512xf32, #tpu.memory_space<vmem>>, vector<16xf32>,
      %get3A_675 = arith.constant 2 : i32
      %get3A_676 = arith.index_cast %get3A_675 : i32 to index
      %get3A_677 = arith.index_cast %scan3A_136 : i32 to index
      %get3A_678 = arith.constant 176 : index
      %get3A_679 = tpu.vector_load %arg5[%get3A_676, %get3A_677, %get3A_678] {strides = array<i32>} : memref<4x8x512xf32, #tpu.memory_space<vmem>>, vector<16xf32>,
      %get3A_680 = arith.constant 3 : i32
      %get3A_681 = arith.index_cast %get3A_680 : i32 to index
      %get3A_682 = arith.index_cast %scan3A_136 : i32 to index
      %get3A_683 = arith.constant 176 : index
      %get3A_684 = tpu.vector_load %arg5[%get3A_681, %get3A_682, %get3A_683] {strides = array<i32>} : memref<4x8x512xf32, #tpu.memory_space<vmem>>, vector<16xf32>,
      %ge3A_685 = arith.cmpf oge, %get3A_669, %get3A_674 : vector<16xf32>
      %ge3A_686 = arith.cmpf oge, %get3A_669, %get3A_679 : vector<16xf32>
      %and3A_687 = arith.andi %ge3A_685, %ge3A_686 : vector<16xi1>
      %ge3A_688 = arith.cmpf oge, %get3A_669, %get3A_684 : vector<16xf32>
      %and3A_689 = arith.andi %and3A_687, %ge3A_688 : vector<16xi1>
      %select_n3A_690 = arith.select %and3A_689, %add3A_84, %broadcast_in_dim3A_81 : vector<16xi1>, vector<16xf32>
      %max3A_691 = arith.maximumf %max3A_643, %select_n3A_690 : vector<16xf32>
      %gt3A_692 = arith.cmpf ogt, %get3A_674, %get3A_669 : vector<16xf32>
      %ge3A_693 = arith.cmpf oge, %get3A_674, %get3A_679 : vector<16xf32>
      %and3A_694 = arith.andi %gt3A_692, %ge3A_693 : vector<16xi1>
      %ge3A_695 = arith.cmpf oge, %get3A_674, %get3A_684 : vector<16xf32>
      %and3A_696 = arith.andi %and3A_694, %ge3A_695 : vector<16xi1>
      %select_n3A_697 = arith.select %and3A_696, %add3A_84, %broadcast_in_dim3A_81 : vector<16xi1>, vector<16xf32>
      %max3A_698 = arith.maximumf %max3A_650, %select_n3A_697 : vector<16xf32>
      %gt3A_699 = arith.cmpf ogt, %get3A_679, %get3A_669 : vector<16xf32>
      %gt3A_700 = arith.cmpf ogt, %get3A_679, %get3A_674 : vector<16xf32>
      %and3A_701 = arith.andi %gt3A_699, %gt3A_700 : vector<16xi1>
      %ge3A_702 = arith.cmpf oge, %get3A_679, %get3A_684 : vector<16xf32>
      %and3A_703 = arith.andi %and3A_701, %ge3A_702 : vector<16xi1>
      %select_n3A_704 = arith.select %and3A_703, %add3A_84, %broadcast_in_dim3A_81 : vector<16xi1>, vector<16xf32>
      %max3A_705 = arith.maximumf %max3A_657, %select_n3A_704 : vector<16xf32>
      %gt3A_706 = arith.cmpf ogt, %get3A_684, %get3A_669 : vector<16xf32>
      %gt3A_707 = arith.cmpf ogt, %get3A_684, %get3A_674 : vector<16xf32>
      %and3A_708 = arith.andi %gt3A_706, %gt3A_707 : vector<16xi1>
      %gt3A_709 = arith.cmpf ogt, %get3A_684, %get3A_679 : vector<16xf32>
      %and3A_710 = arith.andi %and3A_708, %gt3A_709 : vector<16xi1>
      %select_n3A_711 = arith.select %and3A_710, %add3A_84, %broadcast_in_dim3A_81 : vector<16xi1>, vector<16xf32>
      %max3A_712 = arith.maximumf %max3A_664, %select_n3A_711 : vector<16xf32>
      %get3A_713 = arith.constant 0 : i32
      %get3A_714 = arith.index_cast %get3A_713 : i32 to index
      %get3A_715 = arith.index_cast %scan3A_136 : i32 to index
      %get3A_716 = arith.constant 192 : index
      %get3A_717 = tpu.vector_load %arg5[%get3A_714, %get3A_715, %get3A_716] {strides = array<i32>} : memref<4x8x512xf32, #tpu.memory_space<vmem>>, vector<16xf32>,
      %get3A_718 = arith.constant 1 : i32
      %get3A_719 = arith.index_cast %get3A_718 : i32 to index
      %get3A_720 = arith.index_cast %scan3A_136 : i32 to index
      %get3A_721 = arith.constant 192 : index
      %get3A_722 = tpu.vector_load %arg5[%get3A_719, %get3A_720, %get3A_721] {strides = array<i32>} : memref<4x8x512xf32, #tpu.memory_space<vmem>>, vector<16xf32>,
      %get3A_723 = arith.constant 2 : i32
      %get3A_724 = arith.index_cast %get3A_723 : i32 to index
      %get3A_725 = arith.index_cast %scan3A_136 : i32 to index
      %get3A_726 = arith.constant 192 : index
      %get3A_727 = tpu.vector_load %arg5[%get3A_724, %get3A_725, %get3A_726] {strides = array<i32>} : memref<4x8x512xf32, #tpu.memory_space<vmem>>, vector<16xf32>,
      %get3A_728 = arith.constant 3 : i32
      %get3A_729 = arith.index_cast %get3A_728 : i32 to index
      %get3A_730 = arith.index_cast %scan3A_136 : i32 to index
      %get3A_731 = arith.constant 192 : index
      %get3A_732 = tpu.vector_load %arg5[%get3A_729, %get3A_730, %get3A_731] {strides = array<i32>} : memref<4x8x512xf32, #tpu.memory_space<vmem>>, vector<16xf32>,
      %ge3A_733 = arith.cmpf oge, %get3A_717, %get3A_722 : vector<16xf32>
      %ge3A_734 = arith.cmpf oge, %get3A_717, %get3A_727 : vector<16xf32>
      %and3A_735 = arith.andi %ge3A_733, %ge3A_734 : vector<16xi1>
      %ge3A_736 = arith.cmpf oge, %get3A_717, %get3A_732 : vector<16xf32>
      %and3A_737 = arith.andi %and3A_735, %ge3A_736 : vector<16xi1>
      %select_n3A_738 = arith.select %and3A_737, %add3A_84, %broadcast_in_dim3A_81 : vector<16xi1>, vector<16xf32>
      %max3A_739 = arith.maximumf %max3A_691, %select_n3A_738 : vector<16xf32>
      %gt3A_740 = arith.cmpf ogt, %get3A_722, %get3A_717 : vector<16xf32>
      %ge3A_741 = arith.cmpf oge, %get3A_722, %get3A_727 : vector<16xf32>
      %and3A_742 = arith.andi %gt3A_740, %ge3A_741 : vector<16xi1>
      %ge3A_743 = arith.cmpf oge, %get3A_722, %get3A_732 : vector<16xf32>
      %and3A_744 = arith.andi %and3A_742, %ge3A_743 : vector<16xi1>
      %select_n3A_745 = arith.select %and3A_744, %add3A_84, %broadcast_in_dim3A_81 : vector<16xi1>, vector<16xf32>
      %max3A_746 = arith.maximumf %max3A_698, %select_n3A_745 : vector<16xf32>
      %gt3A_747 = arith.cmpf ogt, %get3A_727, %get3A_717 : vector<16xf32>
      %gt3A_748 = arith.cmpf ogt, %get3A_727, %get3A_722 : vector<16xf32>
      %and3A_749 = arith.andi %gt3A_747, %gt3A_748 : vector<16xi1>
      %ge3A_750 = arith.cmpf oge, %get3A_727, %get3A_732 : vector<16xf32>
      %and3A_751 = arith.andi %and3A_749, %ge3A_750 : vector<16xi1>
      %select_n3A_752 = arith.select %and3A_751, %add3A_84, %broadcast_in_dim3A_81 : vector<16xi1>, vector<16xf32>
      %max3A_753 = arith.maximumf %max3A_705, %select_n3A_752 : vector<16xf32>
      %gt3A_754 = arith.cmpf ogt, %get3A_732, %get3A_717 : vector<16xf32>
      %gt3A_755 = arith.cmpf ogt, %get3A_732, %get3A_722 : vector<16xf32>
      %and3A_756 = arith.andi %gt3A_754, %gt3A_755 : vector<16xi1>
      %gt3A_757 = arith.cmpf ogt, %get3A_732, %get3A_727 : vector<16xf32>
      %and3A_758 = arith.andi %and3A_756, %gt3A_757 : vector<16xi1>
      %select_n3A_759 = arith.select %and3A_758, %add3A_84, %broadcast_in_dim3A_81 : vector<16xi1>, vector<16xf32>
      %max3A_760 = arith.maximumf %max3A_712, %select_n3A_759 : vector<16xf32>
      %get3A_761 = arith.constant 0 : i32
      %get3A_762 = arith.index_cast %get3A_761 : i32 to index
      %get3A_763 = arith.index_cast %scan3A_136 : i32 to index
      %get3A_764 = arith.constant 208 : index
      %get3A_765 = tpu.vector_load %arg5[%get3A_762, %get3A_763, %get3A_764] {strides = array<i32>} : memref<4x8x512xf32, #tpu.memory_space<vmem>>, vector<16xf32>,
      %get3A_766 = arith.constant 1 : i32
      %get3A_767 = arith.index_cast %get3A_766 : i32 to index
      %get3A_768 = arith.index_cast %scan3A_136 : i32 to index
      %get3A_769 = arith.constant 208 : index
      %get3A_770 = tpu.vector_load %arg5[%get3A_767, %get3A_768, %get3A_769] {strides = array<i32>} : memref<4x8x512xf32, #tpu.memory_space<vmem>>, vector<16xf32>,
      %get3A_771 = arith.constant 2 : i32
      %get3A_772 = arith.index_cast %get3A_771 : i32 to index
      %get3A_773 = arith.index_cast %scan3A_136 : i32 to index
      %get3A_774 = arith.constant 208 : index
      %get3A_775 = tpu.vector_load %arg5[%get3A_772, %get3A_773, %get3A_774] {strides = array<i32>} : memref<4x8x512xf32, #tpu.memory_space<vmem>>, vector<16xf32>,
      %get3A_776 = arith.constant 3 : i32
      %get3A_777 = arith.index_cast %get3A_776 : i32 to index
      %get3A_778 = arith.index_cast %scan3A_136 : i32 to index
      %get3A_779 = arith.constant 208 : index
      %get3A_780 = tpu.vector_load %arg5[%get3A_777, %get3A_778, %get3A_779] {strides = array<i32>} : memref<4x8x512xf32, #tpu.memory_space<vmem>>, vector<16xf32>,
      %ge3A_781 = arith.cmpf oge, %get3A_765, %get3A_770 : vector<16xf32>
      %ge3A_782 = arith.cmpf oge, %get3A_765, %get3A_775 : vector<16xf32>
      %and3A_783 = arith.andi %ge3A_781, %ge3A_782 : vector<16xi1>
      %ge3A_784 = arith.cmpf oge, %get3A_765, %get3A_780 : vector<16xf32>
      %and3A_785 = arith.andi %and3A_783, %ge3A_784 : vector<16xi1>
      %select_n3A_786 = arith.select %and3A_785, %add3A_84, %broadcast_in_dim3A_81 : vector<16xi1>, vector<16xf32>
      %max3A_787 = arith.maximumf %max3A_739, %select_n3A_786 : vector<16xf32>
      %gt3A_788 = arith.cmpf ogt, %get3A_770, %get3A_765 : vector<16xf32>
      %ge3A_789 = arith.cmpf oge, %get3A_770, %get3A_775 : vector<16xf32>
      %and3A_790 = arith.andi %gt3A_788, %ge3A_789 : vector<16xi1>
      %ge3A_791 = arith.cmpf oge, %get3A_770, %get3A_780 : vector<16xf32>
      %and3A_792 = arith.andi %and3A_790, %ge3A_791 : vector<16xi1>
      %select_n3A_793 = arith.select %and3A_792, %add3A_84, %broadcast_in_dim3A_81 : vector<16xi1>, vector<16xf32>
      %max3A_794 = arith.maximumf %max3A_746, %select_n3A_793 : vector<16xf32>
      %gt3A_795 = arith.cmpf ogt, %get3A_775, %get3A_765 : vector<16xf32>
      %gt3A_796 = arith.cmpf ogt, %get3A_775, %get3A_770 : vector<16xf32>
      %and3A_797 = arith.andi %gt3A_795, %gt3A_796 : vector<16xi1>
      %ge3A_798 = arith.cmpf oge, %get3A_775, %get3A_780 : vector<16xf32>
      %and3A_799 = arith.andi %and3A_797, %ge3A_798 : vector<16xi1>
      %select_n3A_800 = arith.select %and3A_799, %add3A_84, %broadcast_in_dim3A_81 : vector<16xi1>, vector<16xf32>
      %max3A_801 = arith.maximumf %max3A_753, %select_n3A_800 : vector<16xf32>
      %gt3A_802 = arith.cmpf ogt, %get3A_780, %get3A_765 : vector<16xf32>
      %gt3A_803 = arith.cmpf ogt, %get3A_780, %get3A_770 : vector<16xf32>
      %and3A_804 = arith.andi %gt3A_802, %gt3A_803 : vector<16xi1>
      %gt3A_805 = arith.cmpf ogt, %get3A_780, %get3A_775 : vector<16xf32>
      %and3A_806 = arith.andi %and3A_804, %gt3A_805 : vector<16xi1>
      %select_n3A_807 = arith.select %and3A_806, %add3A_84, %broadcast_in_dim3A_81 : vector<16xi1>, vector<16xf32>
      %max3A_808 = arith.maximumf %max3A_760, %select_n3A_807 : vector<16xf32>
      %get3A_809 = arith.constant 0 : i32
      %get3A_810 = arith.index_cast %get3A_809 : i32 to index
      %get3A_811 = arith.index_cast %scan3A_136 : i32 to index
      %get3A_812 = arith.constant 224 : index
      %get3A_813 = tpu.vector_load %arg5[%get3A_810, %get3A_811, %get3A_812] {strides = array<i32>} : memref<4x8x512xf32, #tpu.memory_space<vmem>>, vector<16xf32>,
      %get3A_814 = arith.constant 1 : i32
      %get3A_815 = arith.index_cast %get3A_814 : i32 to index
      %get3A_816 = arith.index_cast %scan3A_136 : i32 to index
      %get3A_817 = arith.constant 224 : index
      %get3A_818 = tpu.vector_load %arg5[%get3A_815, %get3A_816, %get3A_817] {strides = array<i32>} : memref<4x8x512xf32, #tpu.memory_space<vmem>>, vector<16xf32>,
      %get3A_819 = arith.constant 2 : i32
      %get3A_820 = arith.index_cast %get3A_819 : i32 to index
      %get3A_821 = arith.index_cast %scan3A_136 : i32 to index
      %get3A_822 = arith.constant 224 : index
      %get3A_823 = tpu.vector_load %arg5[%get3A_820, %get3A_821, %get3A_822] {strides = array<i32>} : memref<4x8x512xf32, #tpu.memory_space<vmem>>, vector<16xf32>,
      %get3A_824 = arith.constant 3 : i32
      %get3A_825 = arith.index_cast %get3A_824 : i32 to index
      %get3A_826 = arith.index_cast %scan3A_136 : i32 to index
      %get3A_827 = arith.constant 224 : index
      %get3A_828 = tpu.vector_load %arg5[%get3A_825, %get3A_826, %get3A_827] {strides = array<i32>} : memref<4x8x512xf32, #tpu.memory_space<vmem>>, vector<16xf32>,
      %ge3A_829 = arith.cmpf oge, %get3A_813, %get3A_818 : vector<16xf32>
      %ge3A_830 = arith.cmpf oge, %get3A_813, %get3A_823 : vector<16xf32>
      %and3A_831 = arith.andi %ge3A_829, %ge3A_830 : vector<16xi1>
      %ge3A_832 = arith.cmpf oge, %get3A_813, %get3A_828 : vector<16xf32>
      %and3A_833 = arith.andi %and3A_831, %ge3A_832 : vector<16xi1>
      %select_n3A_834 = arith.select %and3A_833, %add3A_84, %broadcast_in_dim3A_81 : vector<16xi1>, vector<16xf32>
      %max3A_835 = arith.maximumf %max3A_787, %select_n3A_834 : vector<16xf32>
      %gt3A_836 = arith.cmpf ogt, %get3A_818, %get3A_813 : vector<16xf32>
      %ge3A_837 = arith.cmpf oge, %get3A_818, %get3A_823 : vector<16xf32>
      %and3A_838 = arith.andi %gt3A_836, %ge3A_837 : vector<16xi1>
      %ge3A_839 = arith.cmpf oge, %get3A_818, %get3A_828 : vector<16xf32>
      %and3A_840 = arith.andi %and3A_838, %ge3A_839 : vector<16xi1>
      %select_n3A_841 = arith.select %and3A_840, %add3A_84, %broadcast_in_dim3A_81 : vector<16xi1>, vector<16xf32>
      %max3A_842 = arith.maximumf %max3A_794, %select_n3A_841 : vector<16xf32>
      %gt3A_843 = arith.cmpf ogt, %get3A_823, %get3A_813 : vector<16xf32>
      %gt3A_844 = arith.cmpf ogt, %get3A_823, %get3A_818 : vector<16xf32>
      %and3A_845 = arith.andi %gt3A_843, %gt3A_844 : vector<16xi1>
      %ge3A_846 = arith.cmpf oge, %get3A_823, %get3A_828 : vector<16xf32>
      %and3A_847 = arith.andi %and3A_845, %ge3A_846 : vector<16xi1>
      %select_n3A_848 = arith.select %and3A_847, %add3A_84, %broadcast_in_dim3A_81 : vector<16xi1>, vector<16xf32>
      %max3A_849 = arith.maximumf %max3A_801, %select_n3A_848 : vector<16xf32>
      %gt3A_850 = arith.cmpf ogt, %get3A_828, %get3A_813 : vector<16xf32>
      %gt3A_851 = arith.cmpf ogt, %get3A_828, %get3A_818 : vector<16xf32>
      %and3A_852 = arith.andi %gt3A_850, %gt3A_851 : vector<16xi1>
      %gt3A_853 = arith.cmpf ogt, %get3A_828, %get3A_823 : vector<16xf32>
      %and3A_854 = arith.andi %and3A_852, %gt3A_853 : vector<16xi1>
      %select_n3A_855 = arith.select %and3A_854, %add3A_84, %broadcast_in_dim3A_81 : vector<16xi1>, vector<16xf32>
      %max3A_856 = arith.maximumf %max3A_808, %select_n3A_855 : vector<16xf32>
      %get3A_857 = arith.constant 0 : i32
      %get3A_858 = arith.index_cast %get3A_857 : i32 to index
      %get3A_859 = arith.index_cast %scan3A_136 : i32 to index
      %get3A_860 = arith.constant 240 : index
      %get3A_861 = tpu.vector_load %arg5[%get3A_858, %get3A_859, %get3A_860] {strides = array<i32>} : memref<4x8x512xf32, #tpu.memory_space<vmem>>, vector<16xf32>,
      %get3A_862 = arith.constant 1 : i32
      %get3A_863 = arith.index_cast %get3A_862 : i32 to index
      %get3A_864 = arith.index_cast %scan3A_136 : i32 to index
      %get3A_865 = arith.constant 240 : index
      %get3A_866 = tpu.vector_load %arg5[%get3A_863, %get3A_864, %get3A_865] {strides = array<i32>} : memref<4x8x512xf32, #tpu.memory_space<vmem>>, vector<16xf32>,
      %get3A_867 = arith.constant 2 : i32
      %get3A_868 = arith.index_cast %get3A_867 : i32 to index
      %get3A_869 = arith.index_cast %scan3A_136 : i32 to index
      %get3A_870 = arith.constant 240 : index
      %get3A_871 = tpu.vector_load %arg5[%get3A_868, %get3A_869, %get3A_870] {strides = array<i32>} : memref<4x8x512xf32, #tpu.memory_space<vmem>>, vector<16xf32>,
      %get3A_872 = arith.constant 3 : i32
      %get3A_873 = arith.index_cast %get3A_872 : i32 to index
      %get3A_874 = arith.index_cast %scan3A_136 : i32 to index
      %get3A_875 = arith.constant 240 : index
      %get3A_876 = tpu.vector_load %arg5[%get3A_873, %get3A_874, %get3A_875] {strides = array<i32>} : memref<4x8x512xf32, #tpu.memory_space<vmem>>, vector<16xf32>,
      %ge3A_877 = arith.cmpf oge, %get3A_861, %get3A_866 : vector<16xf32>
      %ge3A_878 = arith.cmpf oge, %get3A_861, %get3A_871 : vector<16xf32>
      %and3A_879 = arith.andi %ge3A_877, %ge3A_878 : vector<16xi1>
      %ge3A_880 = arith.cmpf oge, %get3A_861, %get3A_876 : vector<16xf32>
      %and3A_881 = arith.andi %and3A_879, %ge3A_880 : vector<16xi1>
      %select_n3A_882 = arith.select %and3A_881, %add3A_84, %broadcast_in_dim3A_81 : vector<16xi1>, vector<16xf32>
      %max3A_883 = arith.maximumf %max3A_835, %select_n3A_882 : vector<16xf32>
      %gt3A_884 = arith.cmpf ogt, %get3A_866, %get3A_861 : vector<16xf32>
      %ge3A_885 = arith.cmpf oge, %get3A_866, %get3A_871 : vector<16xf32>
      %and3A_886 = arith.andi %gt3A_884, %ge3A_885 : vector<16xi1>
      %ge3A_887 = arith.cmpf oge, %get3A_866, %get3A_876 : vector<16xf32>
      %and3A_888 = arith.andi %and3A_886, %ge3A_887 : vector<16xi1>
      %select_n3A_889 = arith.select %and3A_888, %add3A_84, %broadcast_in_dim3A_81 : vector<16xi1>, vector<16xf32>
      %max3A_890 = arith.maximumf %max3A_842, %select_n3A_889 : vector<16xf32>
      %gt3A_891 = arith.cmpf ogt, %get3A_871, %get3A_861 : vector<16xf32>
      %gt3A_892 = arith.cmpf ogt, %get3A_871, %get3A_866 : vector<16xf32>
      %and3A_893 = arith.andi %gt3A_891, %gt3A_892 : vector<16xi1>
      %ge3A_894 = arith.cmpf oge, %get3A_871, %get3A_876 : vector<16xf32>
      %and3A_895 = arith.andi %and3A_893, %ge3A_894 : vector<16xi1>
      %select_n3A_896 = arith.select %and3A_895, %add3A_84, %broadcast_in_dim3A_81 : vector<16xi1>, vector<16xf32>
      %max3A_897 = arith.maximumf %max3A_849, %select_n3A_896 : vector<16xf32>
      %gt3A_898 = arith.cmpf ogt, %get3A_876, %get3A_861 : vector<16xf32>
      %gt3A_899 = arith.cmpf ogt, %get3A_876, %get3A_866 : vector<16xf32>
      %and3A_900 = arith.andi %gt3A_898, %gt3A_899 : vector<16xi1>
      %gt3A_901 = arith.cmpf ogt, %get3A_876, %get3A_871 : vector<16xf32>
      %and3A_902 = arith.andi %and3A_900, %gt3A_901 : vector<16xi1>
      %select_n3A_903 = arith.select %and3A_902, %add3A_84, %broadcast_in_dim3A_81 : vector<16xi1>, vector<16xf32>
      %max3A_904 = arith.maximumf %max3A_856, %select_n3A_903 : vector<16xf32>
      %get3A_905 = arith.constant 0 : i32
      %get3A_906 = arith.index_cast %get3A_905 : i32 to index
      %get3A_907 = arith.index_cast %scan3A_136 : i32 to index
      %get3A_908 = arith.constant 256 : index
      %get3A_909 = tpu.vector_load %arg5[%get3A_906, %get3A_907, %get3A_908] {strides = array<i32>} : memref<4x8x512xf32, #tpu.memory_space<vmem>>, vector<16xf32>,
      %get3A_910 = arith.constant 1 : i32
      %get3A_911 = arith.index_cast %get3A_910 : i32 to index
      %get3A_912 = arith.index_cast %scan3A_136 : i32 to index
      %get3A_913 = arith.constant 256 : index
      %get3A_914 = tpu.vector_load %arg5[%get3A_911, %get3A_912, %get3A_913] {strides = array<i32>} : memref<4x8x512xf32, #tpu.memory_space<vmem>>, vector<16xf32>,
      %get3A_915 = arith.constant 2 : i32
      %get3A_916 = arith.index_cast %get3A_915 : i32 to index
      %get3A_917 = arith.index_cast %scan3A_136 : i32 to index
      %get3A_918 = arith.constant 256 : index
      %get3A_919 = tpu.vector_load %arg5[%get3A_916, %get3A_917, %get3A_918] {strides = array<i32>} : memref<4x8x512xf32, #tpu.memory_space<vmem>>, vector<16xf32>,
      %get3A_920 = arith.constant 3 : i32
      %get3A_921 = arith.index_cast %get3A_920 : i32 to index
      %get3A_922 = arith.index_cast %scan3A_136 : i32 to index
      %get3A_923 = arith.constant 256 : index
      %get3A_924 = tpu.vector_load %arg5[%get3A_921, %get3A_922, %get3A_923] {strides = array<i32>} : memref<4x8x512xf32, #tpu.memory_space<vmem>>, vector<16xf32>,
      %ge3A_925 = arith.cmpf oge, %get3A_909, %get3A_914 : vector<16xf32>
      %ge3A_926 = arith.cmpf oge, %get3A_909, %get3A_919 : vector<16xf32>
      %and3A_927 = arith.andi %ge3A_925, %ge3A_926 : vector<16xi1>
      %ge3A_928 = arith.cmpf oge, %get3A_909, %get3A_924 : vector<16xf32>
      %and3A_929 = arith.andi %and3A_927, %ge3A_928 : vector<16xi1>
      %select_n3A_930 = arith.select %and3A_929, %add3A_84, %broadcast_in_dim3A_81 : vector<16xi1>, vector<16xf32>
      %max3A_931 = arith.maximumf %max3A_883, %select_n3A_930 : vector<16xf32>
      %gt3A_932 = arith.cmpf ogt, %get3A_914, %get3A_909 : vector<16xf32>
      %ge3A_933 = arith.cmpf oge, %get3A_914, %get3A_919 : vector<16xf32>
      %and3A_934 = arith.andi %gt3A_932, %ge3A_933 : vector<16xi1>
      %ge3A_935 = arith.cmpf oge, %get3A_914, %get3A_924 : vector<16xf32>
      %and3A_936 = arith.andi %and3A_934, %ge3A_935 : vector<16xi1>
      %select_n3A_937 = arith.select %and3A_936, %add3A_84, %broadcast_in_dim3A_81 : vector<16xi1>, vector<16xf32>
      %max3A_938 = arith.maximumf %max3A_890, %select_n3A_937 : vector<16xf32>
      %gt3A_939 = arith.cmpf ogt, %get3A_919, %get3A_909 : vector<16xf32>
      %gt3A_940 = arith.cmpf ogt, %get3A_919, %get3A_914 : vector<16xf32>
      %and3A_941 = arith.andi %gt3A_939, %gt3A_940 : vector<16xi1>
      %ge3A_942 = arith.cmpf oge, %get3A_919, %get3A_924 : vector<16xf32>
      %and3A_943 = arith.andi %and3A_941, %ge3A_942 : vector<16xi1>
      %select_n3A_944 = arith.select %and3A_943, %add3A_84, %broadcast_in_dim3A_81 : vector<16xi1>, vector<16xf32>
      %max3A_945 = arith.maximumf %max3A_897, %select_n3A_944 : vector<16xf32>
      %gt3A_946 = arith.cmpf ogt, %get3A_924, %get3A_909 : vector<16xf32>
      %gt3A_947 = arith.cmpf ogt, %get3A_924, %get3A_914 : vector<16xf32>
      %and3A_948 = arith.andi %gt3A_946, %gt3A_947 : vector<16xi1>
      %gt3A_949 = arith.cmpf ogt, %get3A_924, %get3A_919 : vector<16xf32>
      %and3A_950 = arith.andi %and3A_948, %gt3A_949 : vector<16xi1>
      %select_n3A_951 = arith.select %and3A_950, %add3A_84, %broadcast_in_dim3A_81 : vector<16xi1>, vector<16xf32>
      %max3A_952 = arith.maximumf %max3A_904, %select_n3A_951 : vector<16xf32>
      %get3A_953 = arith.constant 0 : i32
      %get3A_954 = arith.index_cast %get3A_953 : i32 to index
      %get3A_955 = arith.index_cast %scan3A_136 : i32 to index
      %get3A_956 = arith.constant 272 : index
      %get3A_957 = tpu.vector_load %arg5[%get3A_954, %get3A_955, %get3A_956] {strides = array<i32>} : memref<4x8x512xf32, #tpu.memory_space<vmem>>, vector<16xf32>,
      %get3A_958 = arith.constant 1 : i32
      %get3A_959 = arith.index_cast %get3A_958 : i32 to index
      %get3A_960 = arith.index_cast %scan3A_136 : i32 to index
      %get3A_961 = arith.constant 272 : index
      %get3A_962 = tpu.vector_load %arg5[%get3A_959, %get3A_960, %get3A_961] {strides = array<i32>} : memref<4x8x512xf32, #tpu.memory_space<vmem>>, vector<16xf32>,
      %get3A_963 = arith.constant 2 : i32
      %get3A_964 = arith.index_cast %get3A_963 : i32 to index
      %get3A_965 = arith.index_cast %scan3A_136 : i32 to index
      %get3A_966 = arith.constant 272 : index
      %get3A_967 = tpu.vector_load %arg5[%get3A_964, %get3A_965, %get3A_966] {strides = array<i32>} : memref<4x8x512xf32, #tpu.memory_space<vmem>>, vector<16xf32>,
      %get3A_968 = arith.constant 3 : i32
      %get3A_969 = arith.index_cast %get3A_968 : i32 to index
      %get3A_970 = arith.index_cast %scan3A_136 : i32 to index
      %get3A_971 = arith.constant 272 : index
      %get3A_972 = tpu.vector_load %arg5[%get3A_969, %get3A_970, %get3A_971] {strides = array<i32>} : memref<4x8x512xf32, #tpu.memory_space<vmem>>, vector<16xf32>,
      %ge3A_973 = arith.cmpf oge, %get3A_957, %get3A_962 : vector<16xf32>
      %ge3A_974 = arith.cmpf oge, %get3A_957, %get3A_967 : vector<16xf32>
      %and3A_975 = arith.andi %ge3A_973, %ge3A_974 : vector<16xi1>
      %ge3A_976 = arith.cmpf oge, %get3A_957, %get3A_972 : vector<16xf32>
      %and3A_977 = arith.andi %and3A_975, %ge3A_976 : vector<16xi1>
      %select_n3A_978 = arith.select %and3A_977, %add3A_84, %broadcast_in_dim3A_81 : vector<16xi1>, vector<16xf32>
      %max3A_979 = arith.maximumf %max3A_931, %select_n3A_978 : vector<16xf32>
      %gt3A_980 = arith.cmpf ogt, %get3A_962, %get3A_957 : vector<16xf32>
      %ge3A_981 = arith.cmpf oge, %get3A_962, %get3A_967 : vector<16xf32>
      %and3A_982 = arith.andi %gt3A_980, %ge3A_981 : vector<16xi1>
      %ge3A_983 = arith.cmpf oge, %get3A_962, %get3A_972 : vector<16xf32>
      %and3A_984 = arith.andi %and3A_982, %ge3A_983 : vector<16xi1>
      %select_n3A_985 = arith.select %and3A_984, %add3A_84, %broadcast_in_dim3A_81 : vector<16xi1>, vector<16xf32>
      %max3A_986 = arith.maximumf %max3A_938, %select_n3A_985 : vector<16xf32>
      %gt3A_987 = arith.cmpf ogt, %get3A_967, %get3A_957 : vector<16xf32>
      %gt3A_988 = arith.cmpf ogt, %get3A_967, %get3A_962 : vector<16xf32>
      %and3A_989 = arith.andi %gt3A_987, %gt3A_988 : vector<16xi1>
      %ge3A_990 = arith.cmpf oge, %get3A_967, %get3A_972 : vector<16xf32>
      %and3A_991 = arith.andi %and3A_989, %ge3A_990 : vector<16xi1>
      %select_n3A_992 = arith.select %and3A_991, %add3A_84, %broadcast_in_dim3A_81 : vector<16xi1>, vector<16xf32>
      %max3A_993 = arith.maximumf %max3A_945, %select_n3A_992 : vector<16xf32>
      %gt3A_994 = arith.cmpf ogt, %get3A_972, %get3A_957 : vector<16xf32>
      %gt3A_995 = arith.cmpf ogt, %get3A_972, %get3A_962 : vector<16xf32>
      %and3A_996 = arith.andi %gt3A_994, %gt3A_995 : vector<16xi1>
      %gt3A_997 = arith.cmpf ogt, %get3A_972, %get3A_967 : vector<16xf32>
      %and3A_998 = arith.andi %and3A_996, %gt3A_997 : vector<16xi1>
      %select_n3A_999 = arith.select %and3A_998, %add3A_84, %broadcast_in_dim3A_81 : vector<16xi1>, vector<16xf32>
      %max3A_1000 = arith.maximumf %max3A_952, %select_n3A_999 : vector<16xf32>
      %get3A_1001 = arith.constant 0 : i32
      %get3A_1002 = arith.index_cast %get3A_1001 : i32 to index
      %get3A_1003 = arith.index_cast %scan3A_136 : i32 to index
      %get3A_1004 = arith.constant 288 : index
      %get3A_1005 = tpu.vector_load %arg5[%get3A_1002, %get3A_1003, %get3A_1004] {strides = array<i32>} : memref<4x8x512xf32, #tpu.memory_space<vmem>>, vector<16xf32>,
      %get3A_1006 = arith.constant 1 : i32
      %get3A_1007 = arith.index_cast %get3A_1006 : i32 to index
      %get3A_1008 = arith.index_cast %scan3A_136 : i32 to index
      %get3A_1009 = arith.constant 288 : index
      %get3A_1010 = tpu.vector_load %arg5[%get3A_1007, %get3A_1008, %get3A_1009] {strides = array<i32>} : memref<4x8x512xf32, #tpu.memory_space<vmem>>, vector<16xf32>,
      %get3A_1011 = arith.constant 2 : i32
      %get3A_1012 = arith.index_cast %get3A_1011 : i32 to index
      %get3A_1013 = arith.index_cast %scan3A_136 : i32 to index
      %get3A_1014 = arith.constant 288 : index
      %get3A_1015 = tpu.vector_load %arg5[%get3A_1012, %get3A_1013, %get3A_1014] {strides = array<i32>} : memref<4x8x512xf32, #tpu.memory_space<vmem>>, vector<16xf32>,
      %get3A_1016 = arith.constant 3 : i32
      %get3A_1017 = arith.index_cast %get3A_1016 : i32 to index
      %get3A_1018 = arith.index_cast %scan3A_136 : i32 to index
      %get3A_1019 = arith.constant 288 : index
      %get3A_1020 = tpu.vector_load %arg5[%get3A_1017, %get3A_1018, %get3A_1019] {strides = array<i32>} : memref<4x8x512xf32, #tpu.memory_space<vmem>>, vector<16xf32>,
      %ge3A_1021 = arith.cmpf oge, %get3A_1005, %get3A_1010 : vector<16xf32>
      %ge3A_1022 = arith.cmpf oge, %get3A_1005, %get3A_1015 : vector<16xf32>
      %and3A_1023 = arith.andi %ge3A_1021, %ge3A_1022 : vector<16xi1>
      %ge3A_1024 = arith.cmpf oge, %get3A_1005, %get3A_1020 : vector<16xf32>
      %and3A_1025 = arith.andi %and3A_1023, %ge3A_1024 : vector<16xi1>
      %select_n3A_1026 = arith.select %and3A_1025, %add3A_84, %broadcast_in_dim3A_81 : vector<16xi1>, vector<16xf32>
      %max3A_1027 = arith.maximumf %max3A_979, %select_n3A_1026 : vector<16xf32>
      %gt3A_1028 = arith.cmpf ogt, %get3A_1010, %get3A_1005 : vector<16xf32>
      %ge3A_1029 = arith.cmpf oge, %get3A_1010, %get3A_1015 : vector<16xf32>
      %and3A_1030 = arith.andi %gt3A_1028, %ge3A_1029 : vector<16xi1>
      %ge3A_1031 = arith.cmpf oge, %get3A_1010, %get3A_1020 : vector<16xf32>
      %and3A_1032 = arith.andi %and3A_1030, %ge3A_1031 : vector<16xi1>
      %select_n3A_1033 = arith.select %and3A_1032, %add3A_84, %broadcast_in_dim3A_81 : vector<16xi1>, vector<16xf32>
      %max3A_1034 = arith.maximumf %max3A_986, %select_n3A_1033 : vector<16xf32>
      %gt3A_1035 = arith.cmpf ogt, %get3A_1015, %get3A_1005 : vector<16xf32>
      %gt3A_1036 = arith.cmpf ogt, %get3A_1015, %get3A_1010 : vector<16xf32>
      %and3A_1037 = arith.andi %gt3A_1035, %gt3A_1036 : vector<16xi1>
      %ge3A_1038 = arith.cmpf oge, %get3A_1015, %get3A_1020 : vector<16xf32>
      %and3A_1039 = arith.andi %and3A_1037, %ge3A_1038 : vector<16xi1>
      %select_n3A_1040 = arith.select %and3A_1039, %add3A_84, %broadcast_in_dim3A_81 : vector<16xi1>, vector<16xf32>
      %max3A_1041 = arith.maximumf %max3A_993, %select_n3A_1040 : vector<16xf32>
      %gt3A_1042 = arith.cmpf ogt, %get3A_1020, %get3A_1005 : vector<16xf32>
      %gt3A_1043 = arith.cmpf ogt, %get3A_1020, %get3A_1010 : vector<16xf32>
      %and3A_1044 = arith.andi %gt3A_1042, %gt3A_1043 : vector<16xi1>
      %gt3A_1045 = arith.cmpf ogt, %get3A_1020, %get3A_1015 : vector<16xf32>
      %and3A_1046 = arith.andi %and3A_1044, %gt3A_1045 : vector<16xi1>
      %select_n3A_1047 = arith.select %and3A_1046, %add3A_84, %broadcast_in_dim3A_81 : vector<16xi1>, vector<16xf32>
      %max3A_1048 = arith.maximumf %max3A_1000, %select_n3A_1047 : vector<16xf32>
      %get3A_1049 = arith.constant 0 : i32
      %get3A_1050 = arith.index_cast %get3A_1049 : i32 to index
      %get3A_1051 = arith.index_cast %scan3A_136 : i32 to index
      %get3A_1052 = arith.constant 304 : index
      %get3A_1053 = tpu.vector_load %arg5[%get3A_1050, %get3A_1051, %get3A_1052] {strides = array<i32>} : memref<4x8x512xf32, #tpu.memory_space<vmem>>, vector<16xf32>,
      %get3A_1054 = arith.constant 1 : i32
      %get3A_1055 = arith.index_cast %get3A_1054 : i32 to index
      %get3A_1056 = arith.index_cast %scan3A_136 : i32 to index
      %get3A_1057 = arith.constant 304 : index
      %get3A_1058 = tpu.vector_load %arg5[%get3A_1055, %get3A_1056, %get3A_1057] {strides = array<i32>} : memref<4x8x512xf32, #tpu.memory_space<vmem>>, vector<16xf32>,
      %get3A_1059 = arith.constant 2 : i32
      %get3A_1060 = arith.index_cast %get3A_1059 : i32 to index
      %get3A_1061 = arith.index_cast %scan3A_136 : i32 to index
      %get3A_1062 = arith.constant 304 : index
      %get3A_1063 = tpu.vector_load %arg5[%get3A_1060, %get3A_1061, %get3A_1062] {strides = array<i32>} : memref<4x8x512xf32, #tpu.memory_space<vmem>>, vector<16xf32>,
      %get3A_1064 = arith.constant 3 : i32
      %get3A_1065 = arith.index_cast %get3A_1064 : i32 to index
      %get3A_1066 = arith.index_cast %scan3A_136 : i32 to index
      %get3A_1067 = arith.constant 304 : index
      %get3A_1068 = tpu.vector_load %arg5[%get3A_1065, %get3A_1066, %get3A_1067] {strides = array<i32>} : memref<4x8x512xf32, #tpu.memory_space<vmem>>, vector<16xf32>,
      %ge3A_1069 = arith.cmpf oge, %get3A_1053, %get3A_1058 : vector<16xf32>
      %ge3A_1070 = arith.cmpf oge, %get3A_1053, %get3A_1063 : vector<16xf32>
      %and3A_1071 = arith.andi %ge3A_1069, %ge3A_1070 : vector<16xi1>
      %ge3A_1072 = arith.cmpf oge, %get3A_1053, %get3A_1068 : vector<16xf32>
      %and3A_1073 = arith.andi %and3A_1071, %ge3A_1072 : vector<16xi1>
      %select_n3A_1074 = arith.select %and3A_1073, %add3A_84, %broadcast_in_dim3A_81 : vector<16xi1>, vector<16xf32>
      %max3A_1075 = arith.maximumf %max3A_1027, %select_n3A_1074 : vector<16xf32>
      %gt3A_1076 = arith.cmpf ogt, %get3A_1058, %get3A_1053 : vector<16xf32>
      %ge3A_1077 = arith.cmpf oge, %get3A_1058, %get3A_1063 : vector<16xf32>
      %and3A_1078 = arith.andi %gt3A_1076, %ge3A_1077 : vector<16xi1>
      %ge3A_1079 = arith.cmpf oge, %get3A_1058, %get3A_1068 : vector<16xf32>
      %and3A_1080 = arith.andi %and3A_1078, %ge3A_1079 : vector<16xi1>
      %select_n3A_1081 = arith.select %and3A_1080, %add3A_84, %broadcast_in_dim3A_81 : vector<16xi1>, vector<16xf32>
      %max3A_1082 = arith.maximumf %max3A_1034, %select_n3A_1081 : vector<16xf32>
      %gt3A_1083 = arith.cmpf ogt, %get3A_1063, %get3A_1053 : vector<16xf32>
      %gt3A_1084 = arith.cmpf ogt, %get3A_1063, %get3A_1058 : vector<16xf32>
      %and3A_1085 = arith.andi %gt3A_1083, %gt3A_1084 : vector<16xi1>
      %ge3A_1086 = arith.cmpf oge, %get3A_1063, %get3A_1068 : vector<16xf32>
      %and3A_1087 = arith.andi %and3A_1085, %ge3A_1086 : vector<16xi1>
      %select_n3A_1088 = arith.select %and3A_1087, %add3A_84, %broadcast_in_dim3A_81 : vector<16xi1>, vector<16xf32>
      %max3A_1089 = arith.maximumf %max3A_1041, %select_n3A_1088 : vector<16xf32>
      %gt3A_1090 = arith.cmpf ogt, %get3A_1068, %get3A_1053 : vector<16xf32>
      %gt3A_1091 = arith.cmpf ogt, %get3A_1068, %get3A_1058 : vector<16xf32>
      %and3A_1092 = arith.andi %gt3A_1090, %gt3A_1091 : vector<16xi1>
      %gt3A_1093 = arith.cmpf ogt, %get3A_1068, %get3A_1063 : vector<16xf32>
      %and3A_1094 = arith.andi %and3A_1092, %gt3A_1093 : vector<16xi1>
      %select_n3A_1095 = arith.select %and3A_1094, %add3A_84, %broadcast_in_dim3A_81 : vector<16xi1>, vector<16xf32>
      %max3A_1096 = arith.maximumf %max3A_1048, %select_n3A_1095 : vector<16xf32>
      %get3A_1097 = arith.constant 0 : i32
      %get3A_1098 = arith.index_cast %get3A_1097 : i32 to index
      %get3A_1099 = arith.index_cast %scan3A_136 : i32 to index
      %get3A_1100 = arith.constant 320 : index
      %get3A_1101 = tpu.vector_load %arg5[%get3A_1098, %get3A_1099, %get3A_1100] {strides = array<i32>} : memref<4x8x512xf32, #tpu.memory_space<vmem>>, vector<16xf32>,
      %get3A_1102 = arith.constant 1 : i32
      %get3A_1103 = arith.index_cast %get3A_1102 : i32 to index
      %get3A_1104 = arith.index_cast %scan3A_136 : i32 to index
      %get3A_1105 = arith.constant 320 : index
      %get3A_1106 = tpu.vector_load %arg5[%get3A_1103, %get3A_1104, %get3A_1105] {strides = array<i32>} : memref<4x8x512xf32, #tpu.memory_space<vmem>>, vector<16xf32>,
      %get3A_1107 = arith.constant 2 : i32
      %get3A_1108 = arith.index_cast %get3A_1107 : i32 to index
      %get3A_1109 = arith.index_cast %scan3A_136 : i32 to index
      %get3A_1110 = arith.constant 320 : index
      %get3A_1111 = tpu.vector_load %arg5[%get3A_1108, %get3A_1109, %get3A_1110] {strides = array<i32>} : memref<4x8x512xf32, #tpu.memory_space<vmem>>, vector<16xf32>,
      %get3A_1112 = arith.constant 3 : i32
      %get3A_1113 = arith.index_cast %get3A_1112 : i32 to index
      %get3A_1114 = arith.index_cast %scan3A_136 : i32 to index
      %get3A_1115 = arith.constant 320 : index
      %get3A_1116 = tpu.vector_load %arg5[%get3A_1113, %get3A_1114, %get3A_1115] {strides = array<i32>} : memref<4x8x512xf32, #tpu.memory_space<vmem>>, vector<16xf32>,
      %ge3A_1117 = arith.cmpf oge, %get3A_1101, %get3A_1106 : vector<16xf32>
      %ge3A_1118 = arith.cmpf oge, %get3A_1101, %get3A_1111 : vector<16xf32>
      %and3A_1119 = arith.andi %ge3A_1117, %ge3A_1118 : vector<16xi1>
      %ge3A_1120 = arith.cmpf oge, %get3A_1101, %get3A_1116 : vector<16xf32>
      %and3A_1121 = arith.andi %and3A_1119, %ge3A_1120 : vector<16xi1>
      %select_n3A_1122 = arith.select %and3A_1121, %add3A_84, %broadcast_in_dim3A_81 : vector<16xi1>, vector<16xf32>
      %max3A_1123 = arith.maximumf %max3A_1075, %select_n3A_1122 : vector<16xf32>
      %gt3A_1124 = arith.cmpf ogt, %get3A_1106, %get3A_1101 : vector<16xf32>
      %ge3A_1125 = arith.cmpf oge, %get3A_1106, %get3A_1111 : vector<16xf32>
      %and3A_1126 = arith.andi %gt3A_1124, %ge3A_1125 : vector<16xi1>
      %ge3A_1127 = arith.cmpf oge, %get3A_1106, %get3A_1116 : vector<16xf32>
      %and3A_1128 = arith.andi %and3A_1126, %ge3A_1127 : vector<16xi1>
      %select_n3A_1129 = arith.select %and3A_1128, %add3A_84, %broadcast_in_dim3A_81 : vector<16xi1>, vector<16xf32>
      %max3A_1130 = arith.maximumf %max3A_1082, %select_n3A_1129 : vector<16xf32>
      %gt3A_1131 = arith.cmpf ogt, %get3A_1111, %get3A_1101 : vector<16xf32>
      %gt3A_1132 = arith.cmpf ogt, %get3A_1111, %get3A_1106 : vector<16xf32>
      %and3A_1133 = arith.andi %gt3A_1131, %gt3A_1132 : vector<16xi1>
      %ge3A_1134 = arith.cmpf oge, %get3A_1111, %get3A_1116 : vector<16xf32>
      %and3A_1135 = arith.andi %and3A_1133, %ge3A_1134 : vector<16xi1>
      %select_n3A_1136 = arith.select %and3A_1135, %add3A_84, %broadcast_in_dim3A_81 : vector<16xi1>, vector<16xf32>
      %max3A_1137 = arith.maximumf %max3A_1089, %select_n3A_1136 : vector<16xf32>
      %gt3A_1138 = arith.cmpf ogt, %get3A_1116, %get3A_1101 : vector<16xf32>
      %gt3A_1139 = arith.cmpf ogt, %get3A_1116, %get3A_1106 : vector<16xf32>
      %and3A_1140 = arith.andi %gt3A_1138, %gt3A_1139 : vector<16xi1>
      %gt3A_1141 = arith.cmpf ogt, %get3A_1116, %get3A_1111 : vector<16xf32>
      %and3A_1142 = arith.andi %and3A_1140, %gt3A_1141 : vector<16xi1>
      %select_n3A_1143 = arith.select %and3A_1142, %add3A_84, %broadcast_in_dim3A_81 : vector<16xi1>, vector<16xf32>
      %max3A_1144 = arith.maximumf %max3A_1096, %select_n3A_1143 : vector<16xf32>
      %get3A_1145 = arith.constant 0 : i32
      %get3A_1146 = arith.index_cast %get3A_1145 : i32 to index
      %get3A_1147 = arith.index_cast %scan3A_136 : i32 to index
      %get3A_1148 = arith.constant 336 : index
      %get3A_1149 = tpu.vector_load %arg5[%get3A_1146, %get3A_1147, %get3A_1148] {strides = array<i32>} : memref<4x8x512xf32, #tpu.memory_space<vmem>>, vector<16xf32>,
      %get3A_1150 = arith.constant 1 : i32
      %get3A_1151 = arith.index_cast %get3A_1150 : i32 to index
      %get3A_1152 = arith.index_cast %scan3A_136 : i32 to index
      %get3A_1153 = arith.constant 336 : index
      %get3A_1154 = tpu.vector_load %arg5[%get3A_1151, %get3A_1152, %get3A_1153] {strides = array<i32>} : memref<4x8x512xf32, #tpu.memory_space<vmem>>, vector<16xf32>,
      %get3A_1155 = arith.constant 2 : i32
      %get3A_1156 = arith.index_cast %get3A_1155 : i32 to index
      %get3A_1157 = arith.index_cast %scan3A_136 : i32 to index
      %get3A_1158 = arith.constant 336 : index
      %get3A_1159 = tpu.vector_load %arg5[%get3A_1156, %get3A_1157, %get3A_1158] {strides = array<i32>} : memref<4x8x512xf32, #tpu.memory_space<vmem>>, vector<16xf32>,
      %get3A_1160 = arith.constant 3 : i32
      %get3A_1161 = arith.index_cast %get3A_1160 : i32 to index
      %get3A_1162 = arith.index_cast %scan3A_136 : i32 to index
      %get3A_1163 = arith.constant 336 : index
      %get3A_1164 = tpu.vector_load %arg5[%get3A_1161, %get3A_1162, %get3A_1163] {strides = array<i32>} : memref<4x8x512xf32, #tpu.memory_space<vmem>>, vector<16xf32>,
      %ge3A_1165 = arith.cmpf oge, %get3A_1149, %get3A_1154 : vector<16xf32>
      %ge3A_1166 = arith.cmpf oge, %get3A_1149, %get3A_1159 : vector<16xf32>
      %and3A_1167 = arith.andi %ge3A_1165, %ge3A_1166 : vector<16xi1>
      %ge3A_1168 = arith.cmpf oge, %get3A_1149, %get3A_1164 : vector<16xf32>
      %and3A_1169 = arith.andi %and3A_1167, %ge3A_1168 : vector<16xi1>
      %select_n3A_1170 = arith.select %and3A_1169, %add3A_84, %broadcast_in_dim3A_81 : vector<16xi1>, vector<16xf32>
      %max3A_1171 = arith.maximumf %max3A_1123, %select_n3A_1170 : vector<16xf32>
      %gt3A_1172 = arith.cmpf ogt, %get3A_1154, %get3A_1149 : vector<16xf32>
      %ge3A_1173 = arith.cmpf oge, %get3A_1154, %get3A_1159 : vector<16xf32>
      %and3A_1174 = arith.andi %gt3A_1172, %ge3A_1173 : vector<16xi1>
      %ge3A_1175 = arith.cmpf oge, %get3A_1154, %get3A_1164 : vector<16xf32>
      %and3A_1176 = arith.andi %and3A_1174, %ge3A_1175 : vector<16xi1>
      %select_n3A_1177 = arith.select %and3A_1176, %add3A_84, %broadcast_in_dim3A_81 : vector<16xi1>, vector<16xf32>
      %max3A_1178 = arith.maximumf %max3A_1130, %select_n3A_1177 : vector<16xf32>
      %gt3A_1179 = arith.cmpf ogt, %get3A_1159, %get3A_1149 : vector<16xf32>
      %gt3A_1180 = arith.cmpf ogt, %get3A_1159, %get3A_1154 : vector<16xf32>
      %and3A_1181 = arith.andi %gt3A_1179, %gt3A_1180 : vector<16xi1>
      %ge3A_1182 = arith.cmpf oge, %get3A_1159, %get3A_1164 : vector<16xf32>
      %and3A_1183 = arith.andi %and3A_1181, %ge3A_1182 : vector<16xi1>
      %select_n3A_1184 = arith.select %and3A_1183, %add3A_84, %broadcast_in_dim3A_81 : vector<16xi1>, vector<16xf32>
      %max3A_1185 = arith.maximumf %max3A_1137, %select_n3A_1184 : vector<16xf32>
      %gt3A_1186 = arith.cmpf ogt, %get3A_1164, %get3A_1149 : vector<16xf32>
      %gt3A_1187 = arith.cmpf ogt, %get3A_1164, %get3A_1154 : vector<16xf32>
      %and3A_1188 = arith.andi %gt3A_1186, %gt3A_1187 : vector<16xi1>
      %gt3A_1189 = arith.cmpf ogt, %get3A_1164, %get3A_1159 : vector<16xf32>
      %and3A_1190 = arith.andi %and3A_1188, %gt3A_1189 : vector<16xi1>
      %select_n3A_1191 = arith.select %and3A_1190, %add3A_84, %broadcast_in_dim3A_81 : vector<16xi1>, vector<16xf32>
      %max3A_1192 = arith.maximumf %max3A_1144, %select_n3A_1191 : vector<16xf32>
      %get3A_1193 = arith.constant 0 : i32
      %get3A_1194 = arith.index_cast %get3A_1193 : i32 to index
      %get3A_1195 = arith.index_cast %scan3A_136 : i32 to index
      %get3A_1196 = arith.constant 352 : index
      %get3A_1197 = tpu.vector_load %arg5[%get3A_1194, %get3A_1195, %get3A_1196] {strides = array<i32>} : memref<4x8x512xf32, #tpu.memory_space<vmem>>, vector<16xf32>,
      %get3A_1198 = arith.constant 1 : i32
      %get3A_1199 = arith.index_cast %get3A_1198 : i32 to index
      %get3A_1200 = arith.index_cast %scan3A_136 : i32 to index
      %get3A_1201 = arith.constant 352 : index
      %get3A_1202 = tpu.vector_load %arg5[%get3A_1199, %get3A_1200, %get3A_1201] {strides = array<i32>} : memref<4x8x512xf32, #tpu.memory_space<vmem>>, vector<16xf32>,
      %get3A_1203 = arith.constant 2 : i32
      %get3A_1204 = arith.index_cast %get3A_1203 : i32 to index
      %get3A_1205 = arith.index_cast %scan3A_136 : i32 to index
      %get3A_1206 = arith.constant 352 : index
      %get3A_1207 = tpu.vector_load %arg5[%get3A_1204, %get3A_1205, %get3A_1206] {strides = array<i32>} : memref<4x8x512xf32, #tpu.memory_space<vmem>>, vector<16xf32>,
      %get3A_1208 = arith.constant 3 : i32
      %get3A_1209 = arith.index_cast %get3A_1208 : i32 to index
      %get3A_1210 = arith.index_cast %scan3A_136 : i32 to index
      %get3A_1211 = arith.constant 352 : index
      %get3A_1212 = tpu.vector_load %arg5[%get3A_1209, %get3A_1210, %get3A_1211] {strides = array<i32>} : memref<4x8x512xf32, #tpu.memory_space<vmem>>, vector<16xf32>,
      %ge3A_1213 = arith.cmpf oge, %get3A_1197, %get3A_1202 : vector<16xf32>
      %ge3A_1214 = arith.cmpf oge, %get3A_1197, %get3A_1207 : vector<16xf32>
      %and3A_1215 = arith.andi %ge3A_1213, %ge3A_1214 : vector<16xi1>
      %ge3A_1216 = arith.cmpf oge, %get3A_1197, %get3A_1212 : vector<16xf32>
      %and3A_1217 = arith.andi %and3A_1215, %ge3A_1216 : vector<16xi1>
      %select_n3A_1218 = arith.select %and3A_1217, %add3A_84, %broadcast_in_dim3A_81 : vector<16xi1>, vector<16xf32>
      %max3A_1219 = arith.maximumf %max3A_1171, %select_n3A_1218 : vector<16xf32>
      %gt3A_1220 = arith.cmpf ogt, %get3A_1202, %get3A_1197 : vector<16xf32>
      %ge3A_1221 = arith.cmpf oge, %get3A_1202, %get3A_1207 : vector<16xf32>
      %and3A_1222 = arith.andi %gt3A_1220, %ge3A_1221 : vector<16xi1>
      %ge3A_1223 = arith.cmpf oge, %get3A_1202, %get3A_1212 : vector<16xf32>
      %and3A_1224 = arith.andi %and3A_1222, %ge3A_1223 : vector<16xi1>
      %select_n3A_1225 = arith.select %and3A_1224, %add3A_84, %broadcast_in_dim3A_81 : vector<16xi1>, vector<16xf32>
      %max3A_1226 = arith.maximumf %max3A_1178, %select_n3A_1225 : vector<16xf32>
      %gt3A_1227 = arith.cmpf ogt, %get3A_1207, %get3A_1197 : vector<16xf32>
      %gt3A_1228 = arith.cmpf ogt, %get3A_1207, %get3A_1202 : vector<16xf32>
      %and3A_1229 = arith.andi %gt3A_1227, %gt3A_1228 : vector<16xi1>
      %ge3A_1230 = arith.cmpf oge, %get3A_1207, %get3A_1212 : vector<16xf32>
      %and3A_1231 = arith.andi %and3A_1229, %ge3A_1230 : vector<16xi1>
      %select_n3A_1232 = arith.select %and3A_1231, %add3A_84, %broadcast_in_dim3A_81 : vector<16xi1>, vector<16xf32>
      %max3A_1233 = arith.maximumf %max3A_1185, %select_n3A_1232 : vector<16xf32>
      %gt3A_1234 = arith.cmpf ogt, %get3A_1212, %get3A_1197 : vector<16xf32>
      %gt3A_1235 = arith.cmpf ogt, %get3A_1212, %get3A_1202 : vector<16xf32>
      %and3A_1236 = arith.andi %gt3A_1234, %gt3A_1235 : vector<16xi1>
      %gt3A_1237 = arith.cmpf ogt, %get3A_1212, %get3A_1207 : vector<16xf32>
      %and3A_1238 = arith.andi %and3A_1236, %gt3A_1237 : vector<16xi1>
      %select_n3A_1239 = arith.select %and3A_1238, %add3A_84, %broadcast_in_dim3A_81 : vector<16xi1>, vector<16xf32>
      %max3A_1240 = arith.maximumf %max3A_1192, %select_n3A_1239 : vector<16xf32>
      %get3A_1241 = arith.constant 0 : i32
      %get3A_1242 = arith.index_cast %get3A_1241 : i32 to index
      %get3A_1243 = arith.index_cast %scan3A_136 : i32 to index
      %get3A_1244 = arith.constant 368 : index
      %get3A_1245 = tpu.vector_load %arg5[%get3A_1242, %get3A_1243, %get3A_1244] {strides = array<i32>} : memref<4x8x512xf32, #tpu.memory_space<vmem>>, vector<16xf32>,
      %get3A_1246 = arith.constant 1 : i32
      %get3A_1247 = arith.index_cast %get3A_1246 : i32 to index
      %get3A_1248 = arith.index_cast %scan3A_136 : i32 to index
      %get3A_1249 = arith.constant 368 : index
      %get3A_1250 = tpu.vector_load %arg5[%get3A_1247, %get3A_1248, %get3A_1249] {strides = array<i32>} : memref<4x8x512xf32, #tpu.memory_space<vmem>>, vector<16xf32>,
      %get3A_1251 = arith.constant 2 : i32
      %get3A_1252 = arith.index_cast %get3A_1251 : i32 to index
      %get3A_1253 = arith.index_cast %scan3A_136 : i32 to index
      %get3A_1254 = arith.constant 368 : index
      %get3A_1255 = tpu.vector_load %arg5[%get3A_1252, %get3A_1253, %get3A_1254] {strides = array<i32>} : memref<4x8x512xf32, #tpu.memory_space<vmem>>, vector<16xf32>,
      %get3A_1256 = arith.constant 3 : i32
      %get3A_1257 = arith.index_cast %get3A_1256 : i32 to index
      %get3A_1258 = arith.index_cast %scan3A_136 : i32 to index
      %get3A_1259 = arith.constant 368 : index
      %get3A_1260 = tpu.vector_load %arg5[%get3A_1257, %get3A_1258, %get3A_1259] {strides = array<i32>} : memref<4x8x512xf32, #tpu.memory_space<vmem>>, vector<16xf32>,
      %ge3A_1261 = arith.cmpf oge, %get3A_1245, %get3A_1250 : vector<16xf32>
      %ge3A_1262 = arith.cmpf oge, %get3A_1245, %get3A_1255 : vector<16xf32>
      %and3A_1263 = arith.andi %ge3A_1261, %ge3A_1262 : vector<16xi1>
      %ge3A_1264 = arith.cmpf oge, %get3A_1245, %get3A_1260 : vector<16xf32>
      %and3A_1265 = arith.andi %and3A_1263, %ge3A_1264 : vector<16xi1>
      %select_n3A_1266 = arith.select %and3A_1265, %add3A_84, %broadcast_in_dim3A_81 : vector<16xi1>, vector<16xf32>
      %max3A_1267 = arith.maximumf %max3A_1219, %select_n3A_1266 : vector<16xf32>
      %gt3A_1268 = arith.cmpf ogt, %get3A_1250, %get3A_1245 : vector<16xf32>
      %ge3A_1269 = arith.cmpf oge, %get3A_1250, %get3A_1255 : vector<16xf32>
      %and3A_1270 = arith.andi %gt3A_1268, %ge3A_1269 : vector<16xi1>
      %ge3A_1271 = arith.cmpf oge, %get3A_1250, %get3A_1260 : vector<16xf32>
      %and3A_1272 = arith.andi %and3A_1270, %ge3A_1271 : vector<16xi1>
      %select_n3A_1273 = arith.select %and3A_1272, %add3A_84, %broadcast_in_dim3A_81 : vector<16xi1>, vector<16xf32>
      %max3A_1274 = arith.maximumf %max3A_1226, %select_n3A_1273 : vector<16xf32>
      %gt3A_1275 = arith.cmpf ogt, %get3A_1255, %get3A_1245 : vector<16xf32>
      %gt3A_1276 = arith.cmpf ogt, %get3A_1255, %get3A_1250 : vector<16xf32>
      %and3A_1277 = arith.andi %gt3A_1275, %gt3A_1276 : vector<16xi1>
      %ge3A_1278 = arith.cmpf oge, %get3A_1255, %get3A_1260 : vector<16xf32>
      %and3A_1279 = arith.andi %and3A_1277, %ge3A_1278 : vector<16xi1>
      %select_n3A_1280 = arith.select %and3A_1279, %add3A_84, %broadcast_in_dim3A_81 : vector<16xi1>, vector<16xf32>
      %max3A_1281 = arith.maximumf %max3A_1233, %select_n3A_1280 : vector<16xf32>
      %gt3A_1282 = arith.cmpf ogt, %get3A_1260, %get3A_1245 : vector<16xf32>
      %gt3A_1283 = arith.cmpf ogt, %get3A_1260, %get3A_1250 : vector<16xf32>
      %and3A_1284 = arith.andi %gt3A_1282, %gt3A_1283 : vector<16xi1>
      %gt3A_1285 = arith.cmpf ogt, %get3A_1260, %get3A_1255 : vector<16xf32>
      %and3A_1286 = arith.andi %and3A_1284, %gt3A_1285 : vector<16xi1>
      %select_n3A_1287 = arith.select %and3A_1286, %add3A_84, %broadcast_in_dim3A_81 : vector<16xi1>, vector<16xf32>
      %max3A_1288 = arith.maximumf %max3A_1240, %select_n3A_1287 : vector<16xf32>
      %get3A_1289 = arith.constant 0 : i32
      %get3A_1290 = arith.index_cast %get3A_1289 : i32 to index
      %get3A_1291 = arith.index_cast %scan3A_136 : i32 to index
      %get3A_1292 = arith.constant 384 : index
      %get3A_1293 = tpu.vector_load %arg5[%get3A_1290, %get3A_1291, %get3A_1292] {strides = array<i32>} : memref<4x8x512xf32, #tpu.memory_space<vmem>>, vector<16xf32>,
      %get3A_1294 = arith.constant 1 : i32
      %get3A_1295 = arith.index_cast %get3A_1294 : i32 to index
      %get3A_1296 = arith.index_cast %scan3A_136 : i32 to index
      %get3A_1297 = arith.constant 384 : index
      %get3A_1298 = tpu.vector_load %arg5[%get3A_1295, %get3A_1296, %get3A_1297] {strides = array<i32>} : memref<4x8x512xf32, #tpu.memory_space<vmem>>, vector<16xf32>,
      %get3A_1299 = arith.constant 2 : i32
      %get3A_1300 = arith.index_cast %get3A_1299 : i32 to index
      %get3A_1301 = arith.index_cast %scan3A_136 : i32 to index
      %get3A_1302 = arith.constant 384 : index
      %get3A_1303 = tpu.vector_load %arg5[%get3A_1300, %get3A_1301, %get3A_1302] {strides = array<i32>} : memref<4x8x512xf32, #tpu.memory_space<vmem>>, vector<16xf32>,
      %get3A_1304 = arith.constant 3 : i32
      %get3A_1305 = arith.index_cast %get3A_1304 : i32 to index
      %get3A_1306 = arith.index_cast %scan3A_136 : i32 to index
      %get3A_1307 = arith.constant 384 : index
      %get3A_1308 = tpu.vector_load %arg5[%get3A_1305, %get3A_1306, %get3A_1307] {strides = array<i32>} : memref<4x8x512xf32, #tpu.memory_space<vmem>>, vector<16xf32>,
      %ge3A_1309 = arith.cmpf oge, %get3A_1293, %get3A_1298 : vector<16xf32>
      %ge3A_1310 = arith.cmpf oge, %get3A_1293, %get3A_1303 : vector<16xf32>
      %and3A_1311 = arith.andi %ge3A_1309, %ge3A_1310 : vector<16xi1>
      %ge3A_1312 = arith.cmpf oge, %get3A_1293, %get3A_1308 : vector<16xf32>
      %and3A_1313 = arith.andi %and3A_1311, %ge3A_1312 : vector<16xi1>
      %select_n3A_1314 = arith.select %and3A_1313, %add3A_84, %broadcast_in_dim3A_81 : vector<16xi1>, vector<16xf32>
      %max3A_1315 = arith.maximumf %max3A_1267, %select_n3A_1314 : vector<16xf32>
      %gt3A_1316 = arith.cmpf ogt, %get3A_1298, %get3A_1293 : vector<16xf32>
      %ge3A_1317 = arith.cmpf oge, %get3A_1298, %get3A_1303 : vector<16xf32>
      %and3A_1318 = arith.andi %gt3A_1316, %ge3A_1317 : vector<16xi1>
      %ge3A_1319 = arith.cmpf oge, %get3A_1298, %get3A_1308 : vector<16xf32>
      %and3A_1320 = arith.andi %and3A_1318, %ge3A_1319 : vector<16xi1>
      %select_n3A_1321 = arith.select %and3A_1320, %add3A_84, %broadcast_in_dim3A_81 : vector<16xi1>, vector<16xf32>
      %max3A_1322 = arith.maximumf %max3A_1274, %select_n3A_1321 : vector<16xf32>
      %gt3A_1323 = arith.cmpf ogt, %get3A_1303, %get3A_1293 : vector<16xf32>
      %gt3A_1324 = arith.cmpf ogt, %get3A_1303, %get3A_1298 : vector<16xf32>
      %and3A_1325 = arith.andi %gt3A_1323, %gt3A_1324 : vector<16xi1>
      %ge3A_1326 = arith.cmpf oge, %get3A_1303, %get3A_1308 : vector<16xf32>
      %and3A_1327 = arith.andi %and3A_1325, %ge3A_1326 : vector<16xi1>
      %select_n3A_1328 = arith.select %and3A_1327, %add3A_84, %broadcast_in_dim3A_81 : vector<16xi1>, vector<16xf32>
      %max3A_1329 = arith.maximumf %max3A_1281, %select_n3A_1328 : vector<16xf32>
      %gt3A_1330 = arith.cmpf ogt, %get3A_1308, %get3A_1293 : vector<16xf32>
      %gt3A_1331 = arith.cmpf ogt, %get3A_1308, %get3A_1298 : vector<16xf32>
      %and3A_1332 = arith.andi %gt3A_1330, %gt3A_1331 : vector<16xi1>
      %gt3A_1333 = arith.cmpf ogt, %get3A_1308, %get3A_1303 : vector<16xf32>
      %and3A_1334 = arith.andi %and3A_1332, %gt3A_1333 : vector<16xi1>
      %select_n3A_1335 = arith.select %and3A_1334, %add3A_84, %broadcast_in_dim3A_81 : vector<16xi1>, vector<16xf32>
      %max3A_1336 = arith.maximumf %max3A_1288, %select_n3A_1335 : vector<16xf32>
      %get3A_1337 = arith.constant 0 : i32
      %get3A_1338 = arith.index_cast %get3A_1337 : i32 to index
      %get3A_1339 = arith.index_cast %scan3A_136 : i32 to index
      %get3A_1340 = arith.constant 400 : index
      %get3A_1341 = tpu.vector_load %arg5[%get3A_1338, %get3A_1339, %get3A_1340] {strides = array<i32>} : memref<4x8x512xf32, #tpu.memory_space<vmem>>, vector<16xf32>,
      %get3A_1342 = arith.constant 1 : i32
      %get3A_1343 = arith.index_cast %get3A_1342 : i32 to index
      %get3A_1344 = arith.index_cast %scan3A_136 : i32 to index
      %get3A_1345 = arith.constant 400 : index
      %get3A_1346 = tpu.vector_load %arg5[%get3A_1343, %get3A_1344, %get3A_1345] {strides = array<i32>} : memref<4x8x512xf32, #tpu.memory_space<vmem>>, vector<16xf32>,
      %get3A_1347 = arith.constant 2 : i32
      %get3A_1348 = arith.index_cast %get3A_1347 : i32 to index
      %get3A_1349 = arith.index_cast %scan3A_136 : i32 to index
      %get3A_1350 = arith.constant 400 : index
      %get3A_1351 = tpu.vector_load %arg5[%get3A_1348, %get3A_1349, %get3A_1350] {strides = array<i32>} : memref<4x8x512xf32, #tpu.memory_space<vmem>>, vector<16xf32>,
      %get3A_1352 = arith.constant 3 : i32
      %get3A_1353 = arith.index_cast %get3A_1352 : i32 to index
      %get3A_1354 = arith.index_cast %scan3A_136 : i32 to index
      %get3A_1355 = arith.constant 400 : index
      %get3A_1356 = tpu.vector_load %arg5[%get3A_1353, %get3A_1354, %get3A_1355] {strides = array<i32>} : memref<4x8x512xf32, #tpu.memory_space<vmem>>, vector<16xf32>,
      %ge3A_1357 = arith.cmpf oge, %get3A_1341, %get3A_1346 : vector<16xf32>
      %ge3A_1358 = arith.cmpf oge, %get3A_1341, %get3A_1351 : vector<16xf32>
      %and3A_1359 = arith.andi %ge3A_1357, %ge3A_1358 : vector<16xi1>
      %ge3A_1360 = arith.cmpf oge, %get3A_1341, %get3A_1356 : vector<16xf32>
      %and3A_1361 = arith.andi %and3A_1359, %ge3A_1360 : vector<16xi1>
      %select_n3A_1362 = arith.select %and3A_1361, %add3A_84, %broadcast_in_dim3A_81 : vector<16xi1>, vector<16xf32>
      %max3A_1363 = arith.maximumf %max3A_1315, %select_n3A_1362 : vector<16xf32>
      %gt3A_1364 = arith.cmpf ogt, %get3A_1346, %get3A_1341 : vector<16xf32>
      %ge3A_1365 = arith.cmpf oge, %get3A_1346, %get3A_1351 : vector<16xf32>
      %and3A_1366 = arith.andi %gt3A_1364, %ge3A_1365 : vector<16xi1>
      %ge3A_1367 = arith.cmpf oge, %get3A_1346, %get3A_1356 : vector<16xf32>
      %and3A_1368 = arith.andi %and3A_1366, %ge3A_1367 : vector<16xi1>
      %select_n3A_1369 = arith.select %and3A_1368, %add3A_84, %broadcast_in_dim3A_81 : vector<16xi1>, vector<16xf32>
      %max3A_1370 = arith.maximumf %max3A_1322, %select_n3A_1369 : vector<16xf32>
      %gt3A_1371 = arith.cmpf ogt, %get3A_1351, %get3A_1341 : vector<16xf32>
      %gt3A_1372 = arith.cmpf ogt, %get3A_1351, %get3A_1346 : vector<16xf32>
      %and3A_1373 = arith.andi %gt3A_1371, %gt3A_1372 : vector<16xi1>
      %ge3A_1374 = arith.cmpf oge, %get3A_1351, %get3A_1356 : vector<16xf32>
      %and3A_1375 = arith.andi %and3A_1373, %ge3A_1374 : vector<16xi1>
      %select_n3A_1376 = arith.select %and3A_1375, %add3A_84, %broadcast_in_dim3A_81 : vector<16xi1>, vector<16xf32>
      %max3A_1377 = arith.maximumf %max3A_1329, %select_n3A_1376 : vector<16xf32>
      %gt3A_1378 = arith.cmpf ogt, %get3A_1356, %get3A_1341 : vector<16xf32>
      %gt3A_1379 = arith.cmpf ogt, %get3A_1356, %get3A_1346 : vector<16xf32>
      %and3A_1380 = arith.andi %gt3A_1378, %gt3A_1379 : vector<16xi1>
      %gt3A_1381 = arith.cmpf ogt, %get3A_1356, %get3A_1351 : vector<16xf32>
      %and3A_1382 = arith.andi %and3A_1380, %gt3A_1381 : vector<16xi1>
      %select_n3A_1383 = arith.select %and3A_1382, %add3A_84, %broadcast_in_dim3A_81 : vector<16xi1>, vector<16xf32>
      %max3A_1384 = arith.maximumf %max3A_1336, %select_n3A_1383 : vector<16xf32>
      %get3A_1385 = arith.constant 0 : i32
      %get3A_1386 = arith.index_cast %get3A_1385 : i32 to index
      %get3A_1387 = arith.index_cast %scan3A_136 : i32 to index
      %get3A_1388 = arith.constant 416 : index
      %get3A_1389 = tpu.vector_load %arg5[%get3A_1386, %get3A_1387, %get3A_1388] {strides = array<i32>} : memref<4x8x512xf32, #tpu.memory_space<vmem>>, vector<16xf32>,
      %get3A_1390 = arith.constant 1 : i32
      %get3A_1391 = arith.index_cast %get3A_1390 : i32 to index
      %get3A_1392 = arith.index_cast %scan3A_136 : i32 to index
      %get3A_1393 = arith.constant 416 : index
      %get3A_1394 = tpu.vector_load %arg5[%get3A_1391, %get3A_1392, %get3A_1393] {strides = array<i32>} : memref<4x8x512xf32, #tpu.memory_space<vmem>>, vector<16xf32>,
      %get3A_1395 = arith.constant 2 : i32
      %get3A_1396 = arith.index_cast %get3A_1395 : i32 to index
      %get3A_1397 = arith.index_cast %scan3A_136 : i32 to index
      %get3A_1398 = arith.constant 416 : index
      %get3A_1399 = tpu.vector_load %arg5[%get3A_1396, %get3A_1397, %get3A_1398] {strides = array<i32>} : memref<4x8x512xf32, #tpu.memory_space<vmem>>, vector<16xf32>,
      %get3A_1400 = arith.constant 3 : i32
      %get3A_1401 = arith.index_cast %get3A_1400 : i32 to index
      %get3A_1402 = arith.index_cast %scan3A_136 : i32 to index
      %get3A_1403 = arith.constant 416 : index
      %get3A_1404 = tpu.vector_load %arg5[%get3A_1401, %get3A_1402, %get3A_1403] {strides = array<i32>} : memref<4x8x512xf32, #tpu.memory_space<vmem>>, vector<16xf32>,
      %ge3A_1405 = arith.cmpf oge, %get3A_1389, %get3A_1394 : vector<16xf32>
      %ge3A_1406 = arith.cmpf oge, %get3A_1389, %get3A_1399 : vector<16xf32>
      %and3A_1407 = arith.andi %ge3A_1405, %ge3A_1406 : vector<16xi1>
      %ge3A_1408 = arith.cmpf oge, %get3A_1389, %get3A_1404 : vector<16xf32>
      %and3A_1409 = arith.andi %and3A_1407, %ge3A_1408 : vector<16xi1>
      %select_n3A_1410 = arith.select %and3A_1409, %add3A_84, %broadcast_in_dim3A_81 : vector<16xi1>, vector<16xf32>
      %max3A_1411 = arith.maximumf %max3A_1363, %select_n3A_1410 : vector<16xf32>
      %gt3A_1412 = arith.cmpf ogt, %get3A_1394, %get3A_1389 : vector<16xf32>
      %ge3A_1413 = arith.cmpf oge, %get3A_1394, %get3A_1399 : vector<16xf32>
      %and3A_1414 = arith.andi %gt3A_1412, %ge3A_1413 : vector<16xi1>
      %ge3A_1415 = arith.cmpf oge, %get3A_1394, %get3A_1404 : vector<16xf32>
      %and3A_1416 = arith.andi %and3A_1414, %ge3A_1415 : vector<16xi1>
      %select_n3A_1417 = arith.select %and3A_1416, %add3A_84, %broadcast_in_dim3A_81 : vector<16xi1>, vector<16xf32>
      %max3A_1418 = arith.maximumf %max3A_1370, %select_n3A_1417 : vector<16xf32>
      %gt3A_1419 = arith.cmpf ogt, %get3A_1399, %get3A_1389 : vector<16xf32>
      %gt3A_1420 = arith.cmpf ogt, %get3A_1399, %get3A_1394 : vector<16xf32>
      %and3A_1421 = arith.andi %gt3A_1419, %gt3A_1420 : vector<16xi1>
      %ge3A_1422 = arith.cmpf oge, %get3A_1399, %get3A_1404 : vector<16xf32>
      %and3A_1423 = arith.andi %and3A_1421, %ge3A_1422 : vector<16xi1>
      %select_n3A_1424 = arith.select %and3A_1423, %add3A_84, %broadcast_in_dim3A_81 : vector<16xi1>, vector<16xf32>
      %max3A_1425 = arith.maximumf %max3A_1377, %select_n3A_1424 : vector<16xf32>
      %gt3A_1426 = arith.cmpf ogt, %get3A_1404, %get3A_1389 : vector<16xf32>
      %gt3A_1427 = arith.cmpf ogt, %get3A_1404, %get3A_1394 : vector<16xf32>
      %and3A_1428 = arith.andi %gt3A_1426, %gt3A_1427 : vector<16xi1>
      %gt3A_1429 = arith.cmpf ogt, %get3A_1404, %get3A_1399 : vector<16xf32>
      %and3A_1430 = arith.andi %and3A_1428, %gt3A_1429 : vector<16xi1>
      %select_n3A_1431 = arith.select %and3A_1430, %add3A_84, %broadcast_in_dim3A_81 : vector<16xi1>, vector<16xf32>
      %max3A_1432 = arith.maximumf %max3A_1384, %select_n3A_1431 : vector<16xf32>
      %get3A_1433 = arith.constant 0 : i32
      %get3A_1434 = arith.index_cast %get3A_1433 : i32 to index
      %get3A_1435 = arith.index_cast %scan3A_136 : i32 to index
      %get3A_1436 = arith.constant 432 : index
      %get3A_1437 = tpu.vector_load %arg5[%get3A_1434, %get3A_1435, %get3A_1436] {strides = array<i32>} : memref<4x8x512xf32, #tpu.memory_space<vmem>>, vector<16xf32>,
      %get3A_1438 = arith.constant 1 : i32
      %get3A_1439 = arith.index_cast %get3A_1438 : i32 to index
      %get3A_1440 = arith.index_cast %scan3A_136 : i32 to index
      %get3A_1441 = arith.constant 432 : index
      %get3A_1442 = tpu.vector_load %arg5[%get3A_1439, %get3A_1440, %get3A_1441] {strides = array<i32>} : memref<4x8x512xf32, #tpu.memory_space<vmem>>, vector<16xf32>,
      %get3A_1443 = arith.constant 2 : i32
      %get3A_1444 = arith.index_cast %get3A_1443 : i32 to index
      %get3A_1445 = arith.index_cast %scan3A_136 : i32 to index
      %get3A_1446 = arith.constant 432 : index
      %get3A_1447 = tpu.vector_load %arg5[%get3A_1444, %get3A_1445, %get3A_1446] {strides = array<i32>} : memref<4x8x512xf32, #tpu.memory_space<vmem>>, vector<16xf32>,
      %get3A_1448 = arith.constant 3 : i32
      %get3A_1449 = arith.index_cast %get3A_1448 : i32 to index
      %get3A_1450 = arith.index_cast %scan3A_136 : i32 to index
      %get3A_1451 = arith.constant 432 : index
      %get3A_1452 = tpu.vector_load %arg5[%get3A_1449, %get3A_1450, %get3A_1451] {strides = array<i32>} : memref<4x8x512xf32, #tpu.memory_space<vmem>>, vector<16xf32>,
      %ge3A_1453 = arith.cmpf oge, %get3A_1437, %get3A_1442 : vector<16xf32>
      %ge3A_1454 = arith.cmpf oge, %get3A_1437, %get3A_1447 : vector<16xf32>
      %and3A_1455 = arith.andi %ge3A_1453, %ge3A_1454 : vector<16xi1>
      %ge3A_1456 = arith.cmpf oge, %get3A_1437, %get3A_1452 : vector<16xf32>
      %and3A_1457 = arith.andi %and3A_1455, %ge3A_1456 : vector<16xi1>
      %select_n3A_1458 = arith.select %and3A_1457, %add3A_84, %broadcast_in_dim3A_81 : vector<16xi1>, vector<16xf32>
      %max3A_1459 = arith.maximumf %max3A_1411, %select_n3A_1458 : vector<16xf32>
      %gt3A_1460 = arith.cmpf ogt, %get3A_1442, %get3A_1437 : vector<16xf32>
      %ge3A_1461 = arith.cmpf oge, %get3A_1442, %get3A_1447 : vector<16xf32>
      %and3A_1462 = arith.andi %gt3A_1460, %ge3A_1461 : vector<16xi1>
      %ge3A_1463 = arith.cmpf oge, %get3A_1442, %get3A_1452 : vector<16xf32>
      %and3A_1464 = arith.andi %and3A_1462, %ge3A_1463 : vector<16xi1>
      %select_n3A_1465 = arith.select %and3A_1464, %add3A_84, %broadcast_in_dim3A_81 : vector<16xi1>, vector<16xf32>
      %max3A_1466 = arith.maximumf %max3A_1418, %select_n3A_1465 : vector<16xf32>
      %gt3A_1467 = arith.cmpf ogt, %get3A_1447, %get3A_1437 : vector<16xf32>
      %gt3A_1468 = arith.cmpf ogt, %get3A_1447, %get3A_1442 : vector<16xf32>
      %and3A_1469 = arith.andi %gt3A_1467, %gt3A_1468 : vector<16xi1>
      %ge3A_1470 = arith.cmpf oge, %get3A_1447, %get3A_1452 : vector<16xf32>
      %and3A_1471 = arith.andi %and3A_1469, %ge3A_1470 : vector<16xi1>
      %select_n3A_1472 = arith.select %and3A_1471, %add3A_84, %broadcast_in_dim3A_81 : vector<16xi1>, vector<16xf32>
      %max3A_1473 = arith.maximumf %max3A_1425, %select_n3A_1472 : vector<16xf32>
      %gt3A_1474 = arith.cmpf ogt, %get3A_1452, %get3A_1437 : vector<16xf32>
      %gt3A_1475 = arith.cmpf ogt, %get3A_1452, %get3A_1442 : vector<16xf32>
      %and3A_1476 = arith.andi %gt3A_1474, %gt3A_1475 : vector<16xi1>
      %gt3A_1477 = arith.cmpf ogt, %get3A_1452, %get3A_1447 : vector<16xf32>
      %and3A_1478 = arith.andi %and3A_1476, %gt3A_1477 : vector<16xi1>
      %select_n3A_1479 = arith.select %and3A_1478, %add3A_84, %broadcast_in_dim3A_81 : vector<16xi1>, vector<16xf32>
      %max3A_1480 = arith.maximumf %max3A_1432, %select_n3A_1479 : vector<16xf32>
      %get3A_1481 = arith.constant 0 : i32
      %get3A_1482 = arith.index_cast %get3A_1481 : i32 to index
      %get3A_1483 = arith.index_cast %scan3A_136 : i32 to index
      %get3A_1484 = arith.constant 448 : index
      %get3A_1485 = tpu.vector_load %arg5[%get3A_1482, %get3A_1483, %get3A_1484] {strides = array<i32>} : memref<4x8x512xf32, #tpu.memory_space<vmem>>, vector<16xf32>,
      %get3A_1486 = arith.constant 1 : i32
      %get3A_1487 = arith.index_cast %get3A_1486 : i32 to index
      %get3A_1488 = arith.index_cast %scan3A_136 : i32 to index
      %get3A_1489 = arith.constant 448 : index
      %get3A_1490 = tpu.vector_load %arg5[%get3A_1487, %get3A_1488, %get3A_1489] {strides = array<i32>} : memref<4x8x512xf32, #tpu.memory_space<vmem>>, vector<16xf32>,
      %get3A_1491 = arith.constant 2 : i32
      %get3A_1492 = arith.index_cast %get3A_1491 : i32 to index
      %get3A_1493 = arith.index_cast %scan3A_136 : i32 to index
      %get3A_1494 = arith.constant 448 : index
      %get3A_1495 = tpu.vector_load %arg5[%get3A_1492, %get3A_1493, %get3A_1494] {strides = array<i32>} : memref<4x8x512xf32, #tpu.memory_space<vmem>>, vector<16xf32>,
      %get3A_1496 = arith.constant 3 : i32
      %get3A_1497 = arith.index_cast %get3A_1496 : i32 to index
      %get3A_1498 = arith.index_cast %scan3A_136 : i32 to index
      %get3A_1499 = arith.constant 448 : index
      %get3A_1500 = tpu.vector_load %arg5[%get3A_1497, %get3A_1498, %get3A_1499] {strides = array<i32>} : memref<4x8x512xf32, #tpu.memory_space<vmem>>, vector<16xf32>,
      %ge3A_1501 = arith.cmpf oge, %get3A_1485, %get3A_1490 : vector<16xf32>
      %ge3A_1502 = arith.cmpf oge, %get3A_1485, %get3A_1495 : vector<16xf32>
      %and3A_1503 = arith.andi %ge3A_1501, %ge3A_1502 : vector<16xi1>
      %ge3A_1504 = arith.cmpf oge, %get3A_1485, %get3A_1500 : vector<16xf32>
      %and3A_1505 = arith.andi %and3A_1503, %ge3A_1504 : vector<16xi1>
      %select_n3A_1506 = arith.select %and3A_1505, %add3A_84, %broadcast_in_dim3A_81 : vector<16xi1>, vector<16xf32>
      %max3A_1507 = arith.maximumf %max3A_1459, %select_n3A_1506 : vector<16xf32>
      %gt3A_1508 = arith.cmpf ogt, %get3A_1490, %get3A_1485 : vector<16xf32>
      %ge3A_1509 = arith.cmpf oge, %get3A_1490, %get3A_1495 : vector<16xf32>
      %and3A_1510 = arith.andi %gt3A_1508, %ge3A_1509 : vector<16xi1>
      %ge3A_1511 = arith.cmpf oge, %get3A_1490, %get3A_1500 : vector<16xf32>
      %and3A_1512 = arith.andi %and3A_1510, %ge3A_1511 : vector<16xi1>
      %select_n3A_1513 = arith.select %and3A_1512, %add3A_84, %broadcast_in_dim3A_81 : vector<16xi1>, vector<16xf32>
      %max3A_1514 = arith.maximumf %max3A_1466, %select_n3A_1513 : vector<16xf32>
      %gt3A_1515 = arith.cmpf ogt, %get3A_1495, %get3A_1485 : vector<16xf32>
      %gt3A_1516 = arith.cmpf ogt, %get3A_1495, %get3A_1490 : vector<16xf32>
      %and3A_1517 = arith.andi %gt3A_1515, %gt3A_1516 : vector<16xi1>
      %ge3A_1518 = arith.cmpf oge, %get3A_1495, %get3A_1500 : vector<16xf32>
      %and3A_1519 = arith.andi %and3A_1517, %ge3A_1518 : vector<16xi1>
      %select_n3A_1520 = arith.select %and3A_1519, %add3A_84, %broadcast_in_dim3A_81 : vector<16xi1>, vector<16xf32>
      %max3A_1521 = arith.maximumf %max3A_1473, %select_n3A_1520 : vector<16xf32>
      %gt3A_1522 = arith.cmpf ogt, %get3A_1500, %get3A_1485 : vector<16xf32>
      %gt3A_1523 = arith.cmpf ogt, %get3A_1500, %get3A_1490 : vector<16xf32>
      %and3A_1524 = arith.andi %gt3A_1522, %gt3A_1523 : vector<16xi1>
      %gt3A_1525 = arith.cmpf ogt, %get3A_1500, %get3A_1495 : vector<16xf32>
      %and3A_1526 = arith.andi %and3A_1524, %gt3A_1525 : vector<16xi1>
      %select_n3A_1527 = arith.select %and3A_1526, %add3A_84, %broadcast_in_dim3A_81 : vector<16xi1>, vector<16xf32>
      %max3A_1528 = arith.maximumf %max3A_1480, %select_n3A_1527 : vector<16xf32>
      %get3A_1529 = arith.constant 0 : i32
      %get3A_1530 = arith.index_cast %get3A_1529 : i32 to index
      %get3A_1531 = arith.index_cast %scan3A_136 : i32 to index
      %get3A_1532 = arith.constant 464 : index
      %get3A_1533 = tpu.vector_load %arg5[%get3A_1530, %get3A_1531, %get3A_1532] {strides = array<i32>} : memref<4x8x512xf32, #tpu.memory_space<vmem>>, vector<16xf32>,
      %get3A_1534 = arith.constant 1 : i32
      %get3A_1535 = arith.index_cast %get3A_1534 : i32 to index
      %get3A_1536 = arith.index_cast %scan3A_136 : i32 to index
      %get3A_1537 = arith.constant 464 : index
      %get3A_1538 = tpu.vector_load %arg5[%get3A_1535, %get3A_1536, %get3A_1537] {strides = array<i32>} : memref<4x8x512xf32, #tpu.memory_space<vmem>>, vector<16xf32>,
      %get3A_1539 = arith.constant 2 : i32
      %get3A_1540 = arith.index_cast %get3A_1539 : i32 to index
      %get3A_1541 = arith.index_cast %scan3A_136 : i32 to index
      %get3A_1542 = arith.constant 464 : index
      %get3A_1543 = tpu.vector_load %arg5[%get3A_1540, %get3A_1541, %get3A_1542] {strides = array<i32>} : memref<4x8x512xf32, #tpu.memory_space<vmem>>, vector<16xf32>,
      %get3A_1544 = arith.constant 3 : i32
      %get3A_1545 = arith.index_cast %get3A_1544 : i32 to index
      %get3A_1546 = arith.index_cast %scan3A_136 : i32 to index
      %get3A_1547 = arith.constant 464 : index
      %get3A_1548 = tpu.vector_load %arg5[%get3A_1545, %get3A_1546, %get3A_1547] {strides = array<i32>} : memref<4x8x512xf32, #tpu.memory_space<vmem>>, vector<16xf32>,
      %ge3A_1549 = arith.cmpf oge, %get3A_1533, %get3A_1538 : vector<16xf32>
      %ge3A_1550 = arith.cmpf oge, %get3A_1533, %get3A_1543 : vector<16xf32>
      %and3A_1551 = arith.andi %ge3A_1549, %ge3A_1550 : vector<16xi1>
      %ge3A_1552 = arith.cmpf oge, %get3A_1533, %get3A_1548 : vector<16xf32>
      %and3A_1553 = arith.andi %and3A_1551, %ge3A_1552 : vector<16xi1>
      %select_n3A_1554 = arith.select %and3A_1553, %add3A_84, %broadcast_in_dim3A_81 : vector<16xi1>, vector<16xf32>
      %max3A_1555 = arith.maximumf %max3A_1507, %select_n3A_1554 : vector<16xf32>
      %gt3A_1556 = arith.cmpf ogt, %get3A_1538, %get3A_1533 : vector<16xf32>
      %ge3A_1557 = arith.cmpf oge, %get3A_1538, %get3A_1543 : vector<16xf32>
      %and3A_1558 = arith.andi %gt3A_1556, %ge3A_1557 : vector<16xi1>
      %ge3A_1559 = arith.cmpf oge, %get3A_1538, %get3A_1548 : vector<16xf32>
      %and3A_1560 = arith.andi %and3A_1558, %ge3A_1559 : vector<16xi1>
      %select_n3A_1561 = arith.select %and3A_1560, %add3A_84, %broadcast_in_dim3A_81 : vector<16xi1>, vector<16xf32>
      %max3A_1562 = arith.maximumf %max3A_1514, %select_n3A_1561 : vector<16xf32>
      %gt3A_1563 = arith.cmpf ogt, %get3A_1543, %get3A_1533 : vector<16xf32>
      %gt3A_1564 = arith.cmpf ogt, %get3A_1543, %get3A_1538 : vector<16xf32>
      %and3A_1565 = arith.andi %gt3A_1563, %gt3A_1564 : vector<16xi1>
      %ge3A_1566 = arith.cmpf oge, %get3A_1543, %get3A_1548 : vector<16xf32>
      %and3A_1567 = arith.andi %and3A_1565, %ge3A_1566 : vector<16xi1>
      %select_n3A_1568 = arith.select %and3A_1567, %add3A_84, %broadcast_in_dim3A_81 : vector<16xi1>, vector<16xf32>
      %max3A_1569 = arith.maximumf %max3A_1521, %select_n3A_1568 : vector<16xf32>
      %gt3A_1570 = arith.cmpf ogt, %get3A_1548, %get3A_1533 : vector<16xf32>
      %gt3A_1571 = arith.cmpf ogt, %get3A_1548, %get3A_1538 : vector<16xf32>
      %and3A_1572 = arith.andi %gt3A_1570, %gt3A_1571 : vector<16xi1>
      %gt3A_1573 = arith.cmpf ogt, %get3A_1548, %get3A_1543 : vector<16xf32>
      %and3A_1574 = arith.andi %and3A_1572, %gt3A_1573 : vector<16xi1>
      %select_n3A_1575 = arith.select %and3A_1574, %add3A_84, %broadcast_in_dim3A_81 : vector<16xi1>, vector<16xf32>
      %max3A_1576 = arith.maximumf %max3A_1528, %select_n3A_1575 : vector<16xf32>
      %get3A_1577 = arith.constant 0 : i32
      %get3A_1578 = arith.index_cast %get3A_1577 : i32 to index
      %get3A_1579 = arith.index_cast %scan3A_136 : i32 to index
      %get3A_1580 = arith.constant 480 : index
      %get3A_1581 = tpu.vector_load %arg5[%get3A_1578, %get3A_1579, %get3A_1580] {strides = array<i32>} : memref<4x8x512xf32, #tpu.memory_space<vmem>>, vector<16xf32>,
      %get3A_1582 = arith.constant 1 : i32
      %get3A_1583 = arith.index_cast %get3A_1582 : i32 to index
      %get3A_1584 = arith.index_cast %scan3A_136 : i32 to index
      %get3A_1585 = arith.constant 480 : index
      %get3A_1586 = tpu.vector_load %arg5[%get3A_1583, %get3A_1584, %get3A_1585] {strides = array<i32>} : memref<4x8x512xf32, #tpu.memory_space<vmem>>, vector<16xf32>,
      %get3A_1587 = arith.constant 2 : i32
      %get3A_1588 = arith.index_cast %get3A_1587 : i32 to index
      %get3A_1589 = arith.index_cast %scan3A_136 : i32 to index
      %get3A_1590 = arith.constant 480 : index
      %get3A_1591 = tpu.vector_load %arg5[%get3A_1588, %get3A_1589, %get3A_1590] {strides = array<i32>} : memref<4x8x512xf32, #tpu.memory_space<vmem>>, vector<16xf32>,
      %get3A_1592 = arith.constant 3 : i32
      %get3A_1593 = arith.index_cast %get3A_1592 : i32 to index
      %get3A_1594 = arith.index_cast %scan3A_136 : i32 to index
      %get3A_1595 = arith.constant 480 : index
      %get3A_1596 = tpu.vector_load %arg5[%get3A_1593, %get3A_1594, %get3A_1595] {strides = array<i32>} : memref<4x8x512xf32, #tpu.memory_space<vmem>>, vector<16xf32>,
      %ge3A_1597 = arith.cmpf oge, %get3A_1581, %get3A_1586 : vector<16xf32>
      %ge3A_1598 = arith.cmpf oge, %get3A_1581, %get3A_1591 : vector<16xf32>
      %and3A_1599 = arith.andi %ge3A_1597, %ge3A_1598 : vector<16xi1>
      %ge3A_1600 = arith.cmpf oge, %get3A_1581, %get3A_1596 : vector<16xf32>
      %and3A_1601 = arith.andi %and3A_1599, %ge3A_1600 : vector<16xi1>
      %select_n3A_1602 = arith.select %and3A_1601, %add3A_84, %broadcast_in_dim3A_81 : vector<16xi1>, vector<16xf32>
      %max3A_1603 = arith.maximumf %max3A_1555, %select_n3A_1602 : vector<16xf32>
      %gt3A_1604 = arith.cmpf ogt, %get3A_1586, %get3A_1581 : vector<16xf32>
      %ge3A_1605 = arith.cmpf oge, %get3A_1586, %get3A_1591 : vector<16xf32>
      %and3A_1606 = arith.andi %gt3A_1604, %ge3A_1605 : vector<16xi1>
      %ge3A_1607 = arith.cmpf oge, %get3A_1586, %get3A_1596 : vector<16xf32>
      %and3A_1608 = arith.andi %and3A_1606, %ge3A_1607 : vector<16xi1>
      %select_n3A_1609 = arith.select %and3A_1608, %add3A_84, %broadcast_in_dim3A_81 : vector<16xi1>, vector<16xf32>
      %max3A_1610 = arith.maximumf %max3A_1562, %select_n3A_1609 : vector<16xf32>
      %gt3A_1611 = arith.cmpf ogt, %get3A_1591, %get3A_1581 : vector<16xf32>
      %gt3A_1612 = arith.cmpf ogt, %get3A_1591, %get3A_1586 : vector<16xf32>
      %and3A_1613 = arith.andi %gt3A_1611, %gt3A_1612 : vector<16xi1>
      %ge3A_1614 = arith.cmpf oge, %get3A_1591, %get3A_1596 : vector<16xf32>
      %and3A_1615 = arith.andi %and3A_1613, %ge3A_1614 : vector<16xi1>
      %select_n3A_1616 = arith.select %and3A_1615, %add3A_84, %broadcast_in_dim3A_81 : vector<16xi1>, vector<16xf32>
      %max3A_1617 = arith.maximumf %max3A_1569, %select_n3A_1616 : vector<16xf32>
      %gt3A_1618 = arith.cmpf ogt, %get3A_1596, %get3A_1581 : vector<16xf32>
      %gt3A_1619 = arith.cmpf ogt, %get3A_1596, %get3A_1586 : vector<16xf32>
      %and3A_1620 = arith.andi %gt3A_1618, %gt3A_1619 : vector<16xi1>
      %gt3A_1621 = arith.cmpf ogt, %get3A_1596, %get3A_1591 : vector<16xf32>
      %and3A_1622 = arith.andi %and3A_1620, %gt3A_1621 : vector<16xi1>
      %select_n3A_1623 = arith.select %and3A_1622, %add3A_84, %broadcast_in_dim3A_81 : vector<16xi1>, vector<16xf32>
      %max3A_1624 = arith.maximumf %max3A_1576, %select_n3A_1623 : vector<16xf32>
      %get3A_1625 = arith.constant 0 : i32
      %get3A_1626 = arith.index_cast %get3A_1625 : i32 to index
      %get3A_1627 = arith.index_cast %scan3A_136 : i32 to index
      %get3A_1628 = arith.constant 496 : index
      %get3A_1629 = tpu.vector_load %arg5[%get3A_1626, %get3A_1627, %get3A_1628] {strides = array<i32>} : memref<4x8x512xf32, #tpu.memory_space<vmem>>, vector<16xf32>,
      %get3A_1630 = arith.constant 1 : i32
      %get3A_1631 = arith.index_cast %get3A_1630 : i32 to index
      %get3A_1632 = arith.index_cast %scan3A_136 : i32 to index
      %get3A_1633 = arith.constant 496 : index
      %get3A_1634 = tpu.vector_load %arg5[%get3A_1631, %get3A_1632, %get3A_1633] {strides = array<i32>} : memref<4x8x512xf32, #tpu.memory_space<vmem>>, vector<16xf32>,
      %get3A_1635 = arith.constant 2 : i32
      %get3A_1636 = arith.index_cast %get3A_1635 : i32 to index
      %get3A_1637 = arith.index_cast %scan3A_136 : i32 to index
      %get3A_1638 = arith.constant 496 : index
      %get3A_1639 = tpu.vector_load %arg5[%get3A_1636, %get3A_1637, %get3A_1638] {strides = array<i32>} : memref<4x8x512xf32, #tpu.memory_space<vmem>>, vector<16xf32>,
      %get3A_1640 = arith.constant 3 : i32
      %get3A_1641 = arith.index_cast %get3A_1640 : i32 to index
      %get3A_1642 = arith.index_cast %scan3A_136 : i32 to index
      %get3A_1643 = arith.constant 496 : index
      %get3A_1644 = tpu.vector_load %arg5[%get3A_1641, %get3A_1642, %get3A_1643] {strides = array<i32>} : memref<4x8x512xf32, #tpu.memory_space<vmem>>, vector<16xf32>,
      %ge3A_1645 = arith.cmpf oge, %get3A_1629, %get3A_1634 : vector<16xf32>
      %ge3A_1646 = arith.cmpf oge, %get3A_1629, %get3A_1639 : vector<16xf32>
      %and3A_1647 = arith.andi %ge3A_1645, %ge3A_1646 : vector<16xi1>
      %ge3A_1648 = arith.cmpf oge, %get3A_1629, %get3A_1644 : vector<16xf32>
      %and3A_1649 = arith.andi %and3A_1647, %ge3A_1648 : vector<16xi1>
      %select_n3A_1650 = arith.select %and3A_1649, %add3A_84, %broadcast_in_dim3A_81 : vector<16xi1>, vector<16xf32>
      %max3A_1651 = arith.maximumf %max3A_1603, %select_n3A_1650 : vector<16xf32>
      %gt3A_1652 = arith.cmpf ogt, %get3A_1634, %get3A_1629 : vector<16xf32>
      %ge3A_1653 = arith.cmpf oge, %get3A_1634, %get3A_1639 : vector<16xf32>
      %and3A_1654 = arith.andi %gt3A_1652, %ge3A_1653 : vector<16xi1>
      %ge3A_1655 = arith.cmpf oge, %get3A_1634, %get3A_1644 : vector<16xf32>
      %and3A_1656 = arith.andi %and3A_1654, %ge3A_1655 : vector<16xi1>
      %select_n3A_1657 = arith.select %and3A_1656, %add3A_84, %broadcast_in_dim3A_81 : vector<16xi1>, vector<16xf32>
      %max3A_1658 = arith.maximumf %max3A_1610, %select_n3A_1657 : vector<16xf32>
      %gt3A_1659 = arith.cmpf ogt, %get3A_1639, %get3A_1629 : vector<16xf32>
      %gt3A_1660 = arith.cmpf ogt, %get3A_1639, %get3A_1634 : vector<16xf32>
      %and3A_1661 = arith.andi %gt3A_1659, %gt3A_1660 : vector<16xi1>
      %ge3A_1662 = arith.cmpf oge, %get3A_1639, %get3A_1644 : vector<16xf32>
      %and3A_1663 = arith.andi %and3A_1661, %ge3A_1662 : vector<16xi1>
      %select_n3A_1664 = arith.select %and3A_1663, %add3A_84, %broadcast_in_dim3A_81 : vector<16xi1>, vector<16xf32>
      %max3A_1665 = arith.maximumf %max3A_1617, %select_n3A_1664 : vector<16xf32>
      %gt3A_1666 = arith.cmpf ogt, %get3A_1644, %get3A_1629 : vector<16xf32>
      %gt3A_1667 = arith.cmpf ogt, %get3A_1644, %get3A_1634 : vector<16xf32>
      %and3A_1668 = arith.andi %gt3A_1666, %gt3A_1667 : vector<16xi1>
      %gt3A_1669 = arith.cmpf ogt, %get3A_1644, %get3A_1639 : vector<16xf32>
      %and3A_1670 = arith.andi %and3A_1668, %gt3A_1669 : vector<16xi1>
      %select_n3A_1671 = arith.select %and3A_1670, %add3A_84, %broadcast_in_dim3A_81 : vector<16xi1>, vector<16xf32>
      %max3A_1672 = arith.maximumf %max3A_1624, %select_n3A_1671 : vector<16xf32>
      scf.yield %max3A_1651, %max3A_1658, %max3A_1665, %max3A_1672 : vector<16xf32>, vector<16xf32>, vector<16xf32>, vector<16xf32>
    }
    %scan3A_89 = arith.constant 8 : i32
    %iota3A = tpu.iota {dimensions = array<i32: 0>} : vector<16xi32>
    %reduce_max3A = arith.constant true
    %reduce_max3A_90 = vector.broadcast %reduce_max3A : i1 to vector<16xi1>
    %reduce_max3A_91 = tpu.scan <max>, %scan3A_88#0 masked %reduce_max3A_90 : vector<16xf32>, vector<16xi1> -> vector<16xf32>
    %reduce_max3A_92 = vector.extract %reduce_max3A_91[15] : f32 from vector<16xf32>
    %eq3A_93 = arith.constant 0 : i32
    %eq3A_94 = vector.broadcast %eq3A_93 : i32 to vector<16xi32>
    %eq3A_95 = arith.cmpi eq, %iota3A, %eq3A_94 : vector<16xi32>
    %broadcast_in_dim3A_96 = vector.broadcast %reduce_max3A_92 : f32 to vector<16xf32>
    %select_n3A_97 = arith.select %eq3A_95, %broadcast_in_dim3A_96, %broadcast_in_dim3A_81 : vector<16xi1>, vector<16xf32>
    %reduce_max3A_98 = arith.constant true
    %reduce_max3A_99 = vector.broadcast %reduce_max3A_98 : i1 to vector<16xi1>
    %reduce_max3A_100 = tpu.scan <max>, %scan3A_88#1 masked %reduce_max3A_99 : vector<16xf32>, vector<16xi1> -> vector<16xf32>
    %reduce_max3A_101 = vector.extract %reduce_max3A_100[15] : f32 from vector<16xf32>
    %eq3A_102 = arith.constant 1 : i32
    %eq3A_103 = vector.broadcast %eq3A_102 : i32 to vector<16xi32>
    %eq3A_104 = arith.cmpi eq, %iota3A, %eq3A_103 : vector<16xi32>
    %broadcast_in_dim3A_105 = vector.broadcast %reduce_max3A_101 : f32 to vector<16xf32>
    %select_n3A_106 = arith.select %eq3A_104, %broadcast_in_dim3A_105, %select_n3A_97 : vector<16xi1>, vector<16xf32>
    %reduce_max3A_107 = arith.constant true
    %reduce_max3A_108 = vector.broadcast %reduce_max3A_107 : i1 to vector<16xi1>
    %reduce_max3A_109 = tpu.scan <max>, %scan3A_88#2 masked %reduce_max3A_108 : vector<16xf32>, vector<16xi1> -> vector<16xf32>
    %reduce_max3A_110 = vector.extract %reduce_max3A_109[15] : f32 from vector<16xf32>
    %eq3A_111 = arith.constant 2 : i32
    %eq3A_112 = vector.broadcast %eq3A_111 : i32 to vector<16xi32>
    %eq3A_113 = arith.cmpi eq, %iota3A, %eq3A_112 : vector<16xi32>
    %broadcast_in_dim3A_114 = vector.broadcast %reduce_max3A_110 : f32 to vector<16xf32>
    %select_n3A_115 = arith.select %eq3A_113, %broadcast_in_dim3A_114, %select_n3A_106 : vector<16xi1>, vector<16xf32>
    %reduce_max3A_116 = arith.constant true
    %reduce_max3A_117 = vector.broadcast %reduce_max3A_116 : i1 to vector<16xi1>
    %reduce_max3A_118 = tpu.scan <max>, %scan3A_88#3 masked %reduce_max3A_117 : vector<16xf32>, vector<16xi1> -> vector<16xf32>
    %reduce_max3A_119 = vector.extract %reduce_max3A_118[15] : f32 from vector<16xf32>
    %eq3A_120 = arith.constant 3 : i32
    %eq3A_121 = vector.broadcast %eq3A_120 : i32 to vector<16xi32>
    %eq3A_122 = arith.cmpi eq, %iota3A, %eq3A_121 : vector<16xi32>
    %broadcast_in_dim3A_123 = vector.broadcast %reduce_max3A_119 : f32 to vector<16xf32>
    %select_n3A_124 = arith.select %eq3A_122, %broadcast_in_dim3A_123, %select_n3A_115 : vector<16xi1>, vector<16xf32>
    %swap3A = arith.constant 0 : index
    %swap3A_125 = tpu.vector_load %arg6[%swap3A] {strides = array<i32>} : memref<16xf32, #tpu.memory_space<vmem>>, vector<16xf32>,
    tpu.vector_store %arg6[%swap3A], %select_n3A_124 {strides = array<i32>} : memref<16xf32, #tpu.memory_space<vmem>>, vector<16xf32>,
    %dma_start3A = arith.constant 0 : i32
    %dma_start3A_126 = tpu.memref_slice %arg4[%add3A, %dma_start3A] : memref<32x16xf32, #tpu.memory_space<hbm>> -> memref<1x16xf32, #tpu.memory_space<hbm>>
    %dma_start3A_127 = tpu.memref_squeeze %dma_start3A_126 : memref<1x16xf32, #tpu.memory_space<hbm>> -> memref<16xf32, #tpu.memory_space<hbm>>
    %dma_start3A_128 = arith.constant 0 : i32
    %dma_start3A_129 = tpu.memref_slice %arg4[%add3A, %dma_start3A_128] : memref<32x16xf32, #tpu.memory_space<hbm>> -> memref<1x16xf32, #tpu.memory_space<hbm>>
    %dma_start3A_130 = tpu.memref_squeeze %dma_start3A_129 : memref<1x16xf32, #tpu.memory_space<hbm>> -> memref<16xf32, #tpu.memory_space<hbm>>
    tpu.enqueue_dma source(%arg6 : memref<16xf32, #tpu.memory_space<vmem>>) target(%dma_start3A_130 : memref<16xf32, #tpu.memory_space<hbm>>) target_semaphore(%arg7 : memref<!tpu.dma_semaphore, #tpu.memory_space<semaphore_mem>>)
    %dma_wait3A = arith.constant 0 : i32
    %dma_wait3A_131 = tpu.memref_slice %arg4[%add3A, %dma_wait3A] : memref<32x16xf32, #tpu.memory_space<hbm>> -> memref<1x16xf32, #tpu.memory_space<hbm>>
    %dma_wait3A_132 = tpu.memref_squeeze %dma_wait3A_131 : memref<1x16xf32, #tpu.memory_space<hbm>> -> memref<16xf32, #tpu.memory_space<hbm>>
    %dma_wait3A_133 = arith.constant 0 : i32
    %dma_wait3A_134 = tpu.memref_slice %arg4[%add3A, %dma_wait3A_133] : memref<32x16xf32, #tpu.memory_space<hbm>> -> memref<1x16xf32, #tpu.memory_space<hbm>>
    %dma_wait3A_135 = tpu.memref_squeeze %dma_wait3A_134 : memref<1x16xf32, #tpu.memory_space<hbm>> -> memref<16xf32, #tpu.memory_space<hbm>>
    tpu.wait_dma2 semaphore(%arg7 : memref<!tpu.dma_semaphore, #tpu.memory_space<semaphore_mem>>) src(%arg6 : memref<16xf32, #tpu.memory_space<vmem>>) dst(%dma_wait3A_135 : memref<16xf32, #tpu.memory_space<hbm>>)
    return
  }
}

module attributes {stable_mosaic.version = 14 : i64} {
  func.func @_stream_body(%arg0: i32, %arg1: i32, %arg2: memref<1x4x256x512xf32, #tpu.memory_space<vmem>>, %arg3: memref<1x3x256x512xf32, #tpu.memory_space<vmem>>, %arg4: memref<1x4x256x512xf32, #tpu.memory_space<vmem>>, %arg5: memref<1x3x256x512xf32, #tpu.memory_space<vmem>>, %arg6: memref<1x4x256x512xf32, #tpu.memory_space<vmem>>, %arg7: memref<1x3x256x512xf32, #tpu.memory_space<vmem>>, %arg8: memref<1x4x256x512xf32, #tpu.memory_space<vmem>>, %arg9: memref<1x3x256x512xf32, #tpu.memory_space<vmem>>) attributes {dimension_semantics = [#tpu.dimension_semantics<arbitrary>, #tpu.dimension_semantics<arbitrary>], iteration_bounds = array<i64: 8, 2>, scalar_prefetch = 0 : i64, scratch_operands = 0 : i64, tpu.core_type = #tpu.core_type<tc>, window_params = [{transform_indices = @transform_0, window_bounds = array<i64: 1, 4, 256, 512>}, {transform_indices = @transform_1, window_bounds = array<i64: 1, 3, 256, 512>}, {transform_indices = @transform_2, window_bounds = array<i64: 1, 4, 256, 512>}, {transform_indices = @transform_3, window_bounds = array<i64: 1, 3, 256, 512>}, {transform_indices = @transform_4, window_bounds = array<i64: 1, 4, 256, 512>}, {transform_indices = @transform_5, window_bounds = array<i64: 1, 3, 256, 512>}, {transform_indices = @transform_6, window_bounds = array<i64: 1, 4, 256, 512>}, {transform_indices = @transform_7, window_bounds = array<i64: 1, 3, 256, 512>}]} {
    %get3A = arith.constant 0 : index
    %get3A_0 = arith.constant 0 : index
    %get3A_1 = arith.constant 0 : index
    %get3A_2 = arith.constant 0 : index
    %get3A_3 = vector.load %arg2[%get3A, %get3A_0, %get3A_1, %get3A_2] : memref<1x4x256x512xf32, #tpu.memory_space<vmem>>, vector<1x4x256x512xf32>
    %get3A_4 = vector.shape_cast %get3A_3 : vector<1x4x256x512xf32> to vector<4x256x512xf32>
    %get3A_5 = arith.constant 0 : index
    %get3A_6 = arith.constant 0 : index
    %get3A_7 = arith.constant 0 : index
    %get3A_8 = arith.constant 0 : index
    %get3A_9 = vector.load %arg4[%get3A_5, %get3A_6, %get3A_7, %get3A_8] : memref<1x4x256x512xf32, #tpu.memory_space<vmem>>, vector<1x4x256x512xf32>
    %get3A_10 = vector.shape_cast %get3A_9 : vector<1x4x256x512xf32> to vector<4x256x512xf32>
    %swap3A = arith.constant 0 : index
    %swap3A_11 = arith.constant 0 : index
    %swap3A_12 = arith.constant 0 : index
    %swap3A_13 = arith.constant 0 : index
    %swap3A_14 = vector.load %arg6[%swap3A, %swap3A_11, %swap3A_12, %swap3A_13] : memref<1x4x256x512xf32, #tpu.memory_space<vmem>>, vector<1x4x256x512xf32>
    %swap3A_15 = vector.shape_cast %swap3A_14 : vector<1x4x256x512xf32> to vector<4x256x512xf32>
    %swap3A_16 = vector.shape_cast %get3A_4 : vector<4x256x512xf32> to vector<1x4x256x512xf32>
    tpu.vector_store %arg6[%swap3A, %swap3A_11, %swap3A_12, %swap3A_13], %swap3A_16 {strides = array<i32>} : memref<1x4x256x512xf32, #tpu.memory_space<vmem>>, vector<1x4x256x512xf32>,
    %swap3A_17 = arith.constant 0 : index
    %swap3A_18 = arith.constant 0 : index
    %swap3A_19 = arith.constant 0 : index
    %swap3A_20 = arith.constant 0 : index
    %swap3A_21 = vector.load %arg8[%swap3A_17, %swap3A_18, %swap3A_19, %swap3A_20] : memref<1x4x256x512xf32, #tpu.memory_space<vmem>>, vector<1x4x256x512xf32>
    %swap3A_22 = vector.shape_cast %swap3A_21 : vector<1x4x256x512xf32> to vector<4x256x512xf32>
    %swap3A_23 = vector.shape_cast %get3A_10 : vector<4x256x512xf32> to vector<1x4x256x512xf32>
    tpu.vector_store %arg8[%swap3A_17, %swap3A_18, %swap3A_19, %swap3A_20], %swap3A_23 {strides = array<i32>} : memref<1x4x256x512xf32, #tpu.memory_space<vmem>>, vector<1x4x256x512xf32>,
    %slice3A = vector.extract_strided_slice %get3A_4 {offsets = [0, 0, 0], sizes = [1, 256, 512], strides = [1, 1, 1]} : vector<4x256x512xf32> to vector<1x256x512xf32>
    %squeeze3A = vector.shape_cast %slice3A : vector<1x256x512xf32> to vector<256x512xf32>
    %slice3A_24 = vector.extract_strided_slice %get3A_4 {offsets = [1, 0, 0], sizes = [1, 256, 512], strides = [1, 1, 1]} : vector<4x256x512xf32> to vector<1x256x512xf32>
    %squeeze3A_25 = vector.shape_cast %slice3A_24 : vector<1x256x512xf32> to vector<256x512xf32>
    %add3A = arith.addf %squeeze3A, %squeeze3A_25 : vector<256x512xf32>
    %slice3A_26 = vector.extract_strided_slice %get3A_4 {offsets = [2, 0, 0], sizes = [1, 256, 512], strides = [1, 1, 1]} : vector<4x256x512xf32> to vector<1x256x512xf32>
    %squeeze3A_27 = vector.shape_cast %slice3A_26 : vector<1x256x512xf32> to vector<256x512xf32>
    %add3A_28 = arith.addf %add3A, %squeeze3A_27 : vector<256x512xf32>
    %slice3A_29 = vector.extract_strided_slice %get3A_4 {offsets = [3, 0, 0], sizes = [1, 256, 512], strides = [1, 1, 1]} : vector<4x256x512xf32> to vector<1x256x512xf32>
    %squeeze3A_30 = vector.shape_cast %slice3A_29 : vector<1x256x512xf32> to vector<256x512xf32>
    %add3A_31 = arith.addf %add3A_28, %squeeze3A_30 : vector<256x512xf32>
    %slice3A_32 = vector.extract_strided_slice %get3A_10 {offsets = [0, 0, 0], sizes = [1, 256, 512], strides = [1, 1, 1]} : vector<4x256x512xf32> to vector<1x256x512xf32>
    %squeeze3A_33 = vector.shape_cast %slice3A_32 : vector<1x256x512xf32> to vector<256x512xf32>
    %slice3A_34 = vector.extract_strided_slice %get3A_10 {offsets = [1, 0, 0], sizes = [1, 256, 512], strides = [1, 1, 1]} : vector<4x256x512xf32> to vector<1x256x512xf32>
    %squeeze3A_35 = vector.shape_cast %slice3A_34 : vector<1x256x512xf32> to vector<256x512xf32>
    %add3A_36 = arith.addf %squeeze3A_33, %squeeze3A_35 : vector<256x512xf32>
    %slice3A_37 = vector.extract_strided_slice %get3A_10 {offsets = [2, 0, 0], sizes = [1, 256, 512], strides = [1, 1, 1]} : vector<4x256x512xf32> to vector<1x256x512xf32>
    %squeeze3A_38 = vector.shape_cast %slice3A_37 : vector<1x256x512xf32> to vector<256x512xf32>
    %add3A_39 = arith.addf %add3A_36, %squeeze3A_38 : vector<256x512xf32>
    %slice3A_40 = vector.extract_strided_slice %get3A_10 {offsets = [3, 0, 0], sizes = [1, 256, 512], strides = [1, 1, 1]} : vector<4x256x512xf32> to vector<1x256x512xf32>
    %squeeze3A_41 = vector.shape_cast %slice3A_40 : vector<1x256x512xf32> to vector<256x512xf32>
    %add3A_42 = arith.addf %add3A_39, %squeeze3A_41 : vector<256x512xf32>
    %broadcast_in_dim3A = vector.shape_cast %add3A_31 : vector<256x512xf32> to vector<1x256x512xf32>
    %get3A_43 = arith.constant 0 : index
    %get3A_44 = arith.constant 0 : index
    %get3A_45 = arith.constant 0 : index
    %get3A_46 = arith.constant 0 : index
    %get3A_47 = vector.load %arg3[%get3A_43, %get3A_44, %get3A_45, %get3A_46] : memref<1x3x256x512xf32, #tpu.memory_space<vmem>>, vector<1x3x256x512xf32>
    %get3A_48 = vector.shape_cast %get3A_47 : vector<1x3x256x512xf32> to vector<3x256x512xf32>
    %mul3A = vector.broadcast %broadcast_in_dim3A : vector<1x256x512xf32> to vector<3x256x512xf32>
    %mul3A_49 = arith.mulf %mul3A, %get3A_48 : vector<3x256x512xf32>
    %swap3A_50 = arith.constant 0 : index
    %swap3A_51 = arith.constant 0 : index
    %swap3A_52 = arith.constant 0 : index
    %swap3A_53 = arith.constant 0 : index
    %swap3A_54 = vector.load %arg7[%swap3A_50, %swap3A_51, %swap3A_52, %swap3A_53] : memref<1x3x256x512xf32, #tpu.memory_space<vmem>>, vector<1x3x256x512xf32>
    %swap3A_55 = vector.shape_cast %swap3A_54 : vector<1x3x256x512xf32> to vector<3x256x512xf32>
    %swap3A_56 = vector.shape_cast %mul3A_49 : vector<3x256x512xf32> to vector<1x3x256x512xf32>
    tpu.vector_store %arg7[%swap3A_50, %swap3A_51, %swap3A_52, %swap3A_53], %swap3A_56 {strides = array<i32>} : memref<1x3x256x512xf32, #tpu.memory_space<vmem>>, vector<1x3x256x512xf32>,
    %broadcast_in_dim3A_57 = vector.shape_cast %add3A_42 : vector<256x512xf32> to vector<1x256x512xf32>
    %get3A_58 = arith.constant 0 : index
    %get3A_59 = arith.constant 0 : index
    %get3A_60 = arith.constant 0 : index
    %get3A_61 = arith.constant 0 : index
    %get3A_62 = vector.load %arg5[%get3A_58, %get3A_59, %get3A_60, %get3A_61] : memref<1x3x256x512xf32, #tpu.memory_space<vmem>>, vector<1x3x256x512xf32>
    %get3A_63 = vector.shape_cast %get3A_62 : vector<1x3x256x512xf32> to vector<3x256x512xf32>
    %mul3A_64 = vector.broadcast %broadcast_in_dim3A_57 : vector<1x256x512xf32> to vector<3x256x512xf32>
    %mul3A_65 = arith.mulf %mul3A_64, %get3A_63 : vector<3x256x512xf32>
    %swap3A_66 = arith.constant 0 : index
    %swap3A_67 = arith.constant 0 : index
    %swap3A_68 = arith.constant 0 : index
    %swap3A_69 = arith.constant 0 : index
    %swap3A_70 = vector.load %arg9[%swap3A_66, %swap3A_67, %swap3A_68, %swap3A_69] : memref<1x3x256x512xf32, #tpu.memory_space<vmem>>, vector<1x3x256x512xf32>
    %swap3A_71 = vector.shape_cast %swap3A_70 : vector<1x3x256x512xf32> to vector<3x256x512xf32>
    %swap3A_72 = vector.shape_cast %mul3A_65 : vector<3x256x512xf32> to vector<1x3x256x512xf32>
    tpu.vector_store %arg9[%swap3A_66, %swap3A_67, %swap3A_68, %swap3A_69], %swap3A_72 {strides = array<i32>} : memref<1x3x256x512xf32, #tpu.memory_space<vmem>>, vector<1x3x256x512xf32>,
    return
  }
  func.func @transform_0(%arg0: i32, %arg1: i32) -> (i32, i32, i32, i32) {
    %c0_i32 = arith.constant 0 : i32
    %c0_i32_0 = arith.constant 0 : i32
    %c0_i32_1 = arith.constant 0 : i32
    return %arg0, %c0_i32, %arg1, %c0_i32_0 : i32, i32, i32, i32
  }
  func.func @transform_1(%arg0: i32, %arg1: i32) -> (i32, i32, i32, i32) {
    %c0_i32 = arith.constant 0 : i32
    %c0_i32_0 = arith.constant 0 : i32
    %c0_i32_1 = arith.constant 0 : i32
    return %arg0, %c0_i32, %arg1, %c0_i32_0 : i32, i32, i32, i32
  }
  func.func @transform_2(%arg0: i32, %arg1: i32) -> (i32, i32, i32, i32) {
    %c0_i32 = arith.constant 0 : i32
    %c0_i32_0 = arith.constant 0 : i32
    %c0_i32_1 = arith.constant 0 : i32
    return %arg0, %c0_i32, %arg1, %c0_i32_0 : i32, i32, i32, i32
  }
  func.func @transform_3(%arg0: i32, %arg1: i32) -> (i32, i32, i32, i32) {
    %c0_i32 = arith.constant 0 : i32
    %c0_i32_0 = arith.constant 0 : i32
    %c0_i32_1 = arith.constant 0 : i32
    return %arg0, %c0_i32, %arg1, %c0_i32_0 : i32, i32, i32, i32
  }
  func.func @transform_4(%arg0: i32, %arg1: i32) -> (i32, i32, i32, i32) {
    %c0_i32 = arith.constant 0 : i32
    %c0_i32_0 = arith.constant 0 : i32
    %c0_i32_1 = arith.constant 0 : i32
    return %arg0, %c0_i32, %arg1, %c0_i32_0 : i32, i32, i32, i32
  }
  func.func @transform_5(%arg0: i32, %arg1: i32) -> (i32, i32, i32, i32) {
    %c0_i32 = arith.constant 0 : i32
    %c0_i32_0 = arith.constant 0 : i32
    %c0_i32_1 = arith.constant 0 : i32
    return %arg0, %c0_i32, %arg1, %c0_i32_0 : i32, i32, i32, i32
  }
  func.func @transform_6(%arg0: i32, %arg1: i32) -> (i32, i32, i32, i32) {
    %c0_i32 = arith.constant 0 : i32
    %c0_i32_0 = arith.constant 0 : i32
    %c0_i32_1 = arith.constant 0 : i32
    return %arg0, %c0_i32, %arg1, %c0_i32_0 : i32, i32, i32, i32
  }
  func.func @transform_7(%arg0: i32, %arg1: i32) -> (i32, i32, i32, i32) {
    %c0_i32 = arith.constant 0 : i32
    %c0_i32_0 = arith.constant 0 : i32
    %c0_i32_1 = arith.constant 0 : i32
    return %arg0, %c0_i32, %arg1, %c0_i32_0 : i32, i32, i32, i32
  }
}

module attributes {stable_mosaic.version = 14 : i64} {
  func.func @_full_flags_body(%arg0: i32, %arg1: i32, %arg2: memref<1x4x256x512xf32, #tpu.memory_space<vmem>>, %arg3: memref<1x4x256x512xf32, #tpu.memory_space<vmem>>, %arg4: memref<8x128xf32, #tpu.memory_space<vmem>>) attributes {dimension_semantics = [#tpu.dimension_semantics<arbitrary>, #tpu.dimension_semantics<arbitrary>], iteration_bounds = array<i64: 8, 2>, scalar_prefetch = 0 : i64, scratch_operands = 0 : i64, tpu.core_type = #tpu.core_type<tc>, window_params = [{transform_indices = @transform_0, window_bounds = array<i64: 1, 4, 256, 512>}, {transform_indices = @transform_1, window_bounds = array<i64: 1, 4, 256, 512>}, {pipeline_mode = #tpu.pipeline_mode<synchronous>, transform_indices = @transform_2, window_bounds = array<i64: 8, 128>}]} {
    %get3A = arith.constant 0 : index
    %get3A_0 = arith.constant 0 : index
    %get3A_1 = arith.constant 0 : index
    %get3A_2 = arith.constant 0 : index
    %get3A_3 = vector.load %arg2[%get3A, %get3A_0, %get3A_1, %get3A_2] : memref<1x4x256x512xf32, #tpu.memory_space<vmem>>, vector<1x4x256x512xf32>
    %get3A_4 = vector.shape_cast %get3A_3 : vector<1x4x256x512xf32> to vector<4x256x512xf32>
    %slice3A = vector.extract_strided_slice %get3A_4 {offsets = [0, 0, 0], sizes = [1, 256, 512], strides = [1, 1, 1]} : vector<4x256x512xf32> to vector<1x256x512xf32>
    %squeeze3A = vector.shape_cast %slice3A : vector<1x256x512xf32> to vector<256x512xf32>
    %slice3A_5 = vector.extract_strided_slice %get3A_4 {offsets = [1, 0, 0], sizes = [1, 256, 512], strides = [1, 1, 1]} : vector<4x256x512xf32> to vector<1x256x512xf32>
    %squeeze3A_6 = vector.shape_cast %slice3A_5 : vector<1x256x512xf32> to vector<256x512xf32>
    %slice3A_7 = vector.extract_strided_slice %get3A_4 {offsets = [2, 0, 0], sizes = [1, 256, 512], strides = [1, 1, 1]} : vector<4x256x512xf32> to vector<1x256x512xf32>
    %squeeze3A_8 = vector.shape_cast %slice3A_7 : vector<1x256x512xf32> to vector<256x512xf32>
    %slice3A_9 = vector.extract_strided_slice %get3A_4 {offsets = [3, 0, 0], sizes = [1, 256, 512], strides = [1, 1, 1]} : vector<4x256x512xf32> to vector<1x256x512xf32>
    %squeeze3A_10 = vector.shape_cast %slice3A_9 : vector<1x256x512xf32> to vector<256x512xf32>
    %ge3A = arith.cmpf oge, %squeeze3A, %squeeze3A_6 : vector<256x512xf32>
    %ge3A_11 = arith.cmpf oge, %squeeze3A, %squeeze3A_8 : vector<256x512xf32>
    %and3A = arith.andi %ge3A, %ge3A_11 : vector<256x512xi1>
    %ge3A_12 = arith.cmpf oge, %squeeze3A, %squeeze3A_10 : vector<256x512xf32>
    %and3A_13 = arith.andi %and3A, %ge3A_12 : vector<256x512xi1>
    %convert_element_type3A = arith.extui %and3A_13 : vector<256x512xi1> to vector<256x512xi32>
    %convert_element_type3A_14 = arith.sitofp %convert_element_type3A : vector<256x512xi32> to vector<256x512xf32>
    %reduce_max3A = vector.shape_cast %convert_element_type3A_14 : vector<256x512xf32> to vector<1x256x512xf32>
    %reduce_max3A_15 = arith.constant dense<0xFF800000> : vector<1xf32>
    %reduce_max3A_16 = vector.multi_reduction <maximumf>, %reduce_max3A, %reduce_max3A_15 [1, 2] : vector<1x256x512xf32> to vector<1xf32>
    %reduce_max3A_17 = vector.shape_cast %reduce_max3A_16 : vector<1xf32> to vector<1x1x1xf32>
    %reduce_max3A_18 = vector.extract %reduce_max3A_17[0, 0, 0] : f32 from vector<1x1x1xf32>
    %gt3A = arith.cmpf ogt, %squeeze3A_6, %squeeze3A : vector<256x512xf32>
    %ge3A_19 = arith.cmpf oge, %squeeze3A_6, %squeeze3A_8 : vector<256x512xf32>
    %and3A_20 = arith.andi %gt3A, %ge3A_19 : vector<256x512xi1>
    %ge3A_21 = arith.cmpf oge, %squeeze3A_6, %squeeze3A_10 : vector<256x512xf32>
    %and3A_22 = arith.andi %and3A_20, %ge3A_21 : vector<256x512xi1>
    %convert_element_type3A_23 = arith.extui %and3A_22 : vector<256x512xi1> to vector<256x512xi32>
    %convert_element_type3A_24 = arith.sitofp %convert_element_type3A_23 : vector<256x512xi32> to vector<256x512xf32>
    %reduce_max3A_25 = vector.shape_cast %convert_element_type3A_24 : vector<256x512xf32> to vector<1x256x512xf32>
    %reduce_max3A_26 = arith.constant dense<0xFF800000> : vector<1xf32>
    %reduce_max3A_27 = vector.multi_reduction <maximumf>, %reduce_max3A_25, %reduce_max3A_26 [1, 2] : vector<1x256x512xf32> to vector<1xf32>
    %reduce_max3A_28 = vector.shape_cast %reduce_max3A_27 : vector<1xf32> to vector<1x1x1xf32>
    %reduce_max3A_29 = vector.extract %reduce_max3A_28[0, 0, 0] : f32 from vector<1x1x1xf32>
    %gt3A_30 = arith.cmpf ogt, %squeeze3A_8, %squeeze3A : vector<256x512xf32>
    %gt3A_31 = arith.cmpf ogt, %squeeze3A_8, %squeeze3A_6 : vector<256x512xf32>
    %and3A_32 = arith.andi %gt3A_30, %gt3A_31 : vector<256x512xi1>
    %ge3A_33 = arith.cmpf oge, %squeeze3A_8, %squeeze3A_10 : vector<256x512xf32>
    %and3A_34 = arith.andi %and3A_32, %ge3A_33 : vector<256x512xi1>
    %convert_element_type3A_35 = arith.extui %and3A_34 : vector<256x512xi1> to vector<256x512xi32>
    %convert_element_type3A_36 = arith.sitofp %convert_element_type3A_35 : vector<256x512xi32> to vector<256x512xf32>
    %reduce_max3A_37 = vector.shape_cast %convert_element_type3A_36 : vector<256x512xf32> to vector<1x256x512xf32>
    %reduce_max3A_38 = arith.constant dense<0xFF800000> : vector<1xf32>
    %reduce_max3A_39 = vector.multi_reduction <maximumf>, %reduce_max3A_37, %reduce_max3A_38 [1, 2] : vector<1x256x512xf32> to vector<1xf32>
    %reduce_max3A_40 = vector.shape_cast %reduce_max3A_39 : vector<1xf32> to vector<1x1x1xf32>
    %reduce_max3A_41 = vector.extract %reduce_max3A_40[0, 0, 0] : f32 from vector<1x1x1xf32>
    %gt3A_42 = arith.cmpf ogt, %squeeze3A_10, %squeeze3A : vector<256x512xf32>
    %gt3A_43 = arith.cmpf ogt, %squeeze3A_10, %squeeze3A_6 : vector<256x512xf32>
    %and3A_44 = arith.andi %gt3A_42, %gt3A_43 : vector<256x512xi1>
    %gt3A_45 = arith.cmpf ogt, %squeeze3A_10, %squeeze3A_8 : vector<256x512xf32>
    %and3A_46 = arith.andi %and3A_44, %gt3A_45 : vector<256x512xi1>
    %convert_element_type3A_47 = arith.extui %and3A_46 : vector<256x512xi1> to vector<256x512xi32>
    %convert_element_type3A_48 = arith.sitofp %convert_element_type3A_47 : vector<256x512xi32> to vector<256x512xf32>
    %reduce_max3A_49 = vector.shape_cast %convert_element_type3A_48 : vector<256x512xf32> to vector<1x256x512xf32>
    %reduce_max3A_50 = arith.constant dense<0xFF800000> : vector<1xf32>
    %reduce_max3A_51 = vector.multi_reduction <maximumf>, %reduce_max3A_49, %reduce_max3A_50 [1, 2] : vector<1x256x512xf32> to vector<1xf32>
    %reduce_max3A_52 = vector.shape_cast %reduce_max3A_51 : vector<1xf32> to vector<1x1x1xf32>
    %reduce_max3A_53 = vector.extract %reduce_max3A_52[0, 0, 0] : f32 from vector<1x1x1xf32>
    %get3A_54 = arith.constant 0 : index
    %get3A_55 = arith.constant 0 : index
    %get3A_56 = arith.constant 0 : index
    %get3A_57 = arith.constant 0 : index
    %get3A_58 = vector.load %arg3[%get3A_54, %get3A_55, %get3A_56, %get3A_57] : memref<1x4x256x512xf32, #tpu.memory_space<vmem>>, vector<1x4x256x512xf32>
    %get3A_59 = vector.shape_cast %get3A_58 : vector<1x4x256x512xf32> to vector<4x256x512xf32>
    %slice3A_60 = vector.extract_strided_slice %get3A_59 {offsets = [0, 0, 0], sizes = [1, 256, 512], strides = [1, 1, 1]} : vector<4x256x512xf32> to vector<1x256x512xf32>
    %squeeze3A_61 = vector.shape_cast %slice3A_60 : vector<1x256x512xf32> to vector<256x512xf32>
    %slice3A_62 = vector.extract_strided_slice %get3A_59 {offsets = [1, 0, 0], sizes = [1, 256, 512], strides = [1, 1, 1]} : vector<4x256x512xf32> to vector<1x256x512xf32>
    %squeeze3A_63 = vector.shape_cast %slice3A_62 : vector<1x256x512xf32> to vector<256x512xf32>
    %slice3A_64 = vector.extract_strided_slice %get3A_59 {offsets = [2, 0, 0], sizes = [1, 256, 512], strides = [1, 1, 1]} : vector<4x256x512xf32> to vector<1x256x512xf32>
    %squeeze3A_65 = vector.shape_cast %slice3A_64 : vector<1x256x512xf32> to vector<256x512xf32>
    %slice3A_66 = vector.extract_strided_slice %get3A_59 {offsets = [3, 0, 0], sizes = [1, 256, 512], strides = [1, 1, 1]} : vector<4x256x512xf32> to vector<1x256x512xf32>
    %squeeze3A_67 = vector.shape_cast %slice3A_66 : vector<1x256x512xf32> to vector<256x512xf32>
    %ge3A_68 = arith.cmpf oge, %squeeze3A_61, %squeeze3A_63 : vector<256x512xf32>
    %ge3A_69 = arith.cmpf oge, %squeeze3A_61, %squeeze3A_65 : vector<256x512xf32>
    %and3A_70 = arith.andi %ge3A_68, %ge3A_69 : vector<256x512xi1>
    %ge3A_71 = arith.cmpf oge, %squeeze3A_61, %squeeze3A_67 : vector<256x512xf32>
    %and3A_72 = arith.andi %and3A_70, %ge3A_71 : vector<256x512xi1>
    %convert_element_type3A_73 = arith.extui %and3A_72 : vector<256x512xi1> to vector<256x512xi32>
    %convert_element_type3A_74 = arith.sitofp %convert_element_type3A_73 : vector<256x512xi32> to vector<256x512xf32>
    %reduce_max3A_75 = vector.shape_cast %convert_element_type3A_74 : vector<256x512xf32> to vector<1x256x512xf32>
    %reduce_max3A_76 = arith.constant dense<0xFF800000> : vector<1xf32>
    %reduce_max3A_77 = vector.multi_reduction <maximumf>, %reduce_max3A_75, %reduce_max3A_76 [1, 2] : vector<1x256x512xf32> to vector<1xf32>
    %reduce_max3A_78 = vector.shape_cast %reduce_max3A_77 : vector<1xf32> to vector<1x1x1xf32>
    %reduce_max3A_79 = vector.extract %reduce_max3A_78[0, 0, 0] : f32 from vector<1x1x1xf32>
    %gt3A_80 = arith.cmpf ogt, %squeeze3A_63, %squeeze3A_61 : vector<256x512xf32>
    %ge3A_81 = arith.cmpf oge, %squeeze3A_63, %squeeze3A_65 : vector<256x512xf32>
    %and3A_82 = arith.andi %gt3A_80, %ge3A_81 : vector<256x512xi1>
    %ge3A_83 = arith.cmpf oge, %squeeze3A_63, %squeeze3A_67 : vector<256x512xf32>
    %and3A_84 = arith.andi %and3A_82, %ge3A_83 : vector<256x512xi1>
    %convert_element_type3A_85 = arith.extui %and3A_84 : vector<256x512xi1> to vector<256x512xi32>
    %convert_element_type3A_86 = arith.sitofp %convert_element_type3A_85 : vector<256x512xi32> to vector<256x512xf32>
    %reduce_max3A_87 = vector.shape_cast %convert_element_type3A_86 : vector<256x512xf32> to vector<1x256x512xf32>
    %reduce_max3A_88 = arith.constant dense<0xFF800000> : vector<1xf32>
    %reduce_max3A_89 = vector.multi_reduction <maximumf>, %reduce_max3A_87, %reduce_max3A_88 [1, 2] : vector<1x256x512xf32> to vector<1xf32>
    %reduce_max3A_90 = vector.shape_cast %reduce_max3A_89 : vector<1xf32> to vector<1x1x1xf32>
    %reduce_max3A_91 = vector.extract %reduce_max3A_90[0, 0, 0] : f32 from vector<1x1x1xf32>
    %gt3A_92 = arith.cmpf ogt, %squeeze3A_65, %squeeze3A_61 : vector<256x512xf32>
    %gt3A_93 = arith.cmpf ogt, %squeeze3A_65, %squeeze3A_63 : vector<256x512xf32>
    %and3A_94 = arith.andi %gt3A_92, %gt3A_93 : vector<256x512xi1>
    %ge3A_95 = arith.cmpf oge, %squeeze3A_65, %squeeze3A_67 : vector<256x512xf32>
    %and3A_96 = arith.andi %and3A_94, %ge3A_95 : vector<256x512xi1>
    %convert_element_type3A_97 = arith.extui %and3A_96 : vector<256x512xi1> to vector<256x512xi32>
    %convert_element_type3A_98 = arith.sitofp %convert_element_type3A_97 : vector<256x512xi32> to vector<256x512xf32>
    %reduce_max3A_99 = vector.shape_cast %convert_element_type3A_98 : vector<256x512xf32> to vector<1x256x512xf32>
    %reduce_max3A_100 = arith.constant dense<0xFF800000> : vector<1xf32>
    %reduce_max3A_101 = vector.multi_reduction <maximumf>, %reduce_max3A_99, %reduce_max3A_100 [1, 2] : vector<1x256x512xf32> to vector<1xf32>
    %reduce_max3A_102 = vector.shape_cast %reduce_max3A_101 : vector<1xf32> to vector<1x1x1xf32>
    %reduce_max3A_103 = vector.extract %reduce_max3A_102[0, 0, 0] : f32 from vector<1x1x1xf32>
    %gt3A_104 = arith.cmpf ogt, %squeeze3A_67, %squeeze3A_61 : vector<256x512xf32>
    %gt3A_105 = arith.cmpf ogt, %squeeze3A_67, %squeeze3A_63 : vector<256x512xf32>
    %and3A_106 = arith.andi %gt3A_104, %gt3A_105 : vector<256x512xi1>
    %gt3A_107 = arith.cmpf ogt, %squeeze3A_67, %squeeze3A_65 : vector<256x512xf32>
    %and3A_108 = arith.andi %and3A_106, %gt3A_107 : vector<256x512xi1>
    %convert_element_type3A_109 = arith.extui %and3A_108 : vector<256x512xi1> to vector<256x512xi32>
    %convert_element_type3A_110 = arith.sitofp %convert_element_type3A_109 : vector<256x512xi32> to vector<256x512xf32>
    %reduce_max3A_111 = vector.shape_cast %convert_element_type3A_110 : vector<256x512xf32> to vector<1x256x512xf32>
    %reduce_max3A_112 = arith.constant dense<0xFF800000> : vector<1xf32>
    %reduce_max3A_113 = vector.multi_reduction <maximumf>, %reduce_max3A_111, %reduce_max3A_112 [1, 2] : vector<1x256x512xf32> to vector<1xf32>
    %reduce_max3A_114 = vector.shape_cast %reduce_max3A_113 : vector<1xf32> to vector<1x1x1xf32>
    %reduce_max3A_115 = vector.extract %reduce_max3A_114[0, 0, 0] : f32 from vector<1x1x1xf32>
    %iota3A = tpu.iota {dimensions = array<i32: 0>} : vector<8x128xi32>
    %broadcast_in_dim3A = arith.constant 0.000000e+00 : f32
    %broadcast_in_dim3A_116 = vector.broadcast %broadcast_in_dim3A : f32 to vector<8x128xf32>
    %eq3A = arith.constant 0 : i32
    %eq3A_117 = vector.broadcast %eq3A : i32 to vector<8x128xi32>
    %eq3A_118 = arith.cmpi eq, %iota3A, %eq3A_117 : vector<8x128xi32>
    %broadcast_in_dim3A_119 = vector.broadcast %reduce_max3A_18 : f32 to vector<8x128xf32>
    %select_n3A = arith.select %eq3A_118, %broadcast_in_dim3A_119, %broadcast_in_dim3A_116 : vector<8x128xi1>, vector<8x128xf32>
    %eq3A_120 = arith.constant 1 : i32
    %eq3A_121 = vector.broadcast %eq3A_120 : i32 to vector<8x128xi32>
    %eq3A_122 = arith.cmpi eq, %iota3A, %eq3A_121 : vector<8x128xi32>
    %broadcast_in_dim3A_123 = vector.broadcast %reduce_max3A_29 : f32 to vector<8x128xf32>
    %select_n3A_124 = arith.select %eq3A_122, %broadcast_in_dim3A_123, %select_n3A : vector<8x128xi1>, vector<8x128xf32>
    %eq3A_125 = arith.constant 2 : i32
    %eq3A_126 = vector.broadcast %eq3A_125 : i32 to vector<8x128xi32>
    %eq3A_127 = arith.cmpi eq, %iota3A, %eq3A_126 : vector<8x128xi32>
    %broadcast_in_dim3A_128 = vector.broadcast %reduce_max3A_41 : f32 to vector<8x128xf32>
    %select_n3A_129 = arith.select %eq3A_127, %broadcast_in_dim3A_128, %select_n3A_124 : vector<8x128xi1>, vector<8x128xf32>
    %eq3A_130 = arith.constant 3 : i32
    %eq3A_131 = vector.broadcast %eq3A_130 : i32 to vector<8x128xi32>
    %eq3A_132 = arith.cmpi eq, %iota3A, %eq3A_131 : vector<8x128xi32>
    %broadcast_in_dim3A_133 = vector.broadcast %reduce_max3A_53 : f32 to vector<8x128xf32>
    %select_n3A_134 = arith.select %eq3A_132, %broadcast_in_dim3A_133, %select_n3A_129 : vector<8x128xi1>, vector<8x128xf32>
    %eq3A_135 = arith.constant 4 : i32
    %eq3A_136 = vector.broadcast %eq3A_135 : i32 to vector<8x128xi32>
    %eq3A_137 = arith.cmpi eq, %iota3A, %eq3A_136 : vector<8x128xi32>
    %broadcast_in_dim3A_138 = vector.broadcast %reduce_max3A_79 : f32 to vector<8x128xf32>
    %select_n3A_139 = arith.select %eq3A_137, %broadcast_in_dim3A_138, %select_n3A_134 : vector<8x128xi1>, vector<8x128xf32>
    %eq3A_140 = arith.constant 5 : i32
    %eq3A_141 = vector.broadcast %eq3A_140 : i32 to vector<8x128xi32>
    %eq3A_142 = arith.cmpi eq, %iota3A, %eq3A_141 : vector<8x128xi32>
    %broadcast_in_dim3A_143 = vector.broadcast %reduce_max3A_91 : f32 to vector<8x128xf32>
    %select_n3A_144 = arith.select %eq3A_142, %broadcast_in_dim3A_143, %select_n3A_139 : vector<8x128xi1>, vector<8x128xf32>
    %eq3A_145 = arith.constant 6 : i32
    %eq3A_146 = vector.broadcast %eq3A_145 : i32 to vector<8x128xi32>
    %eq3A_147 = arith.cmpi eq, %iota3A, %eq3A_146 : vector<8x128xi32>
    %broadcast_in_dim3A_148 = vector.broadcast %reduce_max3A_103 : f32 to vector<8x128xf32>
    %select_n3A_149 = arith.select %eq3A_147, %broadcast_in_dim3A_148, %select_n3A_144 : vector<8x128xi1>, vector<8x128xf32>
    %eq3A_150 = arith.constant 7 : i32
    %eq3A_151 = vector.broadcast %eq3A_150 : i32 to vector<8x128xi32>
    %eq3A_152 = arith.cmpi eq, %iota3A, %eq3A_151 : vector<8x128xi32>
    %broadcast_in_dim3A_153 = vector.broadcast %reduce_max3A_115 : f32 to vector<8x128xf32>
    %select_n3A_154 = arith.select %eq3A_152, %broadcast_in_dim3A_153, %select_n3A_149 : vector<8x128xi1>, vector<8x128xf32>
    %eq3A_155 = arith.constant 0 : i32
    %eq3A_156 = arith.cmpi eq, %arg0, %eq3A_155 : i32
    %eq3A_157 = arith.constant 0 : i32
    %eq3A_158 = arith.cmpi eq, %arg1, %eq3A_157 : i32
    %and3A_159 = arith.andi %eq3A_156, %eq3A_158 : i1
    %convert_element_type3A_160 = arith.extui %and3A_159 : i1 to i32
    %cond3A = arith.constant 0 : i32
    %cond3A_161 = arith.cmpi ne, %convert_element_type3A_160, %cond3A : i32
    scf.if %cond3A_161 {
      %swap3A = arith.constant 0 : index
      %swap3A_171 = arith.constant 0 : index
      %swap3A_172 = vector.load %arg4[%swap3A, %swap3A_171] : memref<8x128xf32, #tpu.memory_space<vmem>>, vector<8x128xf32>
      tpu.vector_store %arg4[%swap3A, %swap3A_171], %select_n3A_154 {strides = array<i32>} : memref<8x128xf32, #tpu.memory_space<vmem>>, vector<8x128xf32>,
    } else {
    }
    %eq3A_162 = arith.constant 0 : i32
    %eq3A_163 = arith.cmpi eq, %arg0, %eq3A_162 : i32
    %eq3A_164 = arith.constant 0 : i32
    %eq3A_165 = arith.cmpi eq, %arg1, %eq3A_164 : i32
    %and3A_166 = arith.andi %eq3A_163, %eq3A_165 : i1
    %not3A = arith.constant true
    %not3A_167 = arith.xori %and3A_166, %not3A : i1
    %convert_element_type3A_168 = arith.extui %not3A_167 : i1 to i32
    %cond3A_169 = arith.constant 0 : i32
    %cond3A_170 = arith.cmpi ne, %convert_element_type3A_168, %cond3A_169 : i32
    scf.if %cond3A_170 {
      %get3A_171 = arith.constant 0 : index
      %get3A_172 = arith.constant 0 : index
      %get3A_173 = vector.load %arg4[%get3A_171, %get3A_172] : memref<8x128xf32, #tpu.memory_space<vmem>>, vector<8x128xf32>
      %max3A = arith.maximumf %get3A_173, %select_n3A_154 : vector<8x128xf32>
      %swap3A = arith.constant 0 : index
      %swap3A_174 = arith.constant 0 : index
      %swap3A_175 = vector.load %arg4[%swap3A, %swap3A_174] : memref<8x128xf32, #tpu.memory_space<vmem>>, vector<8x128xf32>
      tpu.vector_store %arg4[%swap3A, %swap3A_174], %max3A {strides = array<i32>} : memref<8x128xf32, #tpu.memory_space<vmem>>, vector<8x128xf32>,
    } else {
    }
    return
  }
  func.func @transform_0(%arg0: i32, %arg1: i32) -> (i32, i32, i32, i32) {
    %c0_i32 = arith.constant 0 : i32
    %c0_i32_0 = arith.constant 0 : i32
    %c0_i32_1 = arith.constant 0 : i32
    return %arg0, %c0_i32, %arg1, %c0_i32_0 : i32, i32, i32, i32
  }
  func.func @transform_1(%arg0: i32, %arg1: i32) -> (i32, i32, i32, i32) {
    %c0_i32 = arith.constant 0 : i32
    %c0_i32_0 = arith.constant 0 : i32
    %c0_i32_1 = arith.constant 0 : i32
    return %arg0, %c0_i32, %arg1, %c0_i32_0 : i32, i32, i32, i32
  }
  func.func @transform_2(%arg0: i32, %arg1: i32) -> (i32, i32) {
    %c0_i32 = arith.constant 0 : i32
    %c0_i32_0 = arith.constant 0 : i32
    %c0_i32_1 = arith.constant 0 : i32
    return %c0_i32, %c0_i32_0 : i32, i32
  }
}

module attributes {stable_mosaic.version = 14 : i64} {
  func.func @_fixup_body(%arg0: i32, %arg1: i32, %arg2: memref<1x4xf32, #tpu.memory_space<smem>>, %arg3: memref<1x4x256x512xf32, #tpu.memory_space<vmem>>, %arg4: memref<1x3x256x512xf32, #tpu.memory_space<vmem>>, %arg5: memref<1x4x256x512xf32, #tpu.memory_space<vmem>>, %arg6: memref<1x3x256x512xf32, #tpu.memory_space<vmem>>, %arg7: memref<1x4x256x512xf32, #tpu.memory_space<vmem>>, %arg8: memref<1x3x256x512xf32, #tpu.memory_space<vmem>>, %arg9: memref<1x4x256x512xf32, #tpu.memory_space<vmem>>, %arg10: memref<1x3x256x512xf32, #tpu.memory_space<vmem>>) attributes {dimension_semantics = [#tpu.dimension_semantics<arbitrary>, #tpu.dimension_semantics<arbitrary>], iteration_bounds = array<i64: 8, 2>, scalar_prefetch = 0 : i64, scratch_operands = 0 : i64, tpu.core_type = #tpu.core_type<tc>, window_params = [{transform_indices = @transform_0, window_bounds = array<i64: 1, 4>}, {transform_indices = @transform_1, window_bounds = array<i64: 1, 4, 256, 512>}, {transform_indices = @transform_2, window_bounds = array<i64: 1, 3, 256, 512>}, {transform_indices = @transform_3, window_bounds = array<i64: 1, 4, 256, 512>}, {transform_indices = @transform_4, window_bounds = array<i64: 1, 3, 256, 512>}, {transform_indices = @transform_5, window_bounds = array<i64: 1, 4, 256, 512>}, {transform_indices = @transform_6, window_bounds = array<i64: 1, 3, 256, 512>}, {transform_indices = @transform_7, window_bounds = array<i64: 1, 4, 256, 512>}, {transform_indices = @transform_8, window_bounds = array<i64: 1, 3, 256, 512>}]} {
    %get3A = arith.constant 0 : index
    %get3A_0 = arith.constant 0 : index
    %get3A_1 = arith.constant 0 : index
    %get3A_2 = arith.constant 0 : index
    %get3A_3 = vector.load %arg3[%get3A, %get3A_0, %get3A_1, %get3A_2] : memref<1x4x256x512xf32, #tpu.memory_space<vmem>>, vector<1x4x256x512xf32>
    %get3A_4 = vector.shape_cast %get3A_3 : vector<1x4x256x512xf32> to vector<4x256x512xf32>
    %get3A_5 = arith.constant 0 : index
    %get3A_6 = arith.constant 0 : index
    %get3A_7 = arith.constant 0 : index
    %get3A_8 = arith.constant 0 : index
    %get3A_9 = vector.load %arg5[%get3A_5, %get3A_6, %get3A_7, %get3A_8] : memref<1x4x256x512xf32, #tpu.memory_space<vmem>>, vector<1x4x256x512xf32>
    %get3A_10 = vector.shape_cast %get3A_9 : vector<1x4x256x512xf32> to vector<4x256x512xf32>
    %get3A_11 = arith.constant 0 : index
    %get3A_12 = arith.constant 0 : index
    %get3A_13 = memref.load %arg2[%get3A_11, %get3A_12] : memref<1x4xf32, #tpu.memory_space<smem>>
    %slice3A = vector.extract_strided_slice %get3A_4 {offsets = [0, 0, 0], sizes = [1, 256, 512], strides = [1, 1, 1]} : vector<4x256x512xf32> to vector<1x256x512xf32>
    %squeeze3A = vector.shape_cast %slice3A : vector<1x256x512xf32> to vector<256x512xf32>
    %mul3A = vector.broadcast %get3A_13 : f32 to vector<256x512xf32>
    %mul3A_14 = arith.mulf %squeeze3A, %mul3A : vector<256x512xf32>
    %slice3A_15 = vector.extract_strided_slice %get3A_10 {offsets = [0, 0, 0], sizes = [1, 256, 512], strides = [1, 1, 1]} : vector<4x256x512xf32> to vector<1x256x512xf32>
    %squeeze3A_16 = vector.shape_cast %slice3A_15 : vector<1x256x512xf32> to vector<256x512xf32>
    %mul3A_17 = vector.broadcast %get3A_13 : f32 to vector<256x512xf32>
    %mul3A_18 = arith.mulf %squeeze3A_16, %mul3A_17 : vector<256x512xf32>
    %swap3A = arith.constant 0 : index
    %swap3A_19 = arith.constant 0 : index
    %swap3A_20 = arith.constant 0 : index
    %swap3A_21 = arith.constant 0 : index
    %swap3A_22 = vector.load %arg7[%swap3A, %swap3A_19, %swap3A_20, %swap3A_21] : memref<1x4x256x512xf32, #tpu.memory_space<vmem>>, vector<1x1x256x512xf32>
    %swap3A_23 = vector.shape_cast %swap3A_22 : vector<1x1x256x512xf32> to vector<256x512xf32>
    %swap3A_24 = vector.shape_cast %mul3A_14 : vector<256x512xf32> to vector<1x1x256x512xf32>
    tpu.vector_store %arg7[%swap3A, %swap3A_19, %swap3A_20, %swap3A_21], %swap3A_24 {strides = array<i32>} : memref<1x4x256x512xf32, #tpu.memory_space<vmem>>, vector<1x1x256x512xf32>,
    %swap3A_25 = arith.constant 0 : index
    %swap3A_26 = arith.constant 0 : index
    %swap3A_27 = arith.constant 0 : index
    %swap3A_28 = arith.constant 0 : index
    %swap3A_29 = vector.load %arg9[%swap3A_25, %swap3A_26, %swap3A_27, %swap3A_28] : memref<1x4x256x512xf32, #tpu.memory_space<vmem>>, vector<1x1x256x512xf32>
    %swap3A_30 = vector.shape_cast %swap3A_29 : vector<1x1x256x512xf32> to vector<256x512xf32>
    %swap3A_31 = vector.shape_cast %mul3A_18 : vector<256x512xf32> to vector<1x1x256x512xf32>
    tpu.vector_store %arg9[%swap3A_25, %swap3A_26, %swap3A_27, %swap3A_28], %swap3A_31 {strides = array<i32>} : memref<1x4x256x512xf32, #tpu.memory_space<vmem>>, vector<1x1x256x512xf32>,
    %get3A_32 = arith.constant 0 : index
    %get3A_33 = arith.constant 1 : index
    %get3A_34 = memref.load %arg2[%get3A_32, %get3A_33] : memref<1x4xf32, #tpu.memory_space<smem>>
    %slice3A_35 = vector.extract_strided_slice %get3A_4 {offsets = [1, 0, 0], sizes = [1, 256, 512], strides = [1, 1, 1]} : vector<4x256x512xf32> to vector<1x256x512xf32>
    %squeeze3A_36 = vector.shape_cast %slice3A_35 : vector<1x256x512xf32> to vector<256x512xf32>
    %mul3A_37 = vector.broadcast %get3A_34 : f32 to vector<256x512xf32>
    %mul3A_38 = arith.mulf %squeeze3A_36, %mul3A_37 : vector<256x512xf32>
    %slice3A_39 = vector.extract_strided_slice %get3A_10 {offsets = [1, 0, 0], sizes = [1, 256, 512], strides = [1, 1, 1]} : vector<4x256x512xf32> to vector<1x256x512xf32>
    %squeeze3A_40 = vector.shape_cast %slice3A_39 : vector<1x256x512xf32> to vector<256x512xf32>
    %mul3A_41 = vector.broadcast %get3A_34 : f32 to vector<256x512xf32>
    %mul3A_42 = arith.mulf %squeeze3A_40, %mul3A_41 : vector<256x512xf32>
    %swap3A_43 = arith.constant 0 : index
    %swap3A_44 = arith.constant 1 : index
    %swap3A_45 = arith.constant 0 : index
    %swap3A_46 = arith.constant 0 : index
    %swap3A_47 = vector.load %arg7[%swap3A_43, %swap3A_44, %swap3A_45, %swap3A_46] : memref<1x4x256x512xf32, #tpu.memory_space<vmem>>, vector<1x1x256x512xf32>
    %swap3A_48 = vector.shape_cast %swap3A_47 : vector<1x1x256x512xf32> to vector<256x512xf32>
    %swap3A_49 = vector.shape_cast %mul3A_38 : vector<256x512xf32> to vector<1x1x256x512xf32>
    tpu.vector_store %arg7[%swap3A_43, %swap3A_44, %swap3A_45, %swap3A_46], %swap3A_49 {strides = array<i32>} : memref<1x4x256x512xf32, #tpu.memory_space<vmem>>, vector<1x1x256x512xf32>,
    %swap3A_50 = arith.constant 0 : index
    %swap3A_51 = arith.constant 1 : index
    %swap3A_52 = arith.constant 0 : index
    %swap3A_53 = arith.constant 0 : index
    %swap3A_54 = vector.load %arg9[%swap3A_50, %swap3A_51, %swap3A_52, %swap3A_53] : memref<1x4x256x512xf32, #tpu.memory_space<vmem>>, vector<1x1x256x512xf32>
    %swap3A_55 = vector.shape_cast %swap3A_54 : vector<1x1x256x512xf32> to vector<256x512xf32>
    %swap3A_56 = vector.shape_cast %mul3A_42 : vector<256x512xf32> to vector<1x1x256x512xf32>
    tpu.vector_store %arg9[%swap3A_50, %swap3A_51, %swap3A_52, %swap3A_53], %swap3A_56 {strides = array<i32>} : memref<1x4x256x512xf32, #tpu.memory_space<vmem>>, vector<1x1x256x512xf32>,
    %add3A = arith.addf %mul3A_14, %mul3A_38 : vector<256x512xf32>
    %add3A_57 = arith.addf %mul3A_18, %mul3A_42 : vector<256x512xf32>
    %get3A_58 = arith.constant 0 : index
    %get3A_59 = arith.constant 2 : index
    %get3A_60 = memref.load %arg2[%get3A_58, %get3A_59] : memref<1x4xf32, #tpu.memory_space<smem>>
    %slice3A_61 = vector.extract_strided_slice %get3A_4 {offsets = [2, 0, 0], sizes = [1, 256, 512], strides = [1, 1, 1]} : vector<4x256x512xf32> to vector<1x256x512xf32>
    %squeeze3A_62 = vector.shape_cast %slice3A_61 : vector<1x256x512xf32> to vector<256x512xf32>
    %mul3A_63 = vector.broadcast %get3A_60 : f32 to vector<256x512xf32>
    %mul3A_64 = arith.mulf %squeeze3A_62, %mul3A_63 : vector<256x512xf32>
    %slice3A_65 = vector.extract_strided_slice %get3A_10 {offsets = [2, 0, 0], sizes = [1, 256, 512], strides = [1, 1, 1]} : vector<4x256x512xf32> to vector<1x256x512xf32>
    %squeeze3A_66 = vector.shape_cast %slice3A_65 : vector<1x256x512xf32> to vector<256x512xf32>
    %mul3A_67 = vector.broadcast %get3A_60 : f32 to vector<256x512xf32>
    %mul3A_68 = arith.mulf %squeeze3A_66, %mul3A_67 : vector<256x512xf32>
    %swap3A_69 = arith.constant 0 : index
    %swap3A_70 = arith.constant 2 : index
    %swap3A_71 = arith.constant 0 : index
    %swap3A_72 = arith.constant 0 : index
    %swap3A_73 = vector.load %arg7[%swap3A_69, %swap3A_70, %swap3A_71, %swap3A_72] : memref<1x4x256x512xf32, #tpu.memory_space<vmem>>, vector<1x1x256x512xf32>
    %swap3A_74 = vector.shape_cast %swap3A_73 : vector<1x1x256x512xf32> to vector<256x512xf32>
    %swap3A_75 = vector.shape_cast %mul3A_64 : vector<256x512xf32> to vector<1x1x256x512xf32>
    tpu.vector_store %arg7[%swap3A_69, %swap3A_70, %swap3A_71, %swap3A_72], %swap3A_75 {strides = array<i32>} : memref<1x4x256x512xf32, #tpu.memory_space<vmem>>, vector<1x1x256x512xf32>,
    %swap3A_76 = arith.constant 0 : index
    %swap3A_77 = arith.constant 2 : index
    %swap3A_78 = arith.constant 0 : index
    %swap3A_79 = arith.constant 0 : index
    %swap3A_80 = vector.load %arg9[%swap3A_76, %swap3A_77, %swap3A_78, %swap3A_79] : memref<1x4x256x512xf32, #tpu.memory_space<vmem>>, vector<1x1x256x512xf32>
    %swap3A_81 = vector.shape_cast %swap3A_80 : vector<1x1x256x512xf32> to vector<256x512xf32>
    %swap3A_82 = vector.shape_cast %mul3A_68 : vector<256x512xf32> to vector<1x1x256x512xf32>
    tpu.vector_store %arg9[%swap3A_76, %swap3A_77, %swap3A_78, %swap3A_79], %swap3A_82 {strides = array<i32>} : memref<1x4x256x512xf32, #tpu.memory_space<vmem>>, vector<1x1x256x512xf32>,
    %add3A_83 = arith.addf %add3A, %mul3A_64 : vector<256x512xf32>
    %add3A_84 = arith.addf %add3A_57, %mul3A_68 : vector<256x512xf32>
    %get3A_85 = arith.constant 0 : index
    %get3A_86 = arith.constant 3 : index
    %get3A_87 = memref.load %arg2[%get3A_85, %get3A_86] : memref<1x4xf32, #tpu.memory_space<smem>>
    %slice3A_88 = vector.extract_strided_slice %get3A_4 {offsets = [3, 0, 0], sizes = [1, 256, 512], strides = [1, 1, 1]} : vector<4x256x512xf32> to vector<1x256x512xf32>
    %squeeze3A_89 = vector.shape_cast %slice3A_88 : vector<1x256x512xf32> to vector<256x512xf32>
    %mul3A_90 = vector.broadcast %get3A_87 : f32 to vector<256x512xf32>
    %mul3A_91 = arith.mulf %squeeze3A_89, %mul3A_90 : vector<256x512xf32>
    %slice3A_92 = vector.extract_strided_slice %get3A_10 {offsets = [3, 0, 0], sizes = [1, 256, 512], strides = [1, 1, 1]} : vector<4x256x512xf32> to vector<1x256x512xf32>
    %squeeze3A_93 = vector.shape_cast %slice3A_92 : vector<1x256x512xf32> to vector<256x512xf32>
    %mul3A_94 = vector.broadcast %get3A_87 : f32 to vector<256x512xf32>
    %mul3A_95 = arith.mulf %squeeze3A_93, %mul3A_94 : vector<256x512xf32>
    %swap3A_96 = arith.constant 0 : index
    %swap3A_97 = arith.constant 3 : index
    %swap3A_98 = arith.constant 0 : index
    %swap3A_99 = arith.constant 0 : index
    %swap3A_100 = vector.load %arg7[%swap3A_96, %swap3A_97, %swap3A_98, %swap3A_99] : memref<1x4x256x512xf32, #tpu.memory_space<vmem>>, vector<1x1x256x512xf32>
    %swap3A_101 = vector.shape_cast %swap3A_100 : vector<1x1x256x512xf32> to vector<256x512xf32>
    %swap3A_102 = vector.shape_cast %mul3A_91 : vector<256x512xf32> to vector<1x1x256x512xf32>
    tpu.vector_store %arg7[%swap3A_96, %swap3A_97, %swap3A_98, %swap3A_99], %swap3A_102 {strides = array<i32>} : memref<1x4x256x512xf32, #tpu.memory_space<vmem>>, vector<1x1x256x512xf32>,
    %swap3A_103 = arith.constant 0 : index
    %swap3A_104 = arith.constant 3 : index
    %swap3A_105 = arith.constant 0 : index
    %swap3A_106 = arith.constant 0 : index
    %swap3A_107 = vector.load %arg9[%swap3A_103, %swap3A_104, %swap3A_105, %swap3A_106] : memref<1x4x256x512xf32, #tpu.memory_space<vmem>>, vector<1x1x256x512xf32>
    %swap3A_108 = vector.shape_cast %swap3A_107 : vector<1x1x256x512xf32> to vector<256x512xf32>
    %swap3A_109 = vector.shape_cast %mul3A_95 : vector<256x512xf32> to vector<1x1x256x512xf32>
    tpu.vector_store %arg9[%swap3A_103, %swap3A_104, %swap3A_105, %swap3A_106], %swap3A_109 {strides = array<i32>} : memref<1x4x256x512xf32, #tpu.memory_space<vmem>>, vector<1x1x256x512xf32>,
    %add3A_110 = arith.addf %add3A_83, %mul3A_91 : vector<256x512xf32>
    %add3A_111 = arith.addf %add3A_84, %mul3A_95 : vector<256x512xf32>
    %broadcast_in_dim3A = vector.shape_cast %add3A_110 : vector<256x512xf32> to vector<1x256x512xf32>
    %get3A_112 = arith.constant 0 : index
    %get3A_113 = arith.constant 0 : index
    %get3A_114 = arith.constant 0 : index
    %get3A_115 = arith.constant 0 : index
    %get3A_116 = vector.load %arg4[%get3A_112, %get3A_113, %get3A_114, %get3A_115] : memref<1x3x256x512xf32, #tpu.memory_space<vmem>>, vector<1x3x256x512xf32>
    %get3A_117 = vector.shape_cast %get3A_116 : vector<1x3x256x512xf32> to vector<3x256x512xf32>
    %mul3A_118 = vector.broadcast %broadcast_in_dim3A : vector<1x256x512xf32> to vector<3x256x512xf32>
    %mul3A_119 = arith.mulf %mul3A_118, %get3A_117 : vector<3x256x512xf32>
    %swap3A_120 = arith.constant 0 : index
    %swap3A_121 = arith.constant 0 : index
    %swap3A_122 = arith.constant 0 : index
    %swap3A_123 = arith.constant 0 : index
    %swap3A_124 = vector.load %arg8[%swap3A_120, %swap3A_121, %swap3A_122, %swap3A_123] : memref<1x3x256x512xf32, #tpu.memory_space<vmem>>, vector<1x3x256x512xf32>
    %swap3A_125 = vector.shape_cast %swap3A_124 : vector<1x3x256x512xf32> to vector<3x256x512xf32>
    %swap3A_126 = vector.shape_cast %mul3A_119 : vector<3x256x512xf32> to vector<1x3x256x512xf32>
    tpu.vector_store %arg8[%swap3A_120, %swap3A_121, %swap3A_122, %swap3A_123], %swap3A_126 {strides = array<i32>} : memref<1x3x256x512xf32, #tpu.memory_space<vmem>>, vector<1x3x256x512xf32>,
    %broadcast_in_dim3A_127 = vector.shape_cast %add3A_111 : vector<256x512xf32> to vector<1x256x512xf32>
    %get3A_128 = arith.constant 0 : index
    %get3A_129 = arith.constant 0 : index
    %get3A_130 = arith.constant 0 : index
    %get3A_131 = arith.constant 0 : index
    %get3A_132 = vector.load %arg6[%get3A_128, %get3A_129, %get3A_130, %get3A_131] : memref<1x3x256x512xf32, #tpu.memory_space<vmem>>, vector<1x3x256x512xf32>
    %get3A_133 = vector.shape_cast %get3A_132 : vector<1x3x256x512xf32> to vector<3x256x512xf32>
    %mul3A_134 = vector.broadcast %broadcast_in_dim3A_127 : vector<1x256x512xf32> to vector<3x256x512xf32>
    %mul3A_135 = arith.mulf %mul3A_134, %get3A_133 : vector<3x256x512xf32>
    %swap3A_136 = arith.constant 0 : index
    %swap3A_137 = arith.constant 0 : index
    %swap3A_138 = arith.constant 0 : index
    %swap3A_139 = arith.constant 0 : index
    %swap3A_140 = vector.load %arg10[%swap3A_136, %swap3A_137, %swap3A_138, %swap3A_139] : memref<1x3x256x512xf32, #tpu.memory_space<vmem>>, vector<1x3x256x512xf32>
    %swap3A_141 = vector.shape_cast %swap3A_140 : vector<1x3x256x512xf32> to vector<3x256x512xf32>
    %swap3A_142 = vector.shape_cast %mul3A_135 : vector<3x256x512xf32> to vector<1x3x256x512xf32>
    tpu.vector_store %arg10[%swap3A_136, %swap3A_137, %swap3A_138, %swap3A_139], %swap3A_142 {strides = array<i32>} : memref<1x3x256x512xf32, #tpu.memory_space<vmem>>, vector<1x3x256x512xf32>,
    return
  }
  func.func @transform_0(%arg0: i32, %arg1: i32) -> (i32, i32) {
    %c0_i32 = arith.constant 0 : i32
    %c0_i32_0 = arith.constant 0 : i32
    %c0_i32_1 = arith.constant 0 : i32
    return %c0_i32, %c0_i32_0 : i32, i32
  }
  func.func @transform_1(%arg0: i32, %arg1: i32) -> (i32, i32, i32, i32) {
    %c0_i32 = arith.constant 0 : i32
    %c0_i32_0 = arith.constant 0 : i32
    %c0_i32_1 = arith.constant 0 : i32
    return %arg0, %c0_i32, %arg1, %c0_i32_0 : i32, i32, i32, i32
  }
  func.func @transform_2(%arg0: i32, %arg1: i32) -> (i32, i32, i32, i32) {
    %c0_i32 = arith.constant 0 : i32
    %c0_i32_0 = arith.constant 0 : i32
    %c0_i32_1 = arith.constant 0 : i32
    return %arg0, %c0_i32, %arg1, %c0_i32_0 : i32, i32, i32, i32
  }
  func.func @transform_3(%arg0: i32, %arg1: i32) -> (i32, i32, i32, i32) {
    %c0_i32 = arith.constant 0 : i32
    %c0_i32_0 = arith.constant 0 : i32
    %c0_i32_1 = arith.constant 0 : i32
    return %arg0, %c0_i32, %arg1, %c0_i32_0 : i32, i32, i32, i32
  }
  func.func @transform_4(%arg0: i32, %arg1: i32) -> (i32, i32, i32, i32) {
    %c0_i32 = arith.constant 0 : i32
    %c0_i32_0 = arith.constant 0 : i32
    %c0_i32_1 = arith.constant 0 : i32
    return %arg0, %c0_i32, %arg1, %c0_i32_0 : i32, i32, i32, i32
  }
  func.func @transform_5(%arg0: i32, %arg1: i32) -> (i32, i32, i32, i32) {
    %c0_i32 = arith.constant 0 : i32
    %c0_i32_0 = arith.constant 0 : i32
    %c0_i32_1 = arith.constant 0 : i32
    return %arg0, %c0_i32, %arg1, %c0_i32_0 : i32, i32, i32, i32
  }
  func.func @transform_6(%arg0: i32, %arg1: i32) -> (i32, i32, i32, i32) {
    %c0_i32 = arith.constant 0 : i32
    %c0_i32_0 = arith.constant 0 : i32
    %c0_i32_1 = arith.constant 0 : i32
    return %arg0, %c0_i32, %arg1, %c0_i32_0 : i32, i32, i32, i32
  }
  func.func @transform_7(%arg0: i32, %arg1: i32) -> (i32, i32, i32, i32) {
    %c0_i32 = arith.constant 0 : i32
    %c0_i32_0 = arith.constant 0 : i32
    %c0_i32_1 = arith.constant 0 : i32
    return %arg0, %c0_i32, %arg1, %c0_i32_0 : i32, i32, i32, i32
  }
  func.func @transform_8(%arg0: i32, %arg1: i32) -> (i32, i32, i32, i32) {
    %c0_i32 = arith.constant 0 : i32
    %c0_i32_0 = arith.constant 0 : i32
    %c0_i32_1 = arith.constant 0 : i32
    return %arg0, %c0_i32, %arg1, %c0_i32_0 : i32, i32, i32, i32
  }
}

</mosaic_0001>

<sc_bundles>
// kernel: _run.4.cloned.1.call-start
scs
__scs_entry_jumppad:
0x0: {  	(pc) =	sbr.rel $0x88, $3  }
0x1: {  	(tag) =	ssettag $0x0;
	lr =	simm.s32 $0x1  }
0x2: {  	[smem:$0x3F9D] =	sst lr;
	_ =	strace $0xD0000000  }
0x3: {  	_ = 	snop  }
0x4: {  	_ = 	snop  }
0x5: {  	_ = 	snop  }
0x6: {  	_ = 	snop  }
0x7: {  	_ = 	snop  }
__scs_overlays_trampoline_lowered:
0x8: {  	[smem:$0x3FAC] =	sst s0  }
0x9: {  	[smem:$0x3FAD] =	sst s1  }
0xa: {  	[smem:$0x3FAE] =	sst s2  }
0xb: {  	[smem:$0x3FAF] =	sst s3  }
0xc: {  	[smem:$0x3FB0] =	sst s4  }
0xd: {  	[smem:$0x3FB1] =	sst s5  }
0xe: {  	[smem:$0x3FB2] =	sst s6  }
0xf: {  	[smem:$0x3FB3] =	sst s7  }
0x10: {  	[smem:$0x3FB4] =	sst s8  }
0x11: {  	[smem:$0x3FB5] =	sst s9;
	s0 =	simm.s32 @!p0 $0x0  }
0x12: {  	s1 =	sld [smem:$0x3F9B];
	s0 =	simm.s32 @p0 $0x1  }
0x13: {  	[smem:$0x3FB6] =	sst s0;
	s0 =	simm.s32 @!p1 $0x0  }
0x14: {  	s2 =	sld [smem:$0x3F9A];
	s0 =	simm.s32 @p1 $0x1  }
0x15: {  	[smem:$0x3FB7] =	sst s0;
	s0 =	simm.s32 @!p2 $0x0  }
0x16: {  	s3 =	sld [smem:$0x3FDB];
	s0 =	simm.s32 @p2 $0x1  }
0x17: {  	s4 =	simm.s32 $0x1BF5;
	[smem:$0x3FB9] =	sst s0  }
0x18: {  	s0 =	sld [smem:$0x3F9C];
	_ =	swait.ge [sflag:s4], $0x0  }
0x19: {  	s7 =	sld [smem:$0x3F9D]  }
0x1a: {  	s8 =	sadd.s32 $0xFFFFE003, lr  }
0x1b: {  	s9 =	sadd.s32 $0xFFFFFEF7, lr;
	s5 =	simm.s32 $0xFFFFFFFF;
	p2 =	slt.u32 s8, $0xFFFFF086  }
0x1c: {  	p1 =	slt.u32 s9, $0xF7A;
	s5 =	simm.s32 @!p2 $0x0  }
0x1d: {  	s5 =	simm.s32 @p1 $0x1;
	p0 =	seq.s32 s7, s2  }
0x1e: {  	s7 =	smul.u32 @!p0 $0xF7A, s2;
	p2 =	seq.s32 @!p0 s5, $0x0  }
0x1f: {  	s9 =	smul.u32 $0xF7A, s1;
	s8 =	simm.s32 @!p0 $0x1BF5;
	p2 =	por !p2, p0  }
0x20: {  	[sflag:s8] =	ssyncset.s32 @!p0 $0xFFFFF086;
	s6 =	sadd.s32 @!p0 s3, s7;
	s7 =	simm.s32 @!p0 $0x108  }
0x21: {  	s3 =	sadd.s32 s3, s9;
	s6 =	sadd.s32 @!p0 $0x88, s6;
	s7 =	simm.s32 @p2 $0x1082  }
0x22: {  	[simem:s7], [sflag:s8] =	dma.local @!p0 [hbm:s6], $0xF7A  }
0x23: {  	s9 =	sor.u32 $0xD0000000, s2;
	s6 =	simm.s32 $0x108;
	_ =	swait.ge @!p0 [sflag:s8], $0x0  }
0x24: {  	s3 =	sadd.s32 $0x88, s3;
	s6 =	simm.s32 @!p1 $0x1082;
	[sflag:s4] =	ssyncset.s32 $0xFFFFF086  }
0x25: {  	[simem:s6], [sflag:s4] =	dma.local [hbm:s3], $0xF7A  }
0x26: {  	[smem:$0x3F9D] =	sst s1;
	(tag) =	ssettag s2;
	_ =	strace s9  }
0x27: {  	s1 =	sld [smem:$0x3FAD]  }
0x28: {  	s2 =	sld [smem:$0x3FAE]  }
0x29: {  	s4 =	sld [smem:$0x3FB0]  }
0x2a: {  	p0 =	seq.s32 s5, $0x0;
	s5 =	sld [smem:$0x3FB1]  }
0x2b: {  	s6 =	sld [smem:$0x3FB2]  }
0x2c: {  	s7 =	sld [smem:$0x3FB3]  }
0x2d: {  	s3 =	simm.s32 $0x108;
	s8 =	sld [smem:$0x3FB4]  }
0x2e: {  	s3 =	simm.s32 @!p0 $0x1082;
	s9 =	sld [smem:$0x3FB5]  }
0x2f: {  	lr =	sadd.s32 s0, s3;
	s0 =	sld [smem:$0x3FAC]  }
0x30: {  	s3 =	sld [smem:$0x3FAF]  }
0x31: {  	[smem:$0x3FB8] =	sst s10  }
0x32: {  	s10 =	sld [smem:$0x3FB6];
	_ =	sdelay $0x3  }
0x33: {  	p0 =	seq.s32 s10, $0x1;
	s10 =	sld [smem:$0x3FB8];
	_ =	sdelay $0x3  }
0x34: {  	[smem:$0x3FB8] =	sst s10  }
0x35: {  	s10 =	sld [smem:$0x3FB7];
	_ =	sdelay $0x3  }
0x36: {  	p1 =	seq.s32 s10, $0x1;
	s10 =	sld [smem:$0x3FB8];
	_ =	sdelay $0x3  }
0x37: {  	[smem:$0x3FB8] =	sst s10  }
0x38: {  	s10 =	sld [smem:$0x3FB9]  }
0x39: {  	_ = 	snop;
	(pc) =	sbr.ind lr, $3  }
0x3a: {  	_ = 	snop  }
0x3b: {  	_ = 	snop  }
0x3c: {  	p2 =	seq.s32 s10, $0x1;
	s10 =	sld [smem:$0x3FB8]  }
0x3d: {  	_ =	shalt  }
0x3e: {  	_ =	shalt  }
0x3f: {  	_ =	shalt  }
0x40: {  	_ =	shalt  }
0x41: {  	_ =	shalt  }
0x42: {  	_ =	shalt  }
0x43: {  	_ =	shalt  }
0x44: {  	_ =	shalt  }
0x45: {  	_ =	shalt  }
0x46: {  	_ =	shalt  }
0x47: {  	_ =	shalt  }
0x48: {  	_ =	shalt  }
0x49: {  	_ =	shalt  }
0x4a: {  	_ =	shalt  }
0x4b: {  	_ =	shalt  }
0x4c: {  	_ =	shalt  }
0x4d: {  	_ =	shalt  }
0x4e: {  	_ =	shalt  }
0x4f: {  	_ =	shalt  }
0x50: {  	_ =	shalt  }
0x51: {  	_ =	shalt  }
0x52: {  	_ =	shalt  }
0x53: {  	_ =	shalt  }
0x54: {  	_ =	shalt  }
0x55: {  	_ =	shalt  }
0x56: {  	_ =	shalt  }
0x57: {  	_ =	shalt  }
0x58: {  	_ =	shalt  }
0x59: {  	_ =	shalt  }
0x5a: {  	_ =	shalt  }
0x5b: {  	_ =	shalt  }
0x5c: {  	_ =	shalt  }
0x5d: {  	_ =	shalt  }
0x5e: {  	_ =	shalt  }
0x5f: {  	_ =	shalt  }
0x60: {  	_ =	shalt  }
0x61: {  	_ =	shalt  }
0x62: {  	_ =	shalt  }
0x63: {  	_ =	shalt  }
0x64: {  	_ =	shalt  }
0x65: {  	_ =	shalt  }
0x66: {  	_ =	shalt  }
0x67: {  	_ =	shalt  }
0x68: {  	_ =	shalt  }
0x69: {  	_ =	shalt  }
0x6a: {  	_ =	shalt  }
0x6b: {  	_ =	shalt  }
0x6c: {  	_ =	shalt  }
0x6d: {  	_ =	shalt  }
0x6e: {  	_ =	shalt  }
0x6f: {  	_ =	shalt  }
0x70: {  	_ =	shalt  }
0x71: {  	_ =	shalt  }
0x72: {  	_ =	shalt  }
0x73: {  	_ =	shalt  }
0x74: {  	_ =	shalt  }
0x75: {  	_ =	shalt  }
0x76: {  	_ =	shalt  }
0x77: {  	_ =	shalt  }
0x78: {  	_ =	shalt  }
0x79: {  	_ =	shalt  }
0x7a: {  	_ =	shalt  }
0x7b: {  	_ =	shalt  }
0x7c: {  	_ =	shalt  }
0x7d: {  	_ =	shalt  }
0x7e: {  	_ =	shalt  }
0x7f: {  	_ =	shalt  }
0x80: {  	_ =	shalt  }
0x81: {  	_ =	shalt  }
0x82: {  	_ =	shalt  }
0x83: {  	_ =	shalt  }
0x84: {  	_ =	shalt  }
0x85: {  	_ =	shalt  }
0x86: {  	_ =	shalt  }
0x87: {  	_ =	shalt  }
.Lfunc_end0:
.L_simem_size_0:
called_computation_lowered:
.L_overlay_start_0:
0x88: {  	s2 =	sld [smem:$0x3FD9]  }
0x89: {  	s3 =	sld [smem:$0x3FFE];
	_ =	sdelay $0x1  }
0x8a: {  	s1 =	srdreg.scid  }
0x8b: {  	s0 =	sand.u32 $0x1, s1  }
0x8c: {  	s17 =	sshll.u32 s0, $0xA;
	s2 =	sadd.s32 s3, s2  }
0x8d: {  	s2 =	sadd.s32 s2, s17  }
0x8e: {  	[smem:$0x3FC4] =	sst s2  }
0x8f: {  	_ = 	snop  }
0x90: {  	s2 =	sld [smem:$0x3FC8]  }
0x91: {  	s18 =	sld [smem:$0x3FC6];
	(tm) =	ssettm $0x1  }
0x92: {  	s4 =	sld [smem:$0x3FFB];
	_ =	sdelay $0x3  }
0x93: {  	_ =	strace s4  }
0x94: {  	s4 =	sld [smem:$0x3FFC];
	_ =	sdelay $0x3  }
0x95: {  	_ =	strace s4  }
0x96: {  	s4 =	sld [smem:$0x3FFD];
	_ =	sdelay $0x3  }
0x97: {  	_ =	strace s4  }
0x98: {  	_ =	strace $0x8FFFFFFF  }
0x99: {  	s19 =	sld [smem:$0x3FDB];
	_ =	sdelay $0x1  }
0x9a: {  	s5 =	simm.s32 $_scs_section_size  }
0x9b: {  	s6 =	simm.s32 $_size__tile_overlayer_lowered;
	s7 =	simm.s32 $_tile_overlayer_lowered  }
0x9c: {  	s22 =	simm.s32 $0x1BFF;
	s21 =	sshll.u32 s7, $0x1;
	s4 =	sadd.s32 s5, s19  }
0x9d: {  	s8 =	simm.s32 $0x0;
	s20 =	sshll.u32 s6, $0x1;
	s6 =	sadd.s32 s21, s4  }
0x9e: {  	[timem:s8], [sflag:s22] =	dma.local [hbm:s6], s20  }
0x9f: {  	_ =	swait.ge [sflag:s22], s20  }
0xa0: {  	s5 =	ssub.s32 $0x0, s20;
	[sflag:s22] =	ssyncset.done $0x0  }
0xa1: {  	[sflag:s22] =	ssyncadd.s32 s5;
	_ =	sdelay $0x1  }
0xa2: {  	s23 =	simm.s32 $0x1B8B  }
0xa3: {  	_ =	swait.ge [sflag:s23], $0x1  }
0xa4: {  	[sflag:s23] =	ssyncset.done $0x0  }
0xa5: {  	s25 =	simm.s32 $0x1B8E;
	s24 =	sld [smem:$0x3FFE];
	[sflag:s23] =	ssyncadd.s32 $0xFFFFFFFF  }
0xa6: {  	s26 =	simm.s32 $execute0_lowered;
	[smem:$0x3FD2] =	sst s25  }
0xa7: {  	s6 =	sshll.u32 s26, $0x1;
	_ =	strace $0x80000046;
	[dreg:$0x1] =	wrdreg $0xFFFFFFFF  }
0xa8: {  	s28 =	simm.s32 $_size_execute0_lowered;
	s4 =	sadd.s32 s4, s6;
	[dreg:$0x0] =	wrdreg $0x0  }
0xa9: {  	s6 =	sshll.u32 s28, $0x1;
	[dreg:$0x2] =	wrdreg s4  }
0xaa: {  	[dreg:$0x3] =	wrdreg s6  }
0xab: {  	[dreg:$0x4] =	wrdreg $0xC0  }
0xac: {  	_ =	task [dreg:s8], $0x5FFFF  }
0xad: {  	[dreg:$0x1] =	wrdreg $0xFFFFFFFF  }
0xae: {  	[dreg:$0x0] =	wrdreg $0x60  }
0xaf: {  	[dreg:$0x2] =	wrdreg s2  }
0xb0: {  	[dreg:$0x3] =	wrdreg s18  }
0xb1: {  	[dreg:$0x4] =	wrdreg s24  }
0xb2: {  	[dreg:$0x5] =	wrdreg $0x9  }
0xb3: {  	_ =	task.clear_ibuf [dreg:s8], $0x6FFFF;
	_ =	strace $0x90000046  }
0xb4: {  	s29 =	simm.s32 $0x9;
	_ =	strace $0x80000048  }
0xb5: {  	_ =	swait.ge [sflag:s29], $0x1  }
0xb6: {  	[sflag:s29] =	ssyncadd.s32 $0xFFFFFFFF  }
0xb7: {  	_ =	strace $0x90000048  }
0xb8: {  	_ =	sfence  }
0xb9: {  	s30 =	sld [smem:$0x0];
	_ =	sdelay $0x2  }
0xba: {  	s31 =	sshll.u32 s1, $0xD;
	s1 =	sshrl.u32 s1, $0x2  }
0xbb: {  	s3 =	sand.u32 $0x4000, s31;
	s1 =	sadd.s32 s1, s30  }
0xbc: {  	s0 =	sor.u32 s3, s0;
	s1 =	sshll.u32 s1, $0x11  }
0xbd: {  	s0 =	sor.u32 s1, s0  }
0xbe: {  	s0 =	sadd.s32 $0x8F2B, s0  }
0xbf: {  	[sflag:s0] =	ssyncadd.remote.s32 $0x1  }
0xc0: {  	_ =	sfence.sel $0xFFFF  }
0xc1: {  	[dreg:$0x0] =	wrdreg $0xFFFFFFFF;
	(pc) =	sbr.abs _section_cstart, $3  }
0xc2: {  	[dreg:$0x1] =	wrdreg $0xFFFFFFFF  }
0xc3: {  	_ =	task.clear_ibuf [dreg:s8], $0x2FFFF;
	_ =	strace $0x9FFFFFFF  }
0xc4: {  	(tm) =	ssettm $0x7FFFFFFF  }
0xc5: {  	_ =	shalt  }
tec
execute0_lowered:
.L_overlay_start_1:
0x0: {  	(tag) =	ssettag $0x1  }
0x1: {  	s1 =	srdreg.scid;
	s4 =	rddreg [dreg:$0x0]  }
0x2: {  	s0 =	stileid.u32;
	s5 =	rddreg [dreg:$0x1]  }
0x3: {  	s8 =	rddreg [dreg:$0x2];
	s2 =	simm.s32 $0x0;
	s3 =	simm.s32 $0x1  }
0x4: {  	s7 =	sand.u32 $0x1, s1;
	s30 =	sshll.u32 s0, $0x1;
	s1 =	rddreg [dreg:$0x3]  }
0x5: {  	[smem:$0x7FF] =	sst s2;
	s11 =	sshll.u32 s0, $0x6;
	s6 =	sor.u32 s7, s30  }
0x6: {  	p0 =	seq.s32 s7, $0x1;
	_ =	strace $0x80000047;
	s9 =	ssub.s32 $0x2, s7  }
0x7: {  	s11 =	sand.u32 $0x200, s11;
	p1 =	seq.s32 s6, $0x0;
	s10 =	sshrl.u32 s9, $0x1  }
0x8: {  	s4 =	sadd.s32 s4, s11;
	s5 =	sadd.s32 s5, s11;
	p1 =	por !p1, !p0  }
0x9: {  	s6 =	sshll.u32 s6, $0x4;
	s11 =	simm.s32 $0x0;
	p1 =	por !p1, !p1  }
0xa: {  	s9 =	ssub.s32 s9, s10;
	s6 =	sadd.s32 s8, s6;
	s3 =	simm.s32 @!p1 $0x0  }
0xb: {  	s8 =	simm.s32 $0x4000;
	p1 =	seq.s32 @!p0 s7, $0x0;
	s3 =	ssub.s32 s0, s3  }
0xc: {  	s7 =	smax.u32 s9, $0x1;
	s9 =	simm.s32 $0x1000;
	s31 =	sshll.u32 s3, $0x11  }
0xd: {  	p1 =	por p0, !p1;
	s3 =	simm.s32 $0x1;
	s10 =	sand.u32 $0xE0000, s31  }
0xe: {  	v16 =	vimm.f32 $0.0e+00;
	s4 =	sadd.s32 s10, s4;
	s5 =	sadd.s32 s10, s5;
	s10 =	simm.s32 $0x40000  }
.LBB2_1:
0xf: {  	s12 =	simm.s32 @!p0 $0x1000;
	s13 =	simm.s32 @!p0 $0x40000;
	s14 =	simm.s32 @!p0 $0x0  }
0x10: {  	[tilespmem:s14], [sflag:$0x1] =	stream.strided.gather @!p0 [hbm4b:s4+s12], $0x4000, s13, s12, $0x38;
	[tilespmem:$0x4080] =	vst v63  }
0x11: {  	s12 =	simm.s32 @!p0 $0x1  }
0x12: {  	_ =	swait.ge @!p0 [sflag:s12], $0x4000  }
0x13: {  	[sflag:s12] =	ssyncset.done @!p0 $0x0  }
0x14: {  	[sflag:s12] =	ssyncadd.s32 @!p0 $0xFFFFC000  }
0x15: {  	[tilespmem:s2], [sflag:$0x1] =	stream.strided.gather @p1 [hbm4b:s5+s9], $0x4000, s10, s9, $0x38;
	[tilespmem:$0x4080] =	vst v63  }
0x16: {  	_ =	swait.ge @p1 [sflag:s3], $0x4000  }
0x17: {  	v0 =	vimm.f32 $0.0e+00;
	[sflag:s3] =	ssyncset.done @p1 $0x0  }
0x18: {  	v2 =	vimm.f32 $0.0e+00;
	v4 =	vimm.f32 $0.0e+00;
	v6 =	vimm.f32 $0.0e+00;
	s12 =	simm.s32 $0xFFFFF000;
	[sflag:s3] =	ssyncadd.s32 @p1 $0xFFFFC000  }
.LBB2_2:
0x19: {  	s13 =	sshra.s32 s12, $0x2  }
0x1a: {  	v1 =	vld [tilespmem:s13+$0x400]  }
0x1b: {  	[tilespmem:$0x1FBB0] =	vst v2;
	v2 =	vld [tilespmem:s13+$0x1400]  }
0x1c: {  	v3 =	vld [tilespmem:s13+$0x2400]  }
0x1d: {  	[tilespmem:$0x1FB90] =	vst v4;
	v4 =	vld [tilespmem:s13+$0x3400];
	_ =	sdelay $0x1  }
0x1e: {  	v5 =	vld [tilespmem:s13+$0x410]  }
0x1f: {  	v8 =	vld [tilespmem:s13+$0x3410]  }
0x20: {  	vm0 =	vge.f32 v1, v2;
	vm1 =	vge.f32 v1, v3  }
0x21: {  	[tilespmem:$0x1FB70] =	vst v6;
	v6 =	vld [tilespmem:s13+$0x1410];
	vm11 =	vge.f32 v1, v4;
	vm12 =	vgt.f32 v2, v1;
	vm2 =	vge.f32 v2, v3  }
0x22: {  	v7 =	vld [tilespmem:s13+$0x2410];
	vm3 =	vge.f32 v2, v4;
	vm13 =	vgt.f32 v3, v1;
	vm4 =	vgt.f32 v3, v2  }
0x23: {  	vm8 =	vge.f32 v3, v4;
	vm9 =	vgt.f32 v4, v1;
	vm10 =	vgt.f32 v4, v2  }
0x24: {  	vm7 =	vge.f32 v5, v8;
	vm0 =	vmand vm0, vm1;
	vm2 =	vmand vm2, vm3  }
0x25: {  	vm15 =	vmand vm13, vm4;
	vm13 =	vgt.f32 v4, v3;
	vm0 =	vmand vm0, vm11  }
0x26: {  	vm14 =	vmand vm2, vm12;
	vm11 =	vmand vm15, vm8;
	vm12 =	vmand vm9, vm10  }
0x27: {  	vm15 =	vge.f32 v5, v7;
	vm9 =	vgt.f32 v6, v5;
	vm10 =	vge.f32 v6, v7  }
0x28: {  	v1 =	vsel vm14, $0x3F800000, v16;
	vm14 =	vge.f32 v5, v6;
	vm1 =	vmand vm13, vm12  }
0x29: {  	v3 =	vld [tilespmem:s13+$0x2420];
	v2 =	vsel vm11, $0x3F800000, v16;
	vm11 =	vge.f32 v6, v8;
	vm12 =	vgt.f32 v7, v5  }
0x2a: {  	v4 =	vld [tilespmem:s13+$0x3420];
	vm13 =	vgt.f32 v7, v6;
	vm6 =	vmand vm14, vm15;
	[tilespmem:$0x1FBC0] =	vst v2;
	v2 =	vsel vm1, $0x3F800000, v16  }
0x2b: {  	[tilespmem:$0x1FBA0] =	vst v1;
	v1 =	vld [tilespmem:s13+$0x420];
	vm2 =	vmand vm10, vm11;
	vm15 =	vmand vm12, vm13;
	vm10 =	vgt.f32 v8, v6  }
0x2c: {  	vm13 =	vgt.f32 v8, v7;
	[tilespmem:$0x1FBD0] =	vst v2;
	vm8 =	vmand vm6, vm7;
	v2 =	vld [tilespmem:s13+$0x1420];
	vm14 =	vmand vm2, vm9  }
0x2d: {  	vm9 =	vgt.f32 v8, v5;
	v50 =	vsel vm8, $0x3F800000, v16;
	vm8 =	vge.f32 v7, v8  }
0x2e: {  	v5 =	vsel vm14, $0x3F800000, v16;
	vm12 =	vmand vm9, vm10;
	vm11 =	vmand vm15, vm8  }
0x2f: {  	v9 =	vsel vm0, $0x3F800000, v16;
	v8 =	vld [tilespmem:s13+$0x3430];
	[tilespmem:$0x1FBF0] =	vst v5;
	vm1 =	vmand vm13, vm12;
	v6 =	vsel vm11, $0x3F800000, v16  }
0x30: {  	v5 =	vld [tilespmem:s13+$0x430];
	vm15 =	vge.f32 v1, v3;
	vm7 =	vge.f32 v1, v4;
	[tilespmem:$0x1FC00] =	vst v6;
	v6 =	vsel vm1, $0x3F800000, v16  }
0x31: {  	vm12 =	vgt.f32 v3, v1;
	vm14 =	vge.f32 v1, v2;
	vm9 =	vgt.f32 v2, v1  }
0x32: {  	v7 =	vld [tilespmem:s13+$0x2430];
	vm10 =	vge.f32 v2, v3;
	vm11 =	vge.f32 v2, v4;
	vm13 =	vgt.f32 v3, v2  }
0x33: {  	[tilespmem:$0x1FC10] =	vst v6;
	v6 =	vld [tilespmem:s13+$0x1430];
	vm6 =	vmand vm14, vm15;
	vm2 =	vmand vm10, vm11;
	vm15 =	vmand vm12, vm13  }
0x34: {  	vm10 =	vgt.f32 v4, v2;
	vm13 =	vgt.f32 v4, v3;
	vm8 =	vmand vm6, vm7  }
0x35: {  	vm14 =	vmand vm2, vm9;
	vm9 =	vgt.f32 v4, v1;
	vm7 =	vge.f32 v5, v8  }
0x36: {  	v51 =	vsel vm8, $0x3F800000, v16;
	vm8 =	vge.f32 v3, v4;
	v1 =	vsel vm14, $0x3F800000, v16  }
0x37: {  	vm12 =	vmand vm9, vm10;
	vm11 =	vmand vm15, vm8;
	vm15 =	vge.f32 v5, v7  }
0x38: {  	vm1 =	vmand vm13, vm12;
	vm12 =	vgt.f32 v7, v5;
	vm14 =	vge.f32 v5, v6  }
0x39: {  	v3 =	vld [tilespmem:s13+$0x2440];
	v2 =	vsel vm11, $0x3F800000, v16;
	vm9 =	vgt.f32 v6, v5;
	vm10 =	vge.f32 v6, v7  }
0x3a: {  	[tilespmem:$0x1FC30] =	vst v1;
	v1 =	vld [tilespmem:s13+$0x440];
	vm11 =	vge.f32 v6, v8;
	vm13 =	vgt.f32 v7, v6;
	vm6 =	vmand vm14, vm15  }
0x3b: {  	v4 =	vld [tilespmem:s13+$0x3440];
	[tilespmem:$0x1FC40] =	vst v2;
	v2 =	vsel vm1, $0x3F800000, v16;
	vm2 =	vmand vm10, vm11;
	vm15 =	vmand vm12, vm13  }
0x3c: {  	vm10 =	vgt.f32 v8, v6;
	vm13 =	vgt.f32 v8, v7;
	[tilespmem:$0x1FC50] =	vst v2;
	vm8 =	vmand vm6, vm7;
	v2 =	vld [tilespmem:s13+$0x1440]  }
0x3d: {  	vm14 =	vmand vm2, vm9;
	vm9 =	vgt.f32 v8, v5;
	v52 =	vsel vm8, $0x3F800000, v16  }
0x3e: {  	vm8 =	vge.f32 v7, v8;
	v5 =	vsel vm14, $0x3F800000, v16;
	vm12 =	vmand vm9, vm10  }
0x3f: {  	v8 =	vld [tilespmem:s13+$0x3450];
	vm11 =	vmand vm15, vm8;
	vm15 =	vge.f32 v1, v3;
	vm1 =	vmand vm13, vm12  }
0x40: {  	[tilespmem:$0x1FC70] =	vst v5;
	vm7 =	vge.f32 v1, v4;
	v5 =	vld [tilespmem:s13+$0x450];
	vm12 =	vgt.f32 v3, v1;
	v6 =	vsel vm11, $0x3F800000, v16  }
0x41: {  	[tilespmem:$0x1FC80] =	vst v6;
	v6 =	vsel vm1, $0x3F800000, v16;
	vm14 =	vge.f32 v1, v2;
	vm9 =	vgt.f32 v2, v1  }
0x42: {  	v7 =	vld [tilespmem:s13+$0x2450];
	vm10 =	vge.f32 v2, v3;
	vm11 =	vge.f32 v2, v4;
	vm13 =	vgt.f32 v3, v2  }
0x43: {  	[tilespmem:$0x1FC90] =	vst v6;
	v6 =	vld [tilespmem:s13+$0x1450];
	vm6 =	vmand vm14, vm15;
	vm2 =	vmand vm10, vm11;
	vm15 =	vmand vm12, vm13  }
0x44: {  	vm10 =	vgt.f32 v4, v2;
	vm13 =	vgt.f32 v4, v3;
	vm8 =	vmand vm6, vm7  }
0x45: {  	vm14 =	vmand vm2, vm9;
	vm9 =	vgt.f32 v4, v1;
	vm7 =	vge.f32 v5, v8  }
0x46: {  	v53 =	vsel vm8, $0x3F800000, v16;
	vm8 =	vge.f32 v3, v4;
	v1 =	vsel vm14, $0x3F800000, v16  }
0x47: {  	vm12 =	vmand vm9, vm10;
	vm11 =	vmand vm15, vm8;
	vm15 =	vge.f32 v5, v7  }
0x48: {  	vm1 =	vmand vm13, vm12;
	vm12 =	vgt.f32 v7, v5;
	vm14 =	vge.f32 v5, v6  }
0x49: {  	v3 =	vld [tilespmem:s13+$0x2460];
	v2 =	vsel vm11, $0x3F800000, v16;
	vm9 =	vgt.f32 v6, v5;
	vm10 =	vge.f32 v6, v7  }
0x4a: {  	[tilespmem:$0x1FCB0] =	vst v1;
	v1 =	vld [tilespmem:s13+$0x460];
	vm11 =	vge.f32 v6, v8;
	vm13 =	vgt.f32 v7, v6;
	vm6 =	vmand vm14, vm15  }
0x4b: {  	v4 =	vld [tilespmem:s13+$0x3460];
	[tilespmem:$0x1FCC0] =	vst v2;
	v2 =	vsel vm1, $0x3F800000, v16;
	vm2 =	vmand vm10, vm11;
	vm15 =	vmand vm12, vm13  }
0x4c: {  	vm10 =	vgt.f32 v8, v6;
	vm13 =	vgt.f32 v8, v7;
	[tilespmem:$0x1FCD0] =	vst v2;
	vm8 =	vmand vm6, vm7;
	v2 =	vld [tilespmem:s13+$0x1460]  }
0x4d: {  	vm14 =	vmand vm2, vm9;
	vm9 =	vgt.f32 v8, v5;
	v54 =	vsel vm8, $0x3F800000, v16  }
0x4e: {  	vm8 =	vge.f32 v7, v8;
	v5 =	vsel vm14, $0x3F800000, v16;
	vm12 =	vmand vm9, vm10  }
0x4f: {  	v8 =	vld [tilespmem:s13+$0x3470];
	vm11 =	vmand vm15, vm8;
	vm15 =	vge.f32 v1, v3;
	vm1 =	vmand vm13, vm12  }
0x50: {  	[tilespmem:$0x1FCF0] =	vst v5;
	vm7 =	vge.f32 v1, v4;
	v5 =	vld [tilespmem:s13+$0x470];
	vm12 =	vgt.f32 v3, v1;
	v6 =	vsel vm11, $0x3F800000, v16  }
0x51: {  	[tilespmem:$0x1FD00] =	vst v6;
	v6 =	vsel vm1, $0x3F800000, v16;
	vm14 =	vge.f32 v1, v2;
	vm9 =	vgt.f32 v2, v1  }
0x52: {  	v7 =	vld [tilespmem:s13+$0x2470];
	vm10 =	vge.f32 v2, v3;
	vm11 =	vge.f32 v2, v4;
	vm13 =	vgt.f32 v3, v2  }
0x53: {  	[tilespmem:$0x1FD10] =	vst v6;
	v6 =	vld [tilespmem:s13+$0x1470];
	vm6 =	vmand vm14, vm15;
	vm2 =	vmand vm10, vm11;
	vm15 =	vmand vm12, vm13  }
0x54: {  	vm10 =	vgt.f32 v4, v2;
	vm13 =	vgt.f32 v4, v3;
	vm8 =	vmand vm6, vm7  }
0x55: {  	vm14 =	vmand vm2, vm9;
	vm9 =	vgt.f32 v4, v1;
	vm7 =	vge.f32 v5, v8  }
0x56: {  	v55 =	vsel vm8, $0x3F800000, v16;
	vm8 =	vge.f32 v3, v4;
	v1 =	vsel vm14, $0x3F800000, v16  }
0x57: {  	vm12 =	vmand vm9, vm10;
	vm11 =	vmand vm15, vm8;
	vm15 =	vge.f32 v5, v7  }
0x58: {  	vm1 =	vmand vm13, vm12;
	vm12 =	vgt.f32 v7, v5;
	vm14 =	vge.f32 v5, v6  }
0x59: {  	v3 =	vld [tilespmem:s13+$0x2800];
	v2 =	vsel vm11, $0x3F800000, v16;
	vm9 =	vgt.f32 v6, v5;
	vm10 =	vge.f32 v6, v7  }
0x5a: {  	[tilespmem:$0x1FD30] =	vst v1;
	v1 =	vld [tilespmem:s13+$0x800];
	vm11 =	vge.f32 v6, v8;
	vm13 =	vgt.f32 v7, v6;
	vm6 =	vmand vm14, vm15  }
0x5b: {  	v4 =	vld [tilespmem:s13+$0x3800];
	[tilespmem:$0x1FD40] =	vst v2;
	v2 =	vsel vm1, $0x3F800000, v16;
	vm2 =	vmand vm10, vm11;
	vm15 =	vmand vm12, vm13  }
0x5c: {  	vm10 =	vgt.f32 v8, v6;
	vm13 =	vgt.f32 v8, v7;
	[tilespmem:$0x1FD50] =	vst v2;
	vm8 =	vmand vm6, vm7;
	v2 =	vld [tilespmem:s13+$0x1800]  }
0x5d: {  	vm14 =	vmand vm2, vm9;
	vm9 =	vgt.f32 v8, v5;
	v56 =	vsel vm8, $0x3F800000, v16  }
0x5e: {  	vm8 =	vge.f32 v7, v8;
	v5 =	vsel vm14, $0x3F800000, v16;
	vm12 =	vmand vm9, vm10  }
0x5f: {  	v8 =	vld [tilespmem:s13+$0x3810];
	vm11 =	vmand vm15, vm8;
	vm15 =	vge.f32 v1, v3;
	vm1 =	vmand vm13, vm12  }
0x60: {  	[tilespmem:$0x1FD70] =	vst v5;
	vm7 =	vge.f32 v1, v4;
	v5 =	vld [tilespmem:s13+$0x810];
	vm12 =	vgt.f32 v3, v1;
	v6 =	vsel vm11, $0x3F800000, v16  }
0x61: {  	[tilespmem:$0x1FD80] =	vst v6;
	v6 =	vsel vm1, $0x3F800000, v16;
	vm14 =	vge.f32 v1, v2;
	vm9 =	vgt.f32 v2, v1  }
0x62: {  	v7 =	vld [tilespmem:s13+$0x2810];
	vm10 =	vge.f32 v2, v3;
	vm11 =	vge.f32 v2, v4;
	vm13 =	vgt.f32 v3, v2  }
0x63: {  	[tilespmem:$0x1FD90] =	vst v6;
	v6 =	vld [tilespmem:s13+$0x1810];
	vm6 =	vmand vm14, vm15;
	vm2 =	vmand vm10, vm11;
	vm15 =	vmand vm12, vm13  }
0x64: {  	vm10 =	vgt.f32 v4, v2;
	vm13 =	vgt.f32 v4, v3;
	vm8 =	vmand vm6, vm7  }
0x65: {  	vm14 =	vmand vm2, vm9;
	vm9 =	vgt.f32 v4, v1;
	vm7 =	vge.f32 v5, v8  }
0x66: {  	v57 =	vsel vm8, $0x3F800000, v16;
	vm8 =	vge.f32 v3, v4;
	v1 =	vsel vm14, $0x3F800000, v16  }
0x67: {  	vm12 =	vmand vm9, vm10;
	vm11 =	vmand vm15, vm8;
	vm15 =	vge.f32 v5, v7  }
0x68: {  	vm1 =	vmand vm13, vm12;
	vm12 =	vgt.f32 v7, v5;
	vm14 =	vge.f32 v5, v6  }
0x69: {  	v3 =	vld [tilespmem:s13+$0x2820];
	v2 =	vsel vm11, $0x3F800000, v16;
	vm9 =	vgt.f32 v6, v5;
	vm10 =	vge.f32 v6, v7  }
0x6a: {  	[tilespmem:$0x1FDB0] =	vst v1;
	v1 =	vld [tilespmem:s13+$0x820];
	vm11 =	vge.f32 v6, v8;
	vm13 =	vgt.f32 v7, v6;
	vm6 =	vmand vm14, vm15  }
0x6b: {  	v4 =	vld [tilespmem:s13+$0x3820];
	[tilespmem:$0x1FDC0] =	vst v2;
	v2 =	vsel vm1, $0x3F800000, v16;
	vm2 =	vmand vm10, vm11;
	vm15 =	vmand vm12, vm13  }
0x6c: {  	vm10 =	vgt.f32 v8, v6;
	vm13 =	vgt.f32 v8, v7;
	[tilespmem:$0x1FDD0] =	vst v2;
	vm8 =	vmand vm6, vm7;
	v2 =	vld [tilespmem:s13+$0x1820]  }
0x6d: {  	vm14 =	vmand vm2, vm9;
	vm9 =	vgt.f32 v8, v5;
	v58 =	vsel vm8, $0x3F800000, v16  }
0x6e: {  	vm8 =	vge.f32 v7, v8;
	v5 =	vsel vm14, $0x3F800000, v16;
	vm12 =	vmand vm9, vm10  }
0x6f: {  	v8 =	vld [tilespmem:s13+$0x3830];
	vm11 =	vmand vm15, vm8;
	vm15 =	vge.f32 v1, v3;
	vm1 =	vmand vm13, vm12  }
0x70: {  	[tilespmem:$0x1FDF0] =	vst v5;
	vm7 =	vge.f32 v1, v4;
	v5 =	vld [tilespmem:s13+$0x830];
	vm12 =	vgt.f32 v3, v1;
	v6 =	vsel vm11, $0x3F800000, v16  }
0x71: {  	[tilespmem:$0x1FE00] =	vst v6;
	v6 =	vsel vm1, $0x3F800000, v16;
	vm14 =	vge.f32 v1, v2;
	vm9 =	vgt.f32 v2, v1  }
0x72: {  	v7 =	vld [tilespmem:s13+$0x2830];
	vm10 =	vge.f32 v2, v3;
	vm11 =	vge.f32 v2, v4;
	vm13 =	vgt.f32 v3, v2  }
0x73: {  	[tilespmem:$0x1FE10] =	vst v6;
	v6 =	vld [tilespmem:s13+$0x1830];
	vm6 =	vmand vm14, vm15;
	vm2 =	vmand vm10, vm11;
	vm15 =	vmand vm12, vm13  }
0x74: {  	vm10 =	vgt.f32 v4, v2;
	vm13 =	vgt.f32 v4, v3;
	vm8 =	vmand vm6, vm7  }
0x75: {  	vm14 =	vmand vm2, vm9;
	vm9 =	vgt.f32 v4, v1;
	vm7 =	vge.f32 v5, v8  }
0x76: {  	v59 =	vsel vm8, $0x3F800000, v16;
	vm8 =	vge.f32 v3, v4;
	v1 =	vsel vm14, $0x3F800000, v16  }
0x77: {  	vm12 =	vmand vm9, vm10;
	vm11 =	vmand vm15, vm8;
	vm15 =	vge.f32 v5, v7  }
0x78: {  	vm1 =	vmand vm13, vm12;
	vm12 =	vgt.f32 v7, v5;
	vm14 =	vge.f32 v5, v6  }
0x79: {  	v3 =	vld [tilespmem:s13+$0x2840];
	v2 =	vsel vm11, $0x3F800000, v16;
	vm9 =	vgt.f32 v6, v5;
	vm10 =	vge.f32 v6, v7  }
0x7a: {  	[tilespmem:$0x1FE30] =	vst v1;
	v1 =	vld [tilespmem:s13+$0x840];
	vm11 =	vge.f32 v6, v8;
	vm13 =	vgt.f32 v7, v6;
	vm6 =	vmand vm14, vm15  }
0x7b: {  	v4 =	vld [tilespmem:s13+$0x3840];
	[tilespmem:$0x1FE40] =	vst v2;
	v2 =	vsel vm1, $0x3F800000, v16;
	vm2 =	vmand vm10, vm11;
	vm15 =	vmand vm12, vm13  }
0x7c: {  	vm10 =	vgt.f32 v8, v6;
	vm13 =	vgt.f32 v8, v7;
	[tilespmem:$0x1FE50] =	vst v2;
	vm8 =	vmand vm6, vm7;
	v2 =	vld [tilespmem:s13+$0x1840]  }
0x7d: {  	vm14 =	vmand vm2, vm9;
	vm9 =	vgt.f32 v8, v5;
	v60 =	vsel vm8, $0x3F800000, v16  }
0x7e: {  	vm8 =	vge.f32 v7, v8;
	v5 =	vsel vm14, $0x3F800000, v16;
	vm12 =	vmand vm9, vm10;
	v7 =	vld [tilespmem:s13+$0x2850]  }
0x7f: {  	v8 =	vld [tilespmem:s13+$0x3850];
	vm11 =	vmand vm15, vm8;
	vm15 =	vge.f32 v1, v3;
	vm1 =	vmand vm13, vm12  }
0x80: {  	vm8 =	vge.f32 v1, v4;
	vm13 =	vgt.f32 v3, v1;
	v6 =	vsel vm11, $0x3F800000, v16  }
0x81: {  	[tilespmem:$0x1FE80] =	vst v6;
	v6 =	vsel vm1, $0x3F800000, v16;
	vm14 =	vge.f32 v1, v2;
	vm10 =	vgt.f32 v2, v1  }
0x82: {  	[tilespmem:$0x1FE70] =	vst v5;
	v5 =	vld [tilespmem:s13+$0x850];
	vm11 =	vge.f32 v2, v3;
	vm12 =	vge.f32 v2, v4;
	vm7 =	vmand vm14, vm15  }
0x83: {  	vm2 =	vmand vm11, vm12;
	vm14 =	vgt.f32 v3, v2;
	vm11 =	vgt.f32 v4, v2  }
0x84: {  	[tilespmem:$0x1FE90] =	vst v6;
	v6 =	vld [tilespmem:s13+$0x1850];
	vm5 =	vgt.f32 v8, v7;
	vm9 =	vmand vm7, vm8;
	vm15 =	vmand vm2, vm10  }
0x85: {  	vm8 =	vmand vm13, vm14;
	vm10 =	vgt.f32 v4, v1;
	vm14 =	vgt.f32 v4, v3  }
0x86: {  	v61 =	vsel vm9, $0x3F800000, v16;
	vm9 =	vge.f32 v3, v4;
	v1 =	vsel vm15, $0x3F800000, v16  }
0x87: {  	v2 =	vld [tilespmem:s13+$0x1860];
	vm13 =	vmand vm10, vm11;
	vm10 =	vge.f32 v5, v8;
	vm12 =	vmand vm8, vm9  }
0x88: {  	v4 =	vld [tilespmem:s13+$0x3860];
	[tilespmem:$0x1FEB0] =	vst v1;
	vm8 =	vge.f32 v5, v7;
	vm1 =	vmand vm14, vm13;
	v3 =	vsel vm12, $0x3F800000, v16  }
0x89: {  	v1 =	vld [tilespmem:s13+$0x860];
	vm15 =	vge.f32 v5, v6;
	vm11 =	vgt.f32 v6, v5;
	[tilespmem:$0x1FEC0] =	vst v3;
	v3 =	vsel vm1, $0x3F800000, v16  }
0x8a: {  	vm13 =	vge.f32 v6, v7;
	vm14 =	vge.f32 v6, v8;
	vm9 =	vmand vm15, vm8;
	[tilespmem:$0x1FED0] =	vst v3;
	v3 =	vld [tilespmem:s13+$0x2860]  }
0x8b: {  	vm2 =	vmand vm13, vm14;
	vm15 =	vgt.f32 v7, v5;
	vm1 =	vgt.f32 v7, v6  }
0x8c: {  	vm13 =	vgt.f32 v8, v6;
	vm12 =	vmand vm9, vm10;
	vm7 =	vmand vm2, vm11  }
0x8d: {  	vm9 =	vmand vm15, vm1;
	vm10 =	vge.f32 v7, v8;
	vm11 =	vgt.f32 v8, v5  }
0x8e: {  	v7 =	vimm.s32 $0x0;
	vm2 =	vmand vm9, vm10;
	vm9 =	vgt.f32 v4, v2  }
0x8f: {  	v5 =	vld [tilespmem:s13+$0x870];
	vm14 =	vge.f32 v1, v2;
	vm1 =	vge.f32 v1, v4;
	vm15 =	vge.f32 v1, v3  }
0x90: {  	v8 =	vld [tilespmem:s13+$0x3870];
	vm8 =	vgt.f32 v2, v1;
	vm6 =	vgt.f32 v3, v2;
	vm3 =	vmand vm14, vm15  }
0x91: {  	v6 =	vld [tilespmem:s13+$0x1870];
	vm14 =	vge.f32 v2, v4;
	vm15 =	vgt.f32 v3, v1;
	vm10 =	vmand vm3, vm1  }
0x92: {  	vm3 =	vmand vm15, vm6;
	vm1 =	vge.f32 v3, v4;
	vm6 =	vgt.f32 v4, v1;
	v1 =	vld [tilespmem:s13+$0xC00]  }
0x93: {  	v7 =	vsel vm10, $0xFFFFFFFF, v7;
	vm3 =	vmand vm3, vm1;
	vm1 =	vgt.f32 v4, v3;
	v4 =	vld [tilespmem:s13+$0x3C00]  }
0x94: {  	vm0 =	vmand vm11, vm13;
	v62 =	vsel vm12, $0x3F800000, v16;
	vm13 =	vge.f32 v2, v3;
	[tilespmem:$0x1FA40] =	vst v7;
	v7 =	vld [tilespmem:s13+$0x2870]  }
0x95: {  	vm11 =	vmand vm5, vm0;
	vm5 =	vge.f32 v5, v8;
	vm0 =	vmand vm13, vm14  }
0x96: {  	v2 =	vimm.s32 $0x0;
	vm14 =	vmand vm0, vm8;
	vm0 =	vmand vm6, vm9  }
0x97: {  	vm13 =	vge.f32 v5, v6;
	vm6 =	vgt.f32 v6, v5;
	vm0 =	vmand vm1, vm0  }
0x98: {  	vm10 =	vge.f32 v6, v8;
	v2 =	vsel vm0, $0xFFFFFFFF, v2;
	vm12 =	vgt.f32 v4, v1  }
0x99: {  	[tilespmem:$0x1FA50] =	vst v2;
	v2 =	vld [tilespmem:s13+$0x1C00];
	vm15 =	vge.f32 v5, v7;
	vm1 =	vge.f32 v6, v7;
	vm4 =	vgt.f32 v7, v5  }
0x9a: {  	v3 =	vld [tilespmem:s13+$0x2C00];
	vm0 =	vmand vm13, vm15;
	vm9 =	vmand vm1, vm10;
	vm15 =	vgt.f32 v7, v6  }
0x9b: {  	vm1 =	vge.f32 v7, v8;
	vm10 =	vgt.f32 v8, v7;
	vm13 =	vmand vm0, vm5  }
0x9c: {  	vm8 =	vmand vm9, vm6;
	vm0 =	vmand vm4, vm15;
	vm15 =	vgt.f32 v8, v5  }
0x9d: {  	vm4 =	vgt.f32 v8, v6;
	v5 =	vimm.s32 $0x0;
	vm5 =	vge.f32 v1, v4  }
0x9e: {  	v7 =	vld [tilespmem:s13+$0x2C10];
	vm0 =	vmand vm0, vm1;
	vm9 =	vmand vm15, vm4;
	vm15 =	vge.f32 v1, v2  }
0x9f: {  	v6 =	vld [tilespmem:s13+$0x1C10];
	vm4 =	vge.f32 v1, v3;
	vm1 =	vgt.f32 v3, v1;
	v5 =	vsel vm0, $0xFFFFFFFF, v5  }
0xa0: {  	vm6 =	vmand vm10, vm9;
	vm4 =	vmand vm15, vm4;
	vm10 =	vge.f32 v2, v3;
	[tilespmem:$0x1FA60] =	vst v5;
	v5 =	vld [tilespmem:s13+$0xC10]  }
0xa1: {  	v8 =	vld [tilespmem:s13+$0x3C10];
	vm15 =	vge.f32 v2, v4;
	vm0 =	vgt.f32 v3, v2;
	vm4 =	vmand vm4, vm5  }
0xa2: {  	vm9 =	vmand vm10, vm15;
	vm0 =	vmand vm1, vm0;
	vm10 =	vgt.f32 v2, v1  }
0xa3: {  	v1 =	vsel vm7, $0x3F800000, v16;
	vm7 =	vge.f32 v3, v4;
	vm5 =	vgt.f32 v4, v2  }
0xa4: {  	vm10 =	vmand vm9, vm10;
	vm9 =	vmand vm0, vm7;
	vm0 =	vmand vm12, vm5  }
0xa5: {  	[tilespmem:$0x1FEF0] =	vst v1;
	v1 =	vsel vm2, $0x3F800000, v16;
	vm12 =	vge.f32 v5, v6;
	vm15 =	vge.f32 v5, v7  }
0xa6: {  	vm2 =	vgt.f32 v4, v3;
	vm1 =	vge.f32 v5, v8;
	vm7 =	vmand vm12, vm15  }
0xa7: {  	[tilespmem:$0x1FF00] =	vst v1;
	vm5 =	vmand vm2, vm0;
	v1 =	vimm.s32 $0x0;
	vm15 =	vmand vm7, vm1  }
0xa8: {  	vm7 =	vgt.f32 v8, v6;
	v1 =	vsel vm15, $0xFFFFFFFF, v1;
	vm15 =	vgt.f32 v8, v5  }
0xa9: {  	[tilespmem:$0x1FA70] =	vst v1;
	v1 =	vsel vm11, $0x3F800000, v16;
	vm0 =	vmand vm15, vm7;
	vm15 =	vgt.f32 v8, v7  }
0xaa: {  	v2 =	vld [tilespmem:s13+$0xC20];
	[tilespmem:$0x1FF10] =	vst v1;
	vm0 =	vmand vm15, vm0;
	v1 =	vimm.s32 $0x0  }
0xab: {  	v4 =	vld [tilespmem:s13+$0x2C20];
	v1 =	vsel vm0, $0xFFFFFFFF, v1  }
0xac: {  	[tilespmem:$0x1FA80] =	vst v1;
	v1 =	vld [tilespmem:$0x1FA40]  }
0xad: {  	v3 =	vld [tilespmem:s13+$0x1C20]  }
0xae: {  	v63 =	vld [tilespmem:s13+$0x3C20];
	vm2 =	vge.f32 v6, v8;
	vm12 =	vgt.f32 v7, v6;
	vm1 =	vge.f32 v6, v7  }
0xaf: {  	vm1 =	vmand vm1, vm2;
	vm11 =	vgt.f32 v7, v5;
	vm7 =	vgt.f32 v6, v5  }
0xb0: {  	vm11 =	vmand vm11, vm12;
	vm12 =	vge.f32 v7, v8;
	vm7 =	vmand vm1, vm7  }
0xb1: {  	vm1 =	vge.f32 v2, v4;
	vm11 =	vmand vm11, vm12;
	vm12 =	vnez.u8 v1  }
0xb2: {  	vm15 =	vgt.f32 v4, v3;
	vm0 =	vge.f32 v2, v3;
	v1 =	vsel vm12, $0x3F800000, v16  }
0xb3: {  	vm0 =	vmand vm0, vm1;
	vm12 =	vge.f32 v3, v63;
	[tilespmem:$0x1FF20] =	vst v1;
	v1 =	vsel vm14, $0x3F800000, v16  }
0xb4: {  	vm14 =	vgt.f32 v4, v2;
	[tilespmem:$0x1FF30] =	vst v1;
	v1 =	vsel vm3, $0x3F800000, v16;
	vm3 =	vge.f32 v3, v4  }
0xb5: {  	vm1 =	vmand vm3, vm12;
	vm12 =	vmand vm14, vm15;
	vm15 =	vge.f32 v4, v63  }
0xb6: {  	v10 =	vld [tilespmem:s13+$0x1C30];
	[tilespmem:$0x1FF40] =	vst v1;
	v1 =	vimm.s32 $0x0;
	vm15 =	vmand vm12, vm15  }
0xb7: {  	v11 =	vld [tilespmem:s13+$0x2C30];
	v1 =	vsel vm15, $0xFFFFFFFF, v1  }
0xb8: {  	[tilespmem:$0x1FA90] =	vst v1;
	v1 =	vld [tilespmem:$0x1FA50]  }
0xb9: {  	v12 =	vld [tilespmem:s13+$0x3C30]  }
0xba: {  	v8 =	vld [tilespmem:s13+$0xC30]  }
0xbb: {  	vm3 =	vge.f32 v2, v63  }
0xbc: {  	vm14 =	vgt.f32 v3, v2;
	vm3 =	vmand vm0, vm3  }
0xbd: {  	vm14 =	vmand vm1, vm14;
	vm0 =	vgt.f32 v63, v2;
	vm12 =	vnez.u8 v1  }
0xbe: {  	vm1 =	vgt.f32 v63, v3;
	vm15 =	vge.f32 v10, v12;
	v1 =	vsel vm12, $0x3F800000, v16  }
0xbf: {  	vm2 =	vmand vm0, vm1;
	vm12 =	vge.f32 v8, v11;
	[tilespmem:$0x1FF50] =	vst v1;
	v1 =	vsel vm13, $0x3F800000, v16  }
0xc0: {  	vm13 =	vge.f32 v10, v11;
	[tilespmem:$0x1FF60] =	vst v1;
	v1 =	vsel vm8, $0x3F800000, v16;
	vm8 =	vge.f32 v8, v10  }
0xc1: {  	v13 =	vld [tilespmem:s13+$0x2C40];
	vm0 =	vgt.f32 v10, v8;
	vm1 =	vmand vm8, vm12;
	vm8 =	vmand vm13, vm15  }
0xc2: {  	v2 =	vld [tilespmem:s13+$0xC40];
	[tilespmem:$0x1FF70] =	vst v1;
	v1 =	vimm.s32 $0x0;
	vm0 =	vmand vm8, vm0  }
0xc3: {  	v3 =	vld [tilespmem:s13+$0x1C40];
	v1 =	vsel vm0, $0xFFFFFFFF, v1  }
0xc4: {  	[tilespmem:$0x1FAA0] =	vst v1;
	v1 =	vld [tilespmem:$0x1FA60]  }
0xc5: {  	vm12 =	vgt.f32 v63, v4  }
0xc6: {  	vm13 =	vge.f32 v8, v12;
	v4 =	vld [tilespmem:s13+$0x3C40];
	vm15 =	vmand vm12, vm2  }
0xc7: {  	vm12 =	vmand vm1, vm13;
	vm2 =	vgt.f32 v11, v10;
	vm0 =	vgt.f32 v11, v8  }
0xc8: {  	vm1 =	vgt.f32 v12, v8;
	vm8 =	vge.f32 v2, v13;
	vm0 =	vmand vm0, vm2  }
0xc9: {  	[tilespmem:$0x1FB80] =	vst v9;
	vm13 =	vnez.u8 v1;
	v1 =	vsel vm6, $0x3F800000, v16;
	vm6 =	vge.f32 v2, v3  }
0xca: {  	v9 =	vsel vm13, $0x3F800000, v16;
	[tilespmem:$0x1FFC0] =	vst v1;
	v1 =	vsel vm4, $0x3F800000, v16;
	vm4 =	vgt.f32 v12, v10  }
0xcb: {  	vm2 =	vmand vm6, vm8;
	vm13 =	vgt.f32 v12, v11;
	vm6 =	vge.f32 v2, v4  }
0xcc: {  	vm1 =	vmand vm1, vm4;
	vm4 =	vge.f32 v11, v12;
	vm8 =	vmand vm2, vm6  }
0xcd: {  	[tilespmem:$0x1FFD0] =	vst v1;
	v1 =	vimm.s32 $0x0;
	v12 =	vsel vm5, $0x3F800000, v16;
	vm2 =	vgt.f32 v13, v2  }
0xce: {  	vm5 =	vgt.f32 v13, v3;
	vm4 =	vmand vm0, vm4;
	vm13 =	vmand vm13, vm1  }
0xcf: {  	v1 =	vsel vm8, $0xFFFFFFFF, v1;
	vm0 =	vge.f32 v3, v13;
	vm1 =	vge.f32 v3, v4  }
0xd0: {  	vm6 =	vgt.f32 v4, v2;
	[tilespmem:$0x1FAB0] =	vst v1;
	v1 =	vsel vm10, $0x3F800000, v16;
	vm0 =	vmand vm0, vm1  }
0xd1: {  	v17 =	vld [tilespmem:s13+$0xC50];
	vm1 =	vmand vm2, vm5;
	[tilespmem:$0x1FFE0] =	vst v1;
	v1 =	vsel vm9, $0x3F800000, v16;
	vm9 =	vgt.f32 v4, v3  }
0xd2: {  	v19 =	vld [tilespmem:s13+$0x2C50];
	vm10 =	vgt.f32 v4, v13;
	vm2 =	vmand vm6, vm9;
	vm6 =	vge.f32 v13, v4  }
0xd3: {  	v18 =	vld [tilespmem:s13+$0x1C50];
	[tilespmem:$0x1FFF0] =	vst v1;
	v1 =	vimm.s32 $0x0;
	vm8 =	vmand vm1, vm6;
	vm6 =	vmand vm10, vm2  }
0xd4: {  	v20 =	vld [tilespmem:s13+$0x3C50];
	v1 =	vsel vm6, $0xFFFFFFFF, v1  }
0xd5: {  	[tilespmem:$0x1FAC0] =	vst v1;
	v1 =	vld [tilespmem:$0x1FA70];
	_ =	sdelay $0x1  }
0xd6: {  	v10 =	vsel vm7, $0x3F800000, v16;
	vm7 =	vgt.f32 v19, v17;
	vm5 =	vgt.f32 v3, v2  }
0xd7: {  	vm9 =	vmand vm0, vm5;
	vm0 =	vge.f32 v17, v18;
	vm5 =	vgt.f32 v19, v18  }
0xd8: {  	vm1 =	vge.f32 v17, v19;
	vm2 =	vge.f32 v18, v19;
	vm6 =	vge.f32 v18, v20  }
0xd9: {  	vm0 =	vmand vm0, vm1;
	vm1 =	vmand vm2, vm6;
	vm10 =	vnez.u8 v1  }
0xda: {  	v22 =	vld [tilespmem:s13+$0x3C60];
	vm6 =	vmand vm7, vm5;
	v13 =	vsel vm10, $0x3F800000, v16;
	vm10 =	vge.f32 v19, v20  }
0xdb: {  	v2 =	vld [tilespmem:s13+$0xC60];
	v1 =	vimm.s32 $0x0;
	vm10 =	vmand vm6, vm10  }
0xdc: {  	v3 =	vld [tilespmem:s13+$0x1C60];
	v1 =	vsel vm10, $0xFFFFFFFF, v1  }
0xdd: {  	[tilespmem:$0x1FAD0] =	vst v1;
	v1 =	vld [tilespmem:$0x1FA80]  }
0xde: {  	v4 =	vld [tilespmem:s13+$0x2C60];
	vm2 =	vge.f32 v17, v20  }
0xdf: {  	v8 =	vsel vm11, $0x3F800000, v16;
	vm7 =	vgt.f32 v18, v17;
	vm5 =	vmand vm0, vm2  }
0xe0: {  	vm7 =	vmand vm1, vm7;
	vm1 =	vgt.f32 v20, v17;
	v17 =	vsel vm3, $0x3F800000, v16  }
0xe1: {  	vm3 =	vgt.f32 v20, v18;
	v18 =	vsel vm14, $0x3F800000, v16;
	vm14 =	vge.f32 v3, v22  }
0xe2: {  	vm0 =	vgt.f32 v3, v2;
	vm6 =	vge.f32 v2, v3;
	vm11 =	vnez.u8 v1  }
0xe3: {  	vm10 =	vge.f32 v2, v4;
	v7 =	vsel vm11, $0x3F800000, v16;
	vm11 =	vge.f32 v3, v4  }
0xe4: {  	v25 =	vld [tilespmem:s13+$0xC70];
	vm1 =	vmand vm1, vm3;
	vm3 =	vmand vm6, vm10;
	vm6 =	vmand vm11, vm14  }
0xe5: {  	v26 =	vld [tilespmem:s13+$0x1C70];
	v1 =	vimm.s32 $0x0;
	vm0 =	vmand vm6, vm0  }
0xe6: {  	v27 =	vld [tilespmem:s13+$0x2C70];
	v1 =	vsel vm0, $0xFFFFFFFF, v1  }
0xe7: {  	[tilespmem:$0x1FAE0] =	vst v1;
	v1 =	vld [tilespmem:$0x1FA90];
	_ =	sdelay $0x1  }
0xe8: {  	v28 =	vld [tilespmem:s13+$0x3C70]  }
0xe9: {  	v21 =	vsel vm12, $0x3F800000, v16  }
0xea: {  	vm12 =	vge.f32 v25, v26;
	vm14 =	vgt.f32 v20, v19;
	v20 =	vsel vm15, $0x3F800000, v16  }
0xeb: {  	vm15 =	vge.f32 v25, v27;
	vm14 =	vmand vm14, vm1;
	vm10 =	vnez.u8 v1  }
0xec: {  	vm1 =	vgt.f32 v22, v2;
	v19 =	vsel vm10, $0x3F800000, v16;
	vm10 =	vgt.f32 v22, v3  }
0xed: {  	vm6 =	vmand vm1, vm10;
	vm10 =	vmand vm12, vm15;
	vm15 =	vge.f32 v25, v28  }
0xee: {  	v1 =	vimm.s32 $0x0;
	vm10 =	vmand vm10, vm15  }
0xef: {  	v31 =	vld [tilespmem:s13+$0x4000];
	v23 =	vsel vm4, $0x3F800000, v16;
	v24 =	vsel vm13, $0x3F800000, v16;
	v1 =	vsel vm10, $0xFFFFFFFF, v1  }
0xf0: {  	vm13 =	vgt.f32 v28, v25;
	vm2 =	vge.f32 v26, v28;
	vm11 =	vge.f32 v2, v22;
	[tilespmem:$0x1FAF0] =	vst v1;
	v1 =	vld [tilespmem:$0x1FAA0]  }
0xf1: {  	vm11 =	vmand vm3, vm11;
	vm3 =	vgt.f32 v4, v3;
	vm0 =	vgt.f32 v4, v2;
	v3 =	vld [tilespmem:s13+$0x2000]  }
0xf2: {  	vm0 =	vmand vm0, vm3;
	vm1 =	vge.f32 v4, v22;
	vm12 =	vgt.f32 v22, v4;
	v4 =	vld [tilespmem:s13+$0x3000]  }
0xf3: {  	v2 =	vld [tilespmem:s13+$0x1000];
	vm3 =	vmand vm0, vm1;
	vm12 =	vmand vm12, vm6;
	vm0 =	vge.f32 v26, v27  }
0xf4: {  	v33 =	vld [tilespmem:s13+$0x1010];
	vm6 =	vgt.f32 v27, v25;
	vm10 =	vgt.f32 v27, v26;
	vm0 =	vmand vm0, vm2  }
0xf5: {  	vm4 =	vmand vm6, vm10;
	vm6 =	vgt.f32 v26, v25;
	vm15 =	vnez.u8 v1;
	v1 =	vld [tilespmem:$0x1FAB0]  }
0xf6: {  	v34 =	vld [tilespmem:s13+$0x2010];
	vm1 =	vge.f32 v27, v28;
	vm2 =	vgt.f32 v28, v27;
	vm6 =	vmand vm0, vm6  }
0xf7: {  	v35 =	vld [tilespmem:s13+$0x3010];
	vm0 =	vgt.f32 v4, v3;
	v22 =	vsel vm15, $0x3F800000, v16;
	vm15 =	vgt.f32 v28, v26  }
0xf8: {  	vm10 =	vmand vm13, vm15;
	vm13 =	vmand vm4, vm1;
	vm15 =	vgt.f32 v4, v2  }
0xf9: {  	vm4 =	vmand vm2, vm10;
	vm2 =	vmand vm15, vm0;
	vm0 =	vge.f32 v4, v31  }
0xfa: {  	vm0 =	vmand vm2, vm0;
	vm10 =	vnez.u8 v1;
	v1 =	vimm.s32 $0x0  }
0xfb: {  	v29 =	vsel vm5, $0x3F800000, v16;
	v1 =	vsel vm0, $0xFFFFFFFF, v1  }
0xfc: {  	v30 =	vsel vm7, $0x3F800000, v16;
	vm5 =	vge.f32 v33, v34;
	vm7 =	vge.f32 v33, v35;
	[tilespmem:$0x1FB00] =	vst v1;
	v1 =	vld [tilespmem:$0x1FAC0]  }
0xfd: {  	v36 =	vld [tilespmem:s13+$0x4010];
	vm5 =	vmand vm5, vm7;
	v27 =	vsel vm8, $0x3F800000, v16;
	vm8 =	vge.f32 v3, v4  }
0xfe: {  	v26 =	vsel vm9, $0x3F800000, v16;
	vm9 =	vge.f32 v2, v4;
	vm1 =	vge.f32 v2, v3  }
0xff: {  	vm1 =	vmand vm1, vm9;
	v25 =	vsel vm10, $0x3F800000, v16;
	vm10 =	vge.f32 v3, v31  }
0x100: {  	vm9 =	vge.f32 v2, v31;
	vm15 =	vgt.f32 v3, v2;
	vm8 =	vmand vm8, vm10  }
0x101: {  	vm9 =	vmand vm1, vm9;
	vm15 =	vmand vm8, vm15;
	vm10 =	vnez.u8 v1  }
0x102: {  	v37 =	vld [tilespmem:s13+$0x3020];
	vm8 =	vge.f32 v34, v35;
	v28 =	vsel vm10, $0x3F800000, v16;
	vm10 =	vge.f32 v34, v36  }
0x103: {  	vm1 =	vgt.f32 v31, v2;
	v2 =	vld [tilespmem:s13+$0x1020];
	vm0 =	vgt.f32 v34, v33;
	vm7 =	vmand vm8, vm10  }
0x104: {  	vm2 =	vgt.f32 v31, v3;
	v3 =	vld [tilespmem:s13+$0x2020];
	v1 =	vimm.s32 $0x0;
	vm0 =	vmand vm7, vm0  }
0x105: {  	vm1 =	vmand vm1, vm2;
	vm2 =	vgt.f32 v31, v4;
	v4 =	vld [tilespmem:s13+$0x4020];
	v1 =	vsel vm0, $0xFFFFFFFF, v1  }
0x106: {  	v32 =	vsel vm14, $0x3F800000, v16;
	[tilespmem:$0x1FB10] =	vst v1;
	v1 =	vld [tilespmem:$0x1FAD0]  }
0x107: {  	vm2 =	vmand vm2, vm1;
	vm1 =	vgt.f32 v36, v33;
	vm8 =	vge.f32 v33, v36  }
0x108: {  	vm10 =	vmand vm5, vm8;
	vm5 =	vgt.f32 v35, v34;
	vm8 =	vge.f32 v2, v37  }
0x109: {  	vm0 =	vgt.f32 v35, v33;
	v33 =	vsel vm11, $0x3F800000, v16;
	vm11 =	vge.f32 v2, v3  }
0x10a: {  	vm14 =	vge.f32 v2, v4;
	vm0 =	vmand vm0, vm5;
	vm5 =	vmand vm11, vm8  }
0x10b: {  	vm5 =	vmand vm5, vm14;
	vm7 =	vnez.u8 v1;
	v1 =	vimm.s32 $0x0  }
0x10c: {  	vm11 =	vgt.f32 v36, v35;
	v1 =	vsel vm5, $0xFFFFFFFF, v1  }
0x10d: {  	vm14 =	vgt.f32 v4, v3;
	v31 =	vsel vm7, $0x3F800000, v16;
	vm7 =	vgt.f32 v36, v34;
	[tilespmem:$0x1FB20] =	vst v1;
	v1 =	vld [tilespmem:$0x1FAE0]  }
0x10e: {  	vm5 =	vgt.f32 v37, v2;
	vm1 =	vmand vm1, vm7;
	vm7 =	vge.f32 v35, v36  }
0x10f: {  	v35 =	vsel vm3, $0x3F800000, v16;
	vm3 =	vge.f32 v3, v4;
	v36 =	vsel vm12, $0x3F800000, v16  }
0x110: {  	vm12 =	vgt.f32 v4, v2;
	vm11 =	vmand vm11, vm1;
	vm1 =	vge.f32 v3, v37  }
0x111: {  	vm8 =	vmand vm0, vm7;
	vm1 =	vmand vm1, vm3;
	vm3 =	vgt.f32 v3, v2  }
0x112: {  	v41 =	vld [tilespmem:s13+$0x1030];
	vm0 =	vmand vm1, vm3;
	vm7 =	vnez.u8 v1;
	v1 =	vimm.s32 $0x0  }
0x113: {  	v42 =	vld [tilespmem:s13+$0x2030];
	v34 =	vsel vm7, $0x3F800000, v16;
	vm7 =	vgt.f32 v37, v3;
	v1 =	vsel vm0, $0xFFFFFFFF, v1  }
0x114: {  	v43 =	vld [tilespmem:s13+$0x3030];
	vm5 =	vmand vm5, vm7;
	vm7 =	vmand vm12, vm14;
	vm14 =	vgt.f32 v4, v37  }
0x115: {  	v44 =	vld [tilespmem:s13+$0x4030];
	[tilespmem:$0x1FB30] =	vst v1;
	v1 =	vimm.s32 $0x0;
	vm14 =	vmand vm14, vm7  }
0x116: {  	v1 =	vsel vm14, $0xFFFFFFFF, v1  }
0x117: {  	[tilespmem:$0x1FB40] =	vst v1;
	v1 =	vld [tilespmem:$0x1FAF0]  }
0x118: {  	v38 =	vsel vm6, $0x3F800000, v16  }
0x119: {  	v46 =	vld [tilespmem:s13+$0x4040];
	vm6 =	vge.f32 v42, v43;
	v39 =	vsel vm13, $0x3F800000, v16;
	vm13 =	vgt.f32 v42, v41  }
0x11a: {  	v49 =	vld [tilespmem:s13+$0x1050];
	v40 =	vsel vm4, $0x3F800000, v16;
	vm4 =	vgt.f32 v44, v43;
	v45 =	vsel vm10, $0x3F800000, v16  }
0x11b: {  	[tilespmem:$0x1FBE0] =	vst v50;
	v50 =	vld [tilespmem:s13+$0x2050];
	v47 =	vsel vm8, $0x3F800000, v16;
	vm1 =	vge.f32 v41, v42;
	vm12 =	vge.f32 v37, v4  }
0x11c: {  	[tilespmem:$0x1FC20] =	vst v51;
	v51 =	vld [tilespmem:s13+$0x3050];
	vm3 =	vge.f32 v41, v44;
	vm12 =	vmand vm5, vm12;
	vm5 =	vnez.u8 v1  }
0x11d: {  	v3 =	vld [tilespmem:s13+$0x2040];
	vm0 =	vgt.f32 v43, v42;
	v37 =	vsel vm5, $0x3F800000, v16;
	vm5 =	vge.f32 v41, v43  }
0x11e: {  	v4 =	vld [tilespmem:s13+$0x3040];
	vm7 =	vge.f32 v42, v44;
	vm14 =	vgt.f32 v43, v41;
	vm1 =	vmand vm1, vm5  }
0x11f: {  	v2 =	vld [tilespmem:s13+$0x1040];
	vm0 =	vmand vm14, vm0;
	v1 =	vimm.s32 $0x0;
	vm1 =	vmand vm1, vm3  }
0x120: {  	vm5 =	vmand vm6, vm7;
	vm7 =	vge.f32 v43, v44;
	v1 =	vsel vm1, $0xFFFFFFFF, v1  }
0x121: {  	v48 =	vsel vm11, $0x3F800000, v16;
	vm0 =	vmand vm0, vm7;
	[tilespmem:$0x1FB50] =	vst v1;
	v1 =	vimm.s32 $0x0  }
0x122: {  	vm8 =	vgt.f32 v51, v49;
	vm11 =	vgt.f32 v51, v50;
	v1 =	vsel vm0, $0xFFFFFFFF, v1  }
0x123: {  	vm10 =	vgt.f32 v46, v3;
	vm14 =	vge.f32 v3, v4;
	vm6 =	vge.f32 v49, v51;
	[tilespmem:$0x1FB60] =	vst v1;
	v1 =	vld [tilespmem:$0x1FB00]  }
0x124: {  	vm13 =	vmand vm5, vm13;
	vm5 =	vge.f32 v2, v3;
	vm7 =	vge.f32 v2, v4  }
0x125: {  	vm1 =	vgt.f32 v44, v42;
	v42 =	vsel vm15, $0x3F800000, v16;
	vm15 =	vge.f32 v3, v46  }
0x126: {  	vm3 =	vgt.f32 v3, v2;
	vm5 =	vmand vm5, vm7;
	vm14 =	vmand vm14, vm15  }
0x127: {  	[tilespmem:$0x1FC60] =	vst v52;
	v52 =	vld [tilespmem:s13+$0x4050];
	vm0 =	vgt.f32 v44, v41;
	v41 =	vsel vm9, $0x3F800000, v16;
	vm15 =	vmand vm14, vm3  }
0x128: {  	v44 =	vsel vm2, $0x3F800000, v16;
	vm2 =	vgt.f32 v46, v2;
	vm14 =	vnez.u8 v1;
	v1 =	vld [tilespmem:$0x1FB10]  }
0x129: {  	vm0 =	vmand vm0, vm1;
	vm1 =	vge.f32 v2, v46;
	vm2 =	vmand vm2, vm10  }
0x12a: {  	vm10 =	vgt.f32 v46, v4;
	vm7 =	vmand vm4, vm0;
	vm9 =	vmand vm5, vm1  }
0x12b: {  	vm1 =	vgt.f32 v4, v2;
	vm5 =	vgt.f32 v4, v3;
	vm4 =	vge.f32 v49, v50  }
0x12c: {  	v2 =	vld [tilespmem:s13+$0x1060];
	vm0 =	vmand vm4, vm6;
	v43 =	vsel vm14, $0x3F800000, v16;
	vm14 =	vge.f32 v49, v52  }
0x12d: {  	vm6 =	vmand vm10, vm2;
	vm10 =	vmand vm0, vm14;
	vm14 =	vnez.u8 v1;
	v1 =	vld [tilespmem:$0x1FB20]  }
0x12e: {  	v3 =	vld [tilespmem:s13+$0x2060];
	vm1 =	vmand vm1, vm5;
	vm5 =	vge.f32 v4, v46;
	vm2 =	vge.f32 v50, v51  }
0x12f: {  	v4 =	vld [tilespmem:s13+$0x3060];
	vm4 =	vgt.f32 v52, v50;
	vm5 =	vmand vm1, vm5;
	vm1 =	vge.f32 v50, v52  }
0x130: {  	vm1 =	vmand vm2, vm1;
	v46 =	vsel vm14, $0x3F800000, v16;
	vm14 =	vgt.f32 v52, v49  }
0x131: {  	[tilespmem:$0x1FD20] =	vst v55;
	v55 =	vld [tilespmem:s13+$0x4060];
	vm2 =	vmand vm8, vm11;
	vm8 =	vmand vm14, vm4;
	vm14 =	vgt.f32 v52, v51  }
0x132: {  	vm11 =	vge.f32 v51, v52;
	vm14 =	vmand vm14, vm8;
	vm8 =	vnez.u8 v1;
	v1 =	vld [tilespmem:$0x1FB30]  }
0x133: {  	v5 =	vimm.s32 $0x0;
	vm11 =	vmand vm2, vm11  }
0x134: {  	vm3 =	vge.f32 v2, v3;
	vm2 =	vge.f32 v2, v4;
	vm0 =	vgt.f32 v4, v3  }
0x135: {  	vm2 =	vmand vm3, vm2;
	vm4 =	vgt.f32 v50, v49;
	v51 =	vsel vm12, $0x3F800000, v16  }
0x136: {  	vm12 =	vge.f32 v3, v55;
	vm4 =	vmand vm1, vm4;
	vm1 =	vgt.f32 v4, v2  }
0x137: {  	vm0 =	vmand vm1, vm0;
	v49 =	vsel vm8, $0x3F800000, v16;
	vm8 =	vnez.u8 v1  }
0x138: {  	vm1 =	vge.f32 v2, v55;
	v50 =	vsel vm8, $0x3F800000, v16;
	vm8 =	vge.f32 v3, v4  }
0x139: {  	vm3 =	vmand vm8, vm12;
	vm8 =	vgt.f32 v3, v2;
	vm12 =	vge.f32 v4, v55  }
0x13a: {  	vm1 =	vmand vm2, vm1;
	vm2 =	vmand vm3, vm8;
	vm0 =	vmand vm0, vm12  }
0x13b: {  	vm8 =	vgt.f32 v55, v2;
	v2 =	vimm.s32 $0x0;
	v5 =	vsel vm0, $0xFFFFFFFF, v5  }
0x13c: {  	v2 =	vsel vm8, $0xFFFFFFFF, v2;
	[tilespmem:$0x1FF80] =	vst v5;
	v5 =	vld [tilespmem:$0x1FB40]  }
0x13d: {  	[tilespmem:$0x1FF90] =	vst v2;
	v2 =	vld [tilespmem:$0x1FB50];
	_ =	sdelay $0x1  }
0x13e: {  	v14 =	vld [tilespmem:s13+$0x3070]  }
0x13f: {  	v15 =	vld [tilespmem:s13+$0x4070];
	[tilespmem:$0x1FCA0] =	vst v53  }
0x140: {  	[tilespmem:$0x1FEA0] =	vst v61;
	v61 =	vld [tilespmem:s13+$0x1070];
	vm8 =	vgt.f32 v55, v3;
	vm12 =	vnez.u8 v5  }
0x141: {  	[tilespmem:$0x1FD60] =	vst v56;
	v52 =	vsel vm12, $0x3F800000, v16;
	vm12 =	vnez.u8 v2;
	v2 =	vimm.s32 $0x0  }
0x142: {  	[tilespmem:$0x1FDA0] =	vst v57;
	v1 =	vmov v0;
	v0 =	vld [tilespmem:s13+$0x2070];
	v2 =	vsel vm8, $0xFFFFFFFF, v2  }
0x143: {  	v53 =	vsel vm12, $0x3F800000, v16;
	vm12 =	vgt.f32 v55, v4;
	[tilespmem:$0x1FFA0] =	vst v2;
	v2 =	vimm.s32 $0x0  }
0x144: {  	[tilespmem:$0x1FE20] =	vst v59;
	v56 =	vsel vm7, $0x3F800000, v16;
	v2 =	vsel vm12, $0xFFFFFFFF, v2  }
0x145: {  	v57 =	vsel vm9, $0x3F800000, v16;
	vm9 =	vge.f32 v61, v15;
	vm7 =	vgt.f32 v14, v61;
	[tilespmem:$0x1FFB0] =	vst v2;
	v2 =	vld [tilespmem:$0x1FB60]  }
0x146: {  	[tilespmem:$0x1FE60] =	vst v60;
	v60 =	vsel vm6, $0x3F800000, v16;
	vm6 =	vgt.f32 v15, v61;
	v59 =	vsel vm5, $0x3F800000, v16  }
0x147: {  	v6 =	vsel vm14, $0x3F800000, v16;
	vm3 =	vge.f32 v61, v0;
	vm0 =	vgt.f32 v0, v61  }
0x148: {  	vm5 =	vge.f32 v0, v15;
	vm14 =	vgt.f32 v15, v0;
	vm8 =	vge.f32 v61, v14  }
0x149: {  	v61 =	vsel vm10, $0x3F800000, v16;
	vm10 =	vge.f32 v0, v14;
	vm12 =	vgt.f32 v14, v0;
	v0 =	vld [tilespmem:$0x1FB70]  }
0x14a: {  	[tilespmem:$0x1FCE0] =	vst v54;
	v54 =	vsel vm13, $0x3F800000, v16;
	vm13 =	vnez.u8 v2;
	v2 =	vld [tilespmem:$0x1FB80];
	_ =	sdelay $0x3  }
0x14b: {  	v3 =	vld [tilespmem:$0x1FBA0]  }
0x14c: {  	v0 =	vmax.f32 v0, v2;
	v2 =	vld [tilespmem:$0x1FB90];
	_ =	sdelay $0x4  }
0x14d: {  	v11 =	vmax.f32 v2, v3;
	v2 =	vld [tilespmem:$0x1FBB0]  }
0x14e: {  	v3 =	vld [tilespmem:$0x1FBC0];
	_ =	sdelay $0x3  }
0x14f: {  	[tilespmem:$0x1FDE0] =	vst v58;
	v58 =	vsel vm15, $0x3F800000, v16;
	vm15 =	vgt.f32 v15, v14  }
0x150: {  	v55 =	vsel vm13, $0x3F800000, v16;
	vm13 =	vge.f32 v14, v15;
	v15 =	vmax.f32 v2, v3;
	v2 =	vld [tilespmem:$0x1FBD0];
	_ =	sdelay $0x4  }
0x151: {  	v1 =	vmax.f32 v1, v2;
	v2 =	vld [tilespmem:$0x1FBE0];
	_ =	sdelay $0x4  }
0x152: {  	v0 =	vmax.f32 v0, v2;
	v2 =	vld [tilespmem:$0x1FBF0];
	_ =	sdelay $0x4  }
0x153: {  	v14 =	vmax.f32 v11, v2;
	v2 =	vld [tilespmem:$0x1FC00];
	_ =	sdelay $0x4  }
0x154: {  	v15 =	vmax.f32 v15, v2;
	v2 =	vld [tilespmem:$0x1FC10];
	_ =	sdelay $0x4  }
0x155: {  	v1 =	vmax.f32 v1, v2;
	v2 =	vld [tilespmem:$0x1FC20];
	_ =	sdelay $0x4  }
0x156: {  	v0 =	vmax.f32 v0, v2;
	v2 =	vld [tilespmem:$0x1FC30];
	_ =	sdelay $0x4  }
0x157: {  	v14 =	vmax.f32 v14, v2;
	v2 =	vld [tilespmem:$0x1FC40];
	_ =	sdelay $0x4  }
0x158: {  	v15 =	vmax.f32 v15, v2;
	v2 =	vld [tilespmem:$0x1FC50];
	_ =	sdelay $0x4  }
0x159: {  	v1 =	vmax.f32 v1, v2;
	v2 =	vld [tilespmem:$0x1FC60];
	_ =	sdelay $0x4  }
0x15a: {  	v0 =	vmax.f32 v0, v2;
	v2 =	vld [tilespmem:$0x1FC70];
	_ =	sdelay $0x4  }
0x15b: {  	v14 =	vmax.f32 v14, v2;
	v2 =	vld [tilespmem:$0x1FC80];
	_ =	sdelay $0x4  }
0x15c: {  	v15 =	vmax.f32 v15, v2;
	v2 =	vld [tilespmem:$0x1FC90];
	_ =	sdelay $0x4  }
0x15d: {  	v1 =	vmax.f32 v1, v2;
	v2 =	vld [tilespmem:$0x1FCA0];
	_ =	sdelay $0x4  }
0x15e: {  	v0 =	vmax.f32 v0, v2;
	v2 =	vld [tilespmem:$0x1FCB0];
	_ =	sdelay $0x4  }
0x15f: {  	v14 =	vmax.f32 v14, v2;
	v2 =	vld [tilespmem:$0x1FCC0];
	_ =	sdelay $0x4  }
0x160: {  	v15 =	vmax.f32 v15, v2;
	v2 =	vld [tilespmem:$0x1FCD0];
	_ =	sdelay $0x4  }
0x161: {  	v1 =	vmax.f32 v1, v2;
	v2 =	vld [tilespmem:$0x1FCE0];
	_ =	sdelay $0x4  }
0x162: {  	v0 =	vmax.f32 v0, v2;
	v2 =	vld [tilespmem:$0x1FCF0];
	_ =	sdelay $0x4  }
0x163: {  	v14 =	vmax.f32 v14, v2;
	v2 =	vld [tilespmem:$0x1FD00];
	_ =	sdelay $0x4  }
0x164: {  	v15 =	vmax.f32 v15, v2;
	v2 =	vld [tilespmem:$0x1FD10];
	_ =	sdelay $0x4  }
0x165: {  	v1 =	vmax.f32 v1, v2;
	v2 =	vld [tilespmem:$0x1FD20];
	_ =	sdelay $0x4  }
0x166: {  	v0 =	vmax.f32 v0, v2;
	v2 =	vld [tilespmem:$0x1FD30];
	_ =	sdelay $0x4  }
0x167: {  	v14 =	vmax.f32 v14, v2;
	v2 =	vld [tilespmem:$0x1FD40];
	_ =	sdelay $0x4  }
0x168: {  	v15 =	vmax.f32 v15, v2;
	v2 =	vld [tilespmem:$0x1FD50];
	_ =	sdelay $0x4  }
0x169: {  	v1 =	vmax.f32 v1, v2;
	v2 =	vld [tilespmem:$0x1FD60];
	_ =	sdelay $0x4  }
0x16a: {  	v0 =	vmax.f32 v0, v2;
	v2 =	vld [tilespmem:$0x1FD70];
	_ =	sdelay $0x4  }
0x16b: {  	v14 =	vmax.f32 v14, v2;
	v2 =	vld [tilespmem:$0x1FD80];
	_ =	sdelay $0x4  }
0x16c: {  	v15 =	vmax.f32 v15, v2;
	v2 =	vld [tilespmem:$0x1FD90];
	_ =	sdelay $0x4  }
0x16d: {  	v1 =	vmax.f32 v1, v2;
	v2 =	vld [tilespmem:$0x1FDA0];
	_ =	sdelay $0x4  }
0x16e: {  	v0 =	vmax.f32 v0, v2;
	v2 =	vld [tilespmem:$0x1FDB0];
	_ =	sdelay $0x4  }
0x16f: {  	v14 =	vmax.f32 v14, v2;
	v2 =	vld [tilespmem:$0x1FDC0];
	_ =	sdelay $0x4  }
0x170: {  	v15 =	vmax.f32 v15, v2;
	v2 =	vld [tilespmem:$0x1FDD0];
	_ =	sdelay $0x4  }
0x171: {  	v1 =	vmax.f32 v1, v2;
	v2 =	vld [tilespmem:$0x1FDE0];
	_ =	sdelay $0x4  }
0x172: {  	v0 =	vmax.f32 v0, v2;
	v2 =	vld [tilespmem:$0x1FDF0];
	_ =	sdelay $0x4  }
0x173: {  	v14 =	vmax.f32 v14, v2;
	v2 =	vld [tilespmem:$0x1FE00];
	_ =	sdelay $0x4  }
0x174: {  	v15 =	vmax.f32 v15, v2;
	v2 =	vld [tilespmem:$0x1FE10];
	_ =	sdelay $0x4  }
0x175: {  	v1 =	vmax.f32 v1, v2;
	v2 =	vld [tilespmem:$0x1FE20];
	_ =	sdelay $0x4  }
0x176: {  	v0 =	vmax.f32 v0, v2;
	v2 =	vld [tilespmem:$0x1FE30];
	_ =	sdelay $0x4  }
0x177: {  	v14 =	vmax.f32 v14, v2;
	v2 =	vld [tilespmem:$0x1FE40];
	_ =	sdelay $0x4  }
0x178: {  	v15 =	vmax.f32 v15, v2;
	v2 =	vld [tilespmem:$0x1FE50];
	_ =	sdelay $0x4  }
0x179: {  	v1 =	vmax.f32 v1, v2;
	v2 =	vld [tilespmem:$0x1FE60];
	_ =	sdelay $0x4  }
0x17a: {  	v0 =	vmax.f32 v0, v2;
	v2 =	vld [tilespmem:$0x1FE70];
	_ =	sdelay $0x4  }
0x17b: {  	v14 =	vmax.f32 v14, v2;
	v2 =	vld [tilespmem:$0x1FE80];
	_ =	sdelay $0x4  }
0x17c: {  	v15 =	vmax.f32 v15, v2;
	v2 =	vld [tilespmem:$0x1FE90];
	_ =	sdelay $0x4  }
0x17d: {  	v1 =	vmax.f32 v1, v2;
	v2 =	vld [tilespmem:$0x1FEA0];
	_ =	sdelay $0x4  }
0x17e: {  	v0 =	vmax.f32 v0, v2;
	v2 =	vld [tilespmem:$0x1FEB0];
	_ =	sdelay $0x4  }
0x17f: {  	v14 =	vmax.f32 v14, v2;
	v2 =	vld [tilespmem:$0x1FEC0];
	_ =	sdelay $0x4  }
0x180: {  	v15 =	vmax.f32 v15, v2;
	v2 =	vld [tilespmem:$0x1FED0];
	_ =	sdelay $0x3  }
0x181: {  	[tilespmem:$0x1FEE0] =	vst v62  }
0x182: {  	v1 =	vmax.f32 v1, v2;
	v2 =	vld [tilespmem:$0x1FEE0];
	_ =	sdelay $0x4  }
0x183: {  	v0 =	vmax.f32 v0, v2;
	v2 =	vld [tilespmem:$0x1FEF0];
	_ =	sdelay $0x4  }
0x184: {  	v14 =	vmax.f32 v14, v2;
	v2 =	vld [tilespmem:$0x1FF00];
	_ =	sdelay $0x4  }
0x185: {  	v15 =	vmax.f32 v15, v2;
	v2 =	vld [tilespmem:$0x1FF10];
	_ =	sdelay $0x4  }
0x186: {  	v1 =	vmax.f32 v1, v2;
	v2 =	vld [tilespmem:$0x1FF20];
	_ =	sdelay $0x4  }
0x187: {  	v0 =	vmax.f32 v0, v2;
	v2 =	vld [tilespmem:$0x1FF30];
	_ =	sdelay $0x4  }
0x188: {  	v14 =	vmax.f32 v14, v2;
	v2 =	vld [tilespmem:$0x1FF40];
	_ =	sdelay $0x4  }
0x189: {  	v15 =	vmax.f32 v15, v2;
	v2 =	vld [tilespmem:$0x1FF50];
	_ =	sdelay $0x4  }
0x18a: {  	v1 =	vmax.f32 v1, v2;
	v2 =	vld [tilespmem:$0x1FF60];
	_ =	sdelay $0x4  }
0x18b: {  	v0 =	vmax.f32 v0, v2;
	v2 =	vld [tilespmem:$0x1FF70];
	_ =	sdelay $0x4  }
0x18c: {  	v14 =	vmax.f32 v14, v2;
	v2 =	vld [tilespmem:$0x1FF80];
	_ =	sdelay $0x3  }
0x18d: {  	v11 =	vld [tilespmem:$0x1FFE0]  }
0x18e: {  	v62 =	vsel vm4, $0x3F800000, v16;
	vm4 =	vnez.u8 v2;
	v2 =	vld [tilespmem:$0x1FF90];
	_ =	sdelay $0x3  }
0x18f: {  	v14 =	vmax.f32 v14, v11;
	v11 =	vld [tilespmem:$0x1FFF0]  }
0x190: {  	v63 =	vsel vm11, $0x3F800000, v16;
	vm11 =	vnez.u8 v2;
	v2 =	vld [tilespmem:$0x1FFA0];
	_ =	sdelay $0x3  }
0x191: {  	v9 =	vmax.f32 v15, v9  }
0x192: {  	v15 =	vsel vm4, $0x3F800000, v16;
	v9 =	vmax.f32 v9, v11;
	vm4 =	vnez.u8 v2;
	v2 =	vld [tilespmem:$0x1FFB0]  }
0x193: {  	v8 =	vmax.f32 v9, v8  }
0x194: {  	v8 =	vmax.f32 v8, v19  }
0x195: {  	v8 =	vmax.f32 v8, v23  }
0x196: {  	v5 =	vsel vm1, $0x3F800000, v16;
	v8 =	vmax.f32 v8, v27  }
0x197: {  	vm1 =	vmand vm11, vm4;
	vm11 =	vmand vm3, vm8;
	vm8 =	vnez.u8 v2;
	v2 =	vld [tilespmem:$0x1FFC0]  }
0x198: {  	v8 =	vmax.f32 v8, v31  }
0x199: {  	v8 =	vmax.f32 v8, v35  }
0x19a: {  	vm10 =	vmand vm10, vm5;
	v8 =	vmax.f32 v8, v39  }
0x19b: {  	v4 =	vsel vm2, $0x3F800000, v16;
	vm0 =	vmand vm10, vm0;
	v8 =	vmax.f32 v8, v43  }
0x19c: {  	v10 =	vmax.f32 v14, v10;
	v8 =	vmax.f32 v8, v47;
	v1 =	vmax.f32 v1, v2;
	v2 =	vld [tilespmem:$0x1FFD0]  }
0x19d: {  	v8 =	vmax.f32 v8, v51;
	vm2 =	vmand vm11, vm9;
	vm11 =	vmand vm7, vm12  }
0x19e: {  	vm12 =	vmand vm6, vm14;
	v8 =	vmax.f32 v8, v55;
	vm14 =	vmand vm11, vm13  }
0x19f: {  	vm15 =	vmand vm15, vm12;
	v8 =	vmax.f32 v8, v59;
	vm1 =	vmand vm8, vm1  }
0x1a0: {  	v8 =	vmax.f32 v8, v63;
	v3 =	vsel vm1, $0x3F800000, v16;
	v1 =	vmax.f32 v1, v12  }
0x1a1: {  	v1 =	vmax.f32 v1, v7;
	v7 =	vmax.f32 v10, v18;
	v0 =	vmax.f32 v0, v2  }
0x1a2: {  	v1 =	vmax.f32 v1, v20;
	v7 =	vmax.f32 v7, v22;
	v0 =	vmax.f32 v0, v13  }
0x1a3: {  	v1 =	vmax.f32 v1, v24;
	v7 =	vmax.f32 v7, v26;
	v0 =	vmax.f32 v0, v17  }
0x1a4: {  	v2 =	vsel vm2, $0x3F800000, v16;
	v1 =	vmax.f32 v1, v28;
	v0 =	vmax.f32 v0, v21  }
0x1a5: {  	v7 =	vmax.f32 v7, v30;
	v1 =	vmax.f32 v1, v32;
	v0 =	vmax.f32 v0, v25  }
0x1a6: {  	v7 =	vmax.f32 v7, v34;
	v1 =	vmax.f32 v1, v36;
	v0 =	vmax.f32 v0, v29  }
0x1a7: {  	v7 =	vmax.f32 v7, v38;
	v1 =	vmax.f32 v1, v40;
	v0 =	vmax.f32 v0, v33  }
0x1a8: {  	v7 =	vmax.f32 v7, v42;
	v1 =	vmax.f32 v1, v44;
	v0 =	vmax.f32 v0, v37  }
0x1a9: {  	v7 =	vmax.f32 v7, v46;
	v1 =	vmax.f32 v1, v48;
	v0 =	vmax.f32 v0, v41  }
0x1aa: {  	v7 =	vmax.f32 v7, v50;
	v1 =	vmax.f32 v1, v52;
	v0 =	vmax.f32 v0, v45  }
0x1ab: {  	v7 =	vmax.f32 v7, v54;
	v1 =	vmax.f32 v1, v56;
	v0 =	vmax.f32 v0, v49  }
0x1ac: {  	p2 =	sne.s32 s12, $0xFFFFFE00;
	v7 =	vmax.f32 v7, v58;
	v1 =	vmax.f32 v1, v60;
	v0 =	vmax.f32 v0, v53  }
.Ltmp0:
0x1ad: {  	v7 =	vmax.f32 v7, v62;
	v1 =	vmax.f32 v1, v6;
	v0 =	vmax.f32 v0, v57;
	(pc) =	sbr.rel @p2 .LBB2_2-.Ltmp0, $4  }
0x1ae: {  	v4 =	vmax.f32 v7, v4;
	v1 =	vmax.f32 v1, v3;
	v0 =	vmax.f32 v0, v61  }
0x1af: {  	v3 =	vsel vm15, $0x3F800000, v16;
	v0 =	vmax.f32 v0, v5;
	v5 =	vmax.f32 v8, v15  }
0x1b0: {  	v6 =	vmax.f32 v0, v2;
	v0 =	vsel vm0, $0x3F800000, v16;
	v2 =	vsel vm14, $0x3F800000, v16  }
0x1b1: {  	s12 =	sadd.s32 $0x200, s12;
	v4 =	vmax.f32 v4, v0;
	v2 =	vmax.f32 v5, v2;
	v0 =	vmax.f32 v1, v3  }
0x1b2: {  	(xrf0) =	vmax.scan.msk.f32 $0xffff, v6  }
0x1b3: {  	(xrf0) =	vmax.scan.msk.f32 $0xffff, v4  }
0x1b4: {  	(xrf0) =	vmax.scan.msk.f32 $0xffff, v2  }
0x1b5: {  	(xrf0) =	vmax.scan.msk.f32 $0xffff, v0;
	_ =	sdelay $0x2  }
0x1b6: {  	v62, _, _ =	vpop (xrf0)  }
0x1b7: {  	v1, _, _ =	vpop (xrf0);
	v0 =	vbroadcast v62, $0xF  }
0x1b8: {  	vm0 =	vmmov $0x1;
	v2, _, _ =	vpop (xrf0);
	v1 =	vbroadcast v1, $0xF  }
0x1b9: {  	vm13 =	vcmask $0x310;
	v0 =	vnsel vm0, $0x0, v0;
	v2 =	vbroadcast v2, $0xF;
	v3, _, _ =	vpop (xrf0)  }
0x1ba: {  	vm14 =	vcmask $0x710;
	v0 =	vsel vm13, v0, v1;
	v63 =	vbroadcast v3, $0xF  }
0x1bb: {  	vm15 =	vcmask $0xB10;
	s11 =	sadd.s32 $0x1, s11;
	v0 =	vsel vm14, v0, v2  }
0x1bc: {  	p2 =	sne.s32 s11, s7;
	v0 =	vsel vm15, v0, v63  }
.Ltmp1:
0x1bd: {  	[tilespmem:$0x4000] =	vst v0;
	(pc) =	sbr.rel @p2 .LBB2_1-.Ltmp1, $4  }
0x1be: {  	[hbm4b:s6+s2] =	stream.linear.scatter [tilespmem:s8], [sflag:$0x1], $0x80, $0x38;
	[tilespmem:$0x4080] =	vst v63  }
0x1bf: {  	_ =	swait.ge [sflag:s3], $0x80  }
0x1c0: {  	[sflag:s3] =	ssyncset.done $0x0  }
0x1c1: {  	[sflag:s3] =	ssyncadd.s32 $0xFFFFFF80  }
0x1c2: {  	_ =	sfence.sel $0x180000  }
0x1c3: {  	[bflag:$0x0] =	sbarrier.arrive $0xFFFF  }
0x1c4: {  	p0 =	sne.s32 s0, $0x0;
	_ =	strace $0x90000047  }
0x1c5: {  	s0 =	sadd.s32 @!p0 $0x100000, s1;
	[bflag:$0x2] =	sbarrier.arrive $0xFFFF  }
0x1c6: {  	[sflag:s0] =	ssyncadd.tile.s32 @!p0 $0x1;
	_ =	shalt  }
.Lfunc_end2:
_tile_overlayer_lowered:
.L_overlay_start_2:
0x1c7: {  	(tag) =	ssettag $0x2  }
0x1c8: {  	s0 =	rddreg [dreg:$0x0];
	s2 =	stileid.u32  }
0x1c9: {  	s1 =	rddreg [dreg:$0x1];
	p0 =	sne.s32 s2, $0x0  }
0x1ca: {  	s3 =	rddreg [dreg:$0x2];
	[bflag:$0x3] =	sbarrier.arrive $0xFFFF;
	s2 =	simm.s32 @!p0 $0x1C02  }
0x1cb: {  	[timem:s3], [sflag:s2] =	dma.local @!p0 [hbm:s0], s1  }
0x1cc: {  	s0 =	simm.s32 @!p0 $0x2  }
0x1cd: {  	_ =	swait.ge @!p0 [sflag:s0], s1  }
0x1ce: {  	s1 =	ssub.s32 @!p0 $0x0, s1;
	[sflag:s0] =	ssyncset.done @!p0 $0x0  }
0x1cf: {  	[sflag:s0] =	ssyncadd.s32 @!p0 s1  }
0x1d0: {  	[bflag:$0x3] =	sbarrier.arrive $0xFFFF  }
0x1d1: {  	_ =	shalt  }

</sc_bundles>
